<compile_context>
chip_gen: v7x
topology: tpu7x:2x2x1
jax: 0.10.2.dev20260603
libtpu: 0.0.44.dev20260713+nightly
codegen_flags: <defaults>
</compile_context>

<pallas_src>
import functools

import jax
import jax.numpy as jnp
from jax import lax
from jax.experimental import pallas as pl
from jax.experimental.pallas import tpu as pltpu
from jax.experimental.pallas import tpu_sc as plsc

_NC = 2
_NS = 16
_K = 128
_BN = 10000


def _mesh():
    return plsc.VectorSubcoreMesh(core_axis_name="c", subcore_axis_name="s")


def _make_deg(nch, n_acc):
    zper = n_acc // _NS
    h0 = -(-nch // _NC)

    @functools.partial(
        pl.kernel,
        out_type=jax.ShapeDtypeStruct((_NC, n_acc), jnp.float32),
        mesh=_mesh(),
        scratch_types=[
            pltpu.VMEM((nch, _K), jnp.int32),
            pltpu.VMEM((_K,), jnp.float32),
            pltpu.VMEM((zper,), jnp.float32),
            pltpu.VMEM_SHARED((n_acc,), jnp.float32),
        ],
    )
    def deg(col_hbm, out_hbm, col_v, ones_v, zero_v, acc_sh):
        cid = lax.axis_index("c")
        sid = lax.axis_index("s")

        def fill(i, _):
            ones_v[pl.ds(i * 16, 16)] = jnp.ones((16,), jnp.float32)
            return 0

        lax.fori_loop(0, _K // 16, fill, 0)

        def fillz(i, _):
            zero_v[pl.ds(i * 16, 16)] = jnp.zeros((16,), jnp.float32)
            return 0

        lax.fori_loop(0, zper // 16, fillz, 0)

        pltpu.sync_copy(zero_v, acc_sh.at[pl.ds(sid * zper, zper)])
        plsc.subcore_barrier()

        pltpu.sync_copy(col_hbm.at[sid], col_v)
        lo = cid * h0
        hi = jnp.minimum(lo + h0, nch)

        def body(j, _):
            pltpu.sync_copy(ones_v, acc_sh.at[col_v.at[j]], add=True)
            return 0

        lax.fori_loop(lo, hi, body, 0)
        plsc.subcore_barrier()
        pltpu.sync_copy(acc_sh.at[pl.ds(sid * zper, zper)],
                        out_hbm.at[cid, pl.ds(sid * zper, zper)])

    return deg


def _make_scatter(n, nch, n_acc, d2):
    zper = n_acc // _NS
    zrows = 4096 // d2
    nb = 4 if d2 >= 64 else 6
    del n

    @functools.partial(
        pl.kernel,
        out_type=jax.ShapeDtypeStruct((_NC, n_acc, d2), jnp.float32),
        mesh=_mesh(),
        compiler_params=pltpu.CompilerParams(use_tc_tiling_on_sc=False),
        scratch_types=(
            [pltpu.VMEM((nch, _K), jnp.int32),
             pltpu.VMEM((nch, _K), jnp.int32)]
            + [pltpu.VMEM((_K, d2), jnp.float32) for _ in range(nb)]
            + [pltpu.VMEM((zrows, d2), jnp.float32),
               pltpu.VMEM_SHARED((n_acc, d2), jnp.float32)]
            + [pltpu.SemaphoreType.DMA for _ in range(nb + 1)]
        ),
    )
    def scat(row_hbm, col_hbm, g_hbm, out_hbm, *scr):
        row_v, col_v = scr[0], scr[1]
        bufs = scr[2:2 + nb]
        zero_v, acc_sh = scr[2 + nb], scr[3 + nb]
        gsems = scr[4 + nb:4 + 2 * nb]
        ss = scr[4 + 2 * nb]
        cid = lax.axis_index("c")
        sid = lax.axis_index("s")
        tbl = g_hbm.at[cid]

        def fillz(r, _):
            for cc in range(d2 // 16):
                zero_v[r, pl.ds(cc * 16, 16)] = jnp.zeros((16,), jnp.float32)
            return 0

        lax.fori_loop(0, zrows, fillz, 0)

        def zcopy(t, _):
            pltpu.sync_copy(
                zero_v, acc_sh.at[pl.ds(sid * zper + t * zrows, zrows)])
            return 0

        lax.fori_loop(0, zper // zrows, zcopy, 0)
        plsc.subcore_barrier()

        pltpu.sync_copy(row_hbm.at[sid], row_v)
        pltpu.sync_copy(col_hbm.at[sid], col_v)

        def gath(j, b):
            pltpu.async_copy(tbl.at[row_v.at[j]], bufs[b], gsems[b])

        def gwait(j, b):
            pltpu.make_async_copy(tbl.at[row_v.at[j]], bufs[b],
                                  gsems[b]).wait()

        def sc_issue(j, b):
            pltpu.async_copy(bufs[b], acc_sh.at[col_v.at[j]], ss, add=True)

        def sc_wait(j, b):
            pltpu.make_async_copy(bufs[b], acc_sh.at[col_v.at[j]],
                                  ss).wait()

        if nch < 2 * nb:
            for j in range(nch):
                gath(j, j % nb)
                gwait(j, j % nb)
                sc_issue(j, j % nb)
                sc_wait(j, j % nb)
        else:
            for j in range(nb - 1):
                gath(j, j)
            gwait(0, 0)
            sc_issue(0, 0)
            gath(nb - 1, nb - 1)
            nin = nch - nb
            u, r = divmod(nin, nb)

            def step(j, i):
                sc_wait(j - 1, (i - 1) % nb)
                gath(j + nb - 1, (i - 1) % nb)
                gwait(j, i)
                sc_issue(j, i)

            def body(t, _):
                j = 1 + nb * t
                for i in range(nb):
                    step(j + i, (1 + i) % nb)
                return 0

            lax.fori_loop(0, u, body, 0)
            jb = 1 + nb * u
            for i in range(r):
                step(jb + i, (jb + i) % nb)
            for j in range(nch - nb + 1, nch):
                sc_wait(j - 1, (j - 1) % nb)
                gwait(j, j % nb)
                sc_issue(j, j % nb)
            sc_wait(nch - 1, (nch - 1) % nb)

        plsc.subcore_barrier()
        pltpu.sync_copy(acc_sh.at[pl.ds(sid * zper, zper)],
                        out_hbm.at[cid, pl.ds(sid * zper, zper)])

    return scat


def _tc_first(x, w1, cnt):
    n, f_in = x.shape
    h = w1.shape[1]
    d2 = h // 2

    def body(x_ref, w_ref, c_ref, o_ref):
        c = c_ref[:, 0] + c_ref[:, 1] + 1.0
        dis = lax.rsqrt(c)
        g = jnp.dot(x_ref[...], w_ref[...], preferred_element_type=jnp.float32)
        g = g * dis[:, None]
        o_ref[0] = g[:, :d2]
        o_ref[1] = g[:, d2:]

    return pl.pallas_call(
        body,
        grid=(n // _BN,),
        in_specs=[
            pl.BlockSpec((_BN, f_in), lambda i: (i, 0)),
            pl.BlockSpec((f_in, h), lambda i: (0, 0)),
            pl.BlockSpec((_BN, 2), lambda i: (i, 0)),
        ],
        out_specs=pl.BlockSpec((2, _BN, d2), lambda i: (0, i, 0)),
        out_shape=jax.ShapeDtypeStruct((2, n, d2), jnp.float32),
    )(x, w1, cnt)


def _tc_mid(p, g1, cnt, w2):
    n = g1.shape[1]
    h = 2 * g1.shape[2]
    c = w2.shape[1]
    d2 = c // 2

    def body(p_ref, g_ref, c_ref, w_ref, o_ref):
        cn = c_ref[:, 0] + c_ref[:, 1] + 1.0
        dis = lax.rsqrt(cn)
        s = jnp.concatenate([p_ref[0] + g_ref[0], p_ref[1] + g_ref[1]],
                            axis=1)
        h1 = jnp.maximum(s * dis[:, None], 0.0)
        g2 = jnp.dot(h1, w_ref[...],
                     preferred_element_type=jnp.float32) * dis[:, None]
        o_ref[0] = g2[:, :d2]
        o_ref[1] = g2[:, d2:]

    return pl.pallas_call(
        body,
        grid=(n // _BN,),
        in_specs=[
            pl.BlockSpec((2, _BN, h // 2), lambda i: (0, i, 0)),
            pl.BlockSpec((2, _BN, h // 2), lambda i: (0, i, 0)),
            pl.BlockSpec((_BN, 2), lambda i: (i, 0)),
            pl.BlockSpec((h, c), lambda i: (0, 0)),
        ],
        out_specs=pl.BlockSpec((2, _BN, d2), lambda i: (0, i, 0)),
        out_shape=jax.ShapeDtypeStruct((2, n, d2), jnp.float32),
    )(p, g1, cnt, w2)


def _tc_last(p, g2, cnt):
    n = g2.shape[1]
    c = 2 * g2.shape[2]

    def body(p_ref, g_ref, c_ref, o_ref):
        cn = c_ref[:, 0] + c_ref[:, 1] + 1.0
        dis = lax.rsqrt(cn)
        s = jnp.concatenate([p_ref[0] + g_ref[0], p_ref[1] + g_ref[1]],
                            axis=1)
        o_ref[...] = jnp.maximum(s * dis[:, None], 0.0)

    return pl.pallas_call(
        body,
        grid=(n // _BN,),
        in_specs=[
            pl.BlockSpec((2, _BN, c // 2), lambda i: (0, i, 0)),
            pl.BlockSpec((2, _BN, c // 2), lambda i: (0, i, 0)),
            pl.BlockSpec((_BN, 2), lambda i: (i, 0)),
        ],
        out_specs=pl.BlockSpec((_BN, c), lambda i: (i, 0)),
        out_shape=jax.ShapeDtypeStruct((n, c), jnp.float32),
    )(p, g2, cnt)


def kernel(x, edge_index, W1, W2):
    n, f_in = x.shape
    e = edge_index.shape[1]

    nch = -(-e // (_NS * _K))
    e_pad = _NS * _K * nch
    pad = e_pad - e
    zper = -(-(n + 8) // (_NS * 64)) * 64
    n_acc = zper * _NS

    row = edge_index[0].astype(jnp.int32)
    col = edge_index[1].astype(jnp.int32)
    row3 = jnp.concatenate(
        [row, jnp.zeros((pad,), jnp.int32)]).reshape(_NS, nch, _K)
    col3 = jnp.concatenate(
        [col, jnp.full((pad,), n, jnp.int32)]).reshape(_NS, nch, _K)

    cnt = _make_deg(nch, n_acc)(col3)
    cnt2 = cnt.T

    g1 = _tc_first(x, W1, cnt2)
    p1 = _make_scatter(n, nch, n_acc, g1.shape[2])(row3, col3, g1)
    g2 = _tc_mid(p1, g1, cnt2, W2)
    p2 = _make_scatter(n, nch, n_acc, g2.shape[2])(row3, col3, g2)
    out = _tc_last(p2, g2, cnt2)
    return out

# --- scband reference (transcript-rebuilt; emitter-appended) ---
"""Pipeline reference for scband-gcn-52630529245351 (READ-ONLY COPY).

The authoritative reference and input builder live on the scoring server;
editing this copy changes nothing except your own understanding.
"""

import jax, jax.numpy as jnp
import numpy as np

N = 10000
E = 320000
F_IN = 128
H = 128
C = 64


def gcn_conv(x, edge_index, W):
    # Faithful PyG GCNConv (normalize=True, add_self_loops=True, bias=False)
    n = x.shape[0]
    row = edge_index[0]
    col = edge_index[1]
    loop = jnp.arange(n, dtype=row.dtype)
    row = jnp.concatenate([row, loop])
    col = jnp.concatenate([col, loop])
    # degree computed on destination nodes with unit edge weights
    deg = jnp.zeros((n,), dtype=x.dtype).at[col].add(1.0)
    deg_inv_sqrt = jnp.where(deg > 0, deg ** -0.5, 0.0)
    norm = deg_inv_sqrt[row] * deg_inv_sqrt[col]
    h = x @ W
    msg = h[row] * norm[:, None]
    out = jax.ops.segment_sum(msg, col, num_segments=n)
    return out


def setup_inputs(seed: int = 0) -> dict:
    key = jax.random.key(seed)
    k1, k2, k3, k4 = jax.random.split(key, 4)
    x = jax.random.normal(k1, (N, F_IN), dtype=jnp.float32)
    edge_index = jax.random.randint(k2, (2, E), 0, N, dtype=jnp.int32)
    # glorot-like init for GCNConv linear weights (bias=False)
    W1 = jax.random.normal(k3, (F_IN, H), dtype=jnp.float32) * (2.0 / (F_IN + H)) ** 0.5
    W2 = jax.random.normal(k4, (H, C), dtype=jnp.float32) * (2.0 / (H + C)) ** 0.5
    return {"x": x, "edge_index": edge_index, "W1": W1, "W2": W2}


def reference(x, edge_index, W1, W2):
    # layer 0: dropout(p=0) is identity
    h = gcn_conv(x, edge_index, W1)
    h = jax.nn.relu(h)
    # layer 1 (last): dropout(p=0) identity
    h = gcn_conv(h, edge_index, W2)
    h = jax.nn.relu(h)
    return jnp.squeeze(h)

if __name__ == "__main__":
    import jax
    _d = setup_inputs()
    print(jax.jit(kernel)(*tuple(_d.values())))

</pallas_src>

<mosaic_0001>
#map = affine_map<(d0, d1) -> (0, 0, 0)>
module attributes {stable_mosaic.version = 14 : i64} {
  func.func @scat(%arg0: i32, %arg1: i32, %arg2: memref<16x157x128xi32, #tpu.memory_space<hbm>>, %arg3: memref<16x157x128xi32, #tpu.memory_space<hbm>>, %arg4: memref<2x10000x64xf32, #tpu.memory_space<hbm>>, %arg5: memref<2x10240x64xf32, #tpu.memory_space<hbm>>, %arg6: memref<157x128xi32, #tpu.memory_space<vmem>>, %arg7: memref<157x128xi32, #tpu.memory_space<vmem>>, %arg8: memref<128x64xf32, #tpu.memory_space<vmem>>, %arg9: memref<128x64xf32, #tpu.memory_space<vmem>>, %arg10: memref<128x64xf32, #tpu.memory_space<vmem>>, %arg11: memref<128x64xf32, #tpu.memory_space<vmem>>, %arg12: memref<64x64xf32, #tpu.memory_space<vmem>>, %arg13: memref<10240x64xf32, #tpu.memory_space<vmem_shared>>, %arg14: memref<!tpu.dma_semaphore, #tpu.memory_space<semaphore_mem>>, %arg15: memref<!tpu.dma_semaphore, #tpu.memory_space<semaphore_mem>>, %arg16: memref<!tpu.dma_semaphore, #tpu.memory_space<semaphore_mem>>, %arg17: memref<!tpu.dma_semaphore, #tpu.memory_space<semaphore_mem>>, %arg18: memref<!tpu.dma_semaphore, #tpu.memory_space<semaphore_mem>>) attributes {dimension_semantics = [#tpu.dimension_semantics<core_parallel>, #tpu.dimension_semantics<subcore_parallel>], iteration_bounds = array<i64: 2, 16>, scalar_prefetch = 0 : i64, scratch_operands = 13 : i64, tpu.core_type = #tpu.core_type<sc_vector_subcore>, window_params = [{transform_indices = #map}, {transform_indices = #map}, {transform_indices = #map}, {transform_indices = #map}]} {
    %scan3A = arith.constant 0 : i32
    %scan3A_0 = arith.constant 0 : i32
    %scan3A_1 = arith.constant 64 : i32
    %scan3A_2 = arith.addi %scan3A_0, %scan3A_1 : i32
    %scan3A_3 = arith.constant 1 : i32
    %scan3A_4 = scf.for %scan3A_202 = %scan3A_0 to %scan3A_2 step %scan3A_3 iter_args(%scan3A_203 = %scan3A) -> (i32)  : i32 {
      %broadcast_in_dim3A = arith.constant 0.000000e+00 : f32
      %broadcast_in_dim3A_204 = vector.broadcast %broadcast_in_dim3A : f32 to vector<16xf32>
      %swap3A = arith.index_cast %scan3A_202 : i32 to index
      %swap3A_205 = arith.constant 0 : index
      %swap3A_206 = tpu.vector_load %arg12[%swap3A, %swap3A_205] {strides = array<i32>} : memref<64x64xf32, #tpu.memory_space<vmem>>, vector<1x16xf32>,
      %swap3A_207 = vector.shape_cast %swap3A_206 : vector<1x16xf32> to vector<16xf32>
      %swap3A_208 = vector.shape_cast %broadcast_in_dim3A_204 : vector<16xf32> to vector<1x16xf32>
      tpu.vector_store %arg12[%swap3A, %swap3A_205], %swap3A_208 {strides = array<i32>} : memref<64x64xf32, #tpu.memory_space<vmem>>, vector<1x16xf32>,
      %broadcast_in_dim3A_209 = arith.constant 0.000000e+00 : f32
      %broadcast_in_dim3A_210 = vector.broadcast %broadcast_in_dim3A_209 : f32 to vector<16xf32>
      %swap3A_211 = arith.index_cast %scan3A_202 : i32 to index
      %swap3A_212 = arith.constant 16 : index
      %swap3A_213 = tpu.vector_load %arg12[%swap3A_211, %swap3A_212] {strides = array<i32>} : memref<64x64xf32, #tpu.memory_space<vmem>>, vector<1x16xf32>,
      %swap3A_214 = vector.shape_cast %swap3A_213 : vector<1x16xf32> to vector<16xf32>
      %swap3A_215 = vector.shape_cast %broadcast_in_dim3A_210 : vector<16xf32> to vector<1x16xf32>
      tpu.vector_store %arg12[%swap3A_211, %swap3A_212], %swap3A_215 {strides = array<i32>} : memref<64x64xf32, #tpu.memory_space<vmem>>, vector<1x16xf32>,
      %broadcast_in_dim3A_216 = arith.constant 0.000000e+00 : f32
      %broadcast_in_dim3A_217 = vector.broadcast %broadcast_in_dim3A_216 : f32 to vector<16xf32>
      %swap3A_218 = arith.index_cast %scan3A_202 : i32 to index
      %swap3A_219 = arith.constant 32 : index
      %swap3A_220 = tpu.vector_load %arg12[%swap3A_218, %swap3A_219] {strides = array<i32>} : memref<64x64xf32, #tpu.memory_space<vmem>>, vector<1x16xf32>,
      %swap3A_221 = vector.shape_cast %swap3A_220 : vector<1x16xf32> to vector<16xf32>
      %swap3A_222 = vector.shape_cast %broadcast_in_dim3A_217 : vector<16xf32> to vector<1x16xf32>
      tpu.vector_store %arg12[%swap3A_218, %swap3A_219], %swap3A_222 {strides = array<i32>} : memref<64x64xf32, #tpu.memory_space<vmem>>, vector<1x16xf32>,
      %broadcast_in_dim3A_223 = arith.constant 0.000000e+00 : f32
      %broadcast_in_dim3A_224 = vector.broadcast %broadcast_in_dim3A_223 : f32 to vector<16xf32>
      %swap3A_225 = arith.index_cast %scan3A_202 : i32 to index
      %swap3A_226 = arith.constant 48 : index
      %swap3A_227 = tpu.vector_load %arg12[%swap3A_225, %swap3A_226] {strides = array<i32>} : memref<64x64xf32, #tpu.memory_space<vmem>>, vector<1x16xf32>,
      %swap3A_228 = vector.shape_cast %swap3A_227 : vector<1x16xf32> to vector<16xf32>
      %swap3A_229 = vector.shape_cast %broadcast_in_dim3A_224 : vector<16xf32> to vector<1x16xf32>
      tpu.vector_store %arg12[%swap3A_225, %swap3A_226], %swap3A_229 {strides = array<i32>} : memref<64x64xf32, #tpu.memory_space<vmem>>, vector<1x16xf32>,
      %scan3A_230 = arith.constant 0 : i32
      scf.yield %scan3A_230 : i32
    }
    %scan3A_5 = arith.constant 64 : i32
    %scan3A_6 = arith.constant 0 : i32
    %scan3A_7 = arith.constant 0 : i32
    %scan3A_8 = arith.constant 10 : i32
    %scan3A_9 = arith.addi %scan3A_7, %scan3A_8 : i32
    %scan3A_10 = arith.constant 1 : i32
    %scan3A_11 = scf.for %scan3A_202 = %scan3A_7 to %scan3A_9 step %scan3A_10 iter_args(%scan3A_203 = %scan3A_6) -> (i32)  : i32 {
      %mul3A_204 = arith.constant 640 : i32
      %mul3A_205 = arith.muli %arg1, %mul3A_204 : i32
      %mul3A_206 = arith.constant 64 : i32
      %mul3A_207 = arith.muli %scan3A_202, %mul3A_206 : i32
      %add3A = arith.addi %mul3A_205, %mul3A_207 : i32
      "tpu.region"() ({
        %run_scoped3A = tpu.sem_alloc : memref<!tpu.dma_semaphore, #tpu.memory_space<semaphore_mem>>
        %dma_start3A_209 = arith.constant 0 : i32
        %dma_start3A_210 = tpu.memref_slice %arg13[%add3A, %dma_start3A_209] : memref<10240x64xf32, #tpu.memory_space<vmem_shared>> -> memref<64x64xf32, #tpu.memory_space<vmem_shared>>
        %dma_start3A_211 = arith.constant 0 : i32
        %dma_start3A_212 = tpu.memref_slice %arg13[%add3A, %dma_start3A_211] : memref<10240x64xf32, #tpu.memory_space<vmem_shared>> -> memref<64x64xf32, #tpu.memory_space<vmem_shared>>
        tpu.enqueue_dma source(%arg12 : memref<64x64xf32, #tpu.memory_space<vmem>>) target(%dma_start3A_212 : memref<64x64xf32, #tpu.memory_space<vmem_shared>>) target_semaphore(%run_scoped3A : memref<!tpu.dma_semaphore, #tpu.memory_space<semaphore_mem>>)
        %dma_wait3A_213 = arith.constant 0 : i32
        %dma_wait3A_214 = tpu.memref_slice %arg13[%add3A, %dma_wait3A_213] : memref<10240x64xf32, #tpu.memory_space<vmem_shared>> -> memref<64x64xf32, #tpu.memory_space<vmem_shared>>
        %dma_wait3A_215 = arith.constant 0 : i32
        %dma_wait3A_216 = tpu.memref_slice %arg13[%add3A, %dma_wait3A_215] : memref<10240x64xf32, #tpu.memory_space<vmem_shared>> -> memref<64x64xf32, #tpu.memory_space<vmem_shared>>
        tpu.wait_dma2 semaphore(%run_scoped3A : memref<!tpu.dma_semaphore, #tpu.memory_space<semaphore_mem>>) src(%arg12 : memref<64x64xf32, #tpu.memory_space<vmem>>) dst(%dma_wait3A_216 : memref<64x64xf32, #tpu.memory_space<vmem_shared>>)
        tpu.yield
      }) : () -> ()
      %scan3A_208 = arith.constant 0 : i32
      scf.yield %scan3A_208 : i32
    }
    %scan3A_12 = arith.constant 10 : i32
    %barrier3A = arith.constant 0 : index
    tpu.barrier barrier_id(%barrier3A)
    "tpu.region"() ({
      %run_scoped3A = tpu.sem_alloc : memref<!tpu.dma_semaphore, #tpu.memory_space<semaphore_mem>>
      %dma_start3A_202 = arith.constant 0 : i32
      %dma_start3A_203 = arith.constant 0 : i32
      %dma_start3A_204 = tpu.memref_slice %arg2[%arg1, %dma_start3A_202, %dma_start3A_203] : memref<16x157x128xi32, #tpu.memory_space<hbm>> -> memref<1x157x128xi32, #tpu.memory_space<hbm>>
      %dma_start3A_205 = tpu.memref_squeeze %dma_start3A_204 : memref<1x157x128xi32, #tpu.memory_space<hbm>> -> memref<157x128xi32, #tpu.memory_space<hbm>>
      %dma_start3A_206 = arith.constant 0 : i32
      %dma_start3A_207 = arith.constant 0 : i32
      %dma_start3A_208 = tpu.memref_slice %arg2[%arg1, %dma_start3A_206, %dma_start3A_207] : memref<16x157x128xi32, #tpu.memory_space<hbm>> -> memref<1x157x128xi32, #tpu.memory_space<hbm>>
      %dma_start3A_209 = tpu.memref_squeeze %dma_start3A_208 : memref<1x157x128xi32, #tpu.memory_space<hbm>> -> memref<157x128xi32, #tpu.memory_space<hbm>>
      tpu.enqueue_dma source(%dma_start3A_209 : memref<157x128xi32, #tpu.memory_space<hbm>>) target(%arg6 : memref<157x128xi32, #tpu.memory_space<vmem>>) target_semaphore(%run_scoped3A : memref<!tpu.dma_semaphore, #tpu.memory_space<semaphore_mem>>)
      %dma_wait3A_210 = arith.constant 0 : i32
      %dma_wait3A_211 = arith.constant 0 : i32
      %dma_wait3A_212 = tpu.memref_slice %arg2[%arg1, %dma_wait3A_210, %dma_wait3A_211] : memref<16x157x128xi32, #tpu.memory_space<hbm>> -> memref<1x157x128xi32, #tpu.memory_space<hbm>>
      %dma_wait3A_213 = tpu.memref_squeeze %dma_wait3A_212 : memref<1x157x128xi32, #tpu.memory_space<hbm>> -> memref<157x128xi32, #tpu.memory_space<hbm>>
      %dma_wait3A_214 = arith.constant 0 : i32
      %dma_wait3A_215 = arith.constant 0 : i32
      %dma_wait3A_216 = tpu.memref_slice %arg2[%arg1, %dma_wait3A_214, %dma_wait3A_215] : memref<16x157x128xi32, #tpu.memory_space<hbm>> -> memref<1x157x128xi32, #tpu.memory_space<hbm>>
      %dma_wait3A_217 = tpu.memref_squeeze %dma_wait3A_216 : memref<1x157x128xi32, #tpu.memory_space<hbm>> -> memref<157x128xi32, #tpu.memory_space<hbm>>
      tpu.wait_dma2 semaphore(%run_scoped3A : memref<!tpu.dma_semaphore, #tpu.memory_space<semaphore_mem>>) src(%dma_wait3A_217 : memref<157x128xi32, #tpu.memory_space<hbm>>) dst(%arg6 : memref<157x128xi32, #tpu.memory_space<vmem>>)
      tpu.yield
    }) : () -> ()
    "tpu.region"() ({
      %run_scoped3A = tpu.sem_alloc : memref<!tpu.dma_semaphore, #tpu.memory_space<semaphore_mem>>
      %dma_start3A_202 = arith.constant 0 : i32
      %dma_start3A_203 = arith.constant 0 : i32
      %dma_start3A_204 = tpu.memref_slice %arg3[%arg1, %dma_start3A_202, %dma_start3A_203] : memref<16x157x128xi32, #tpu.memory_space<hbm>> -> memref<1x157x128xi32, #tpu.memory_space<hbm>>
      %dma_start3A_205 = tpu.memref_squeeze %dma_start3A_204 : memref<1x157x128xi32, #tpu.memory_space<hbm>> -> memref<157x128xi32, #tpu.memory_space<hbm>>
      %dma_start3A_206 = arith.constant 0 : i32
      %dma_start3A_207 = arith.constant 0 : i32
      %dma_start3A_208 = tpu.memref_slice %arg3[%arg1, %dma_start3A_206, %dma_start3A_207] : memref<16x157x128xi32, #tpu.memory_space<hbm>> -> memref<1x157x128xi32, #tpu.memory_space<hbm>>
      %dma_start3A_209 = tpu.memref_squeeze %dma_start3A_208 : memref<1x157x128xi32, #tpu.memory_space<hbm>> -> memref<157x128xi32, #tpu.memory_space<hbm>>
      tpu.enqueue_dma source(%dma_start3A_209 : memref<157x128xi32, #tpu.memory_space<hbm>>) target(%arg7 : memref<157x128xi32, #tpu.memory_space<vmem>>) target_semaphore(%run_scoped3A : memref<!tpu.dma_semaphore, #tpu.memory_space<semaphore_mem>>)
      %dma_wait3A_210 = arith.constant 0 : i32
      %dma_wait3A_211 = arith.constant 0 : i32
      %dma_wait3A_212 = tpu.memref_slice %arg3[%arg1, %dma_wait3A_210, %dma_wait3A_211] : memref<16x157x128xi32, #tpu.memory_space<hbm>> -> memref<1x157x128xi32, #tpu.memory_space<hbm>>
      %dma_wait3A_213 = tpu.memref_squeeze %dma_wait3A_212 : memref<1x157x128xi32, #tpu.memory_space<hbm>> -> memref<157x128xi32, #tpu.memory_space<hbm>>
      %dma_wait3A_214 = arith.constant 0 : i32
      %dma_wait3A_215 = arith.constant 0 : i32
      %dma_wait3A_216 = tpu.memref_slice %arg3[%arg1, %dma_wait3A_214, %dma_wait3A_215] : memref<16x157x128xi32, #tpu.memory_space<hbm>> -> memref<1x157x128xi32, #tpu.memory_space<hbm>>
      %dma_wait3A_217 = tpu.memref_squeeze %dma_wait3A_216 : memref<1x157x128xi32, #tpu.memory_space<hbm>> -> memref<157x128xi32, #tpu.memory_space<hbm>>
      tpu.wait_dma2 semaphore(%run_scoped3A : memref<!tpu.dma_semaphore, #tpu.memory_space<semaphore_mem>>) src(%dma_wait3A_217 : memref<157x128xi32, #tpu.memory_space<hbm>>) dst(%arg7 : memref<157x128xi32, #tpu.memory_space<vmem>>)
      tpu.yield
    }) : () -> ()
    %dma_start3A = arith.constant 0 : i32
    %dma_start3A_13 = arith.constant 0 : i32
    %dma_start3A_14 = tpu.memref_slice %arg6[%dma_start3A, %dma_start3A_13] : memref<157x128xi32, #tpu.memory_space<vmem>> -> memref<1x128xi32, #tpu.memory_space<vmem>>
    %dma_start3A_15 = tpu.memref_squeeze %dma_start3A_14 : memref<1x128xi32, #tpu.memory_space<vmem>> -> memref<128xi32, #tpu.memory_space<vmem>>
    %dma_start3A_16 = arith.constant 0 : i32
    %dma_start3A_17 = arith.constant 0 : i32
    %dma_start3A_18 = tpu.memref_slice %arg4[%arg0, %dma_start3A_16, %dma_start3A_17] : memref<2x10000x64xf32, #tpu.memory_space<hbm>> -> memref<1x10000x64xf32, #tpu.memory_space<hbm>>
    %dma_start3A_19 = tpu.memref_squeeze %dma_start3A_18 : memref<1x10000x64xf32, #tpu.memory_space<hbm>> -> memref<10000x64xf32, #tpu.memory_space<hbm>>
    %dma_start3A_20 = arith.constant 0 : i32
    %dma_start3A_21 = arith.constant 0 : i32
    %dma_start3A_22 = tpu.memref_slice %dma_start3A_19[%dma_start3A_20, %dma_start3A_21] : memref<10000x64xf32, #tpu.memory_space<hbm>> -> memref<10000x64xf32, #tpu.memory_space<hbm>>
    tpu.enqueue_indirect_dma source(%dma_start3A_22 : memref<10000x64xf32, #tpu.memory_space<hbm>>) target(%arg8 : memref<128x64xf32, #tpu.memory_space<vmem>>) offsets(%dma_start3A_15 : memref<128xi32, #tpu.memory_space<vmem>>) semaphore(%arg14 : memref<!tpu.dma_semaphore, #tpu.memory_space<semaphore_mem>>)
    %dma_start3A_23 = arith.constant 1 : i32
    %dma_start3A_24 = arith.constant 0 : i32
    %dma_start3A_25 = tpu.memref_slice %arg6[%dma_start3A_23, %dma_start3A_24] : memref<157x128xi32, #tpu.memory_space<vmem>> -> memref<1x128xi32, #tpu.memory_space<vmem>>
    %dma_start3A_26 = tpu.memref_squeeze %dma_start3A_25 : memref<1x128xi32, #tpu.memory_space<vmem>> -> memref<128xi32, #tpu.memory_space<vmem>>
    %dma_start3A_27 = arith.constant 0 : i32
    %dma_start3A_28 = arith.constant 0 : i32
    %dma_start3A_29 = tpu.memref_slice %arg4[%arg0, %dma_start3A_27, %dma_start3A_28] : memref<2x10000x64xf32, #tpu.memory_space<hbm>> -> memref<1x10000x64xf32, #tpu.memory_space<hbm>>
    %dma_start3A_30 = tpu.memref_squeeze %dma_start3A_29 : memref<1x10000x64xf32, #tpu.memory_space<hbm>> -> memref<10000x64xf32, #tpu.memory_space<hbm>>
    %dma_start3A_31 = arith.constant 0 : i32
    %dma_start3A_32 = arith.constant 0 : i32
    %dma_start3A_33 = tpu.memref_slice %dma_start3A_30[%dma_start3A_31, %dma_start3A_32] : memref<10000x64xf32, #tpu.memory_space<hbm>> -> memref<10000x64xf32, #tpu.memory_space<hbm>>
    tpu.enqueue_indirect_dma source(%dma_start3A_33 : memref<10000x64xf32, #tpu.memory_space<hbm>>) target(%arg9 : memref<128x64xf32, #tpu.memory_space<vmem>>) offsets(%dma_start3A_26 : memref<128xi32, #tpu.memory_space<vmem>>) semaphore(%arg15 : memref<!tpu.dma_semaphore, #tpu.memory_space<semaphore_mem>>)
    %dma_start3A_34 = arith.constant 2 : i32
    %dma_start3A_35 = arith.constant 0 : i32
    %dma_start3A_36 = tpu.memref_slice %arg6[%dma_start3A_34, %dma_start3A_35] : memref<157x128xi32, #tpu.memory_space<vmem>> -> memref<1x128xi32, #tpu.memory_space<vmem>>
    %dma_start3A_37 = tpu.memref_squeeze %dma_start3A_36 : memref<1x128xi32, #tpu.memory_space<vmem>> -> memref<128xi32, #tpu.memory_space<vmem>>
    %dma_start3A_38 = arith.constant 0 : i32
    %dma_start3A_39 = arith.constant 0 : i32
    %dma_start3A_40 = tpu.memref_slice %arg4[%arg0, %dma_start3A_38, %dma_start3A_39] : memref<2x10000x64xf32, #tpu.memory_space<hbm>> -> memref<1x10000x64xf32, #tpu.memory_space<hbm>>
    %dma_start3A_41 = tpu.memref_squeeze %dma_start3A_40 : memref<1x10000x64xf32, #tpu.memory_space<hbm>> -> memref<10000x64xf32, #tpu.memory_space<hbm>>
    %dma_start3A_42 = arith.constant 0 : i32
    %dma_start3A_43 = arith.constant 0 : i32
    %dma_start3A_44 = tpu.memref_slice %dma_start3A_41[%dma_start3A_42, %dma_start3A_43] : memref<10000x64xf32, #tpu.memory_space<hbm>> -> memref<10000x64xf32, #tpu.memory_space<hbm>>
    tpu.enqueue_indirect_dma source(%dma_start3A_44 : memref<10000x64xf32, #tpu.memory_space<hbm>>) target(%arg10 : memref<128x64xf32, #tpu.memory_space<vmem>>) offsets(%dma_start3A_37 : memref<128xi32, #tpu.memory_space<vmem>>) semaphore(%arg16 : memref<!tpu.dma_semaphore, #tpu.memory_space<semaphore_mem>>)
    %dma_wait3A = arith.constant 0 : i32
    %dma_wait3A_45 = arith.constant 0 : i32
    %dma_wait3A_46 = tpu.memref_slice %arg6[%dma_wait3A, %dma_wait3A_45] : memref<157x128xi32, #tpu.memory_space<vmem>> -> memref<1x128xi32, #tpu.memory_space<vmem>>
    %dma_wait3A_47 = tpu.memref_squeeze %dma_wait3A_46 : memref<1x128xi32, #tpu.memory_space<vmem>> -> memref<128xi32, #tpu.memory_space<vmem>>
    %dma_wait3A_48 = arith.constant 0 : i32
    %dma_wait3A_49 = arith.constant 0 : i32
    %dma_wait3A_50 = tpu.memref_slice %arg4[%arg0, %dma_wait3A_48, %dma_wait3A_49] : memref<2x10000x64xf32, #tpu.memory_space<hbm>> -> memref<1x10000x64xf32, #tpu.memory_space<hbm>>
    %dma_wait3A_51 = tpu.memref_squeeze %dma_wait3A_50 : memref<1x10000x64xf32, #tpu.memory_space<hbm>> -> memref<10000x64xf32, #tpu.memory_space<hbm>>
    %dma_wait3A_52 = arith.constant 0 : i32
    %dma_wait3A_53 = arith.constant 0 : i32
    %dma_wait3A_54 = tpu.memref_slice %dma_wait3A_51[%dma_wait3A_52, %dma_wait3A_53] : memref<10000x64xf32, #tpu.memory_space<hbm>> -> memref<10000x64xf32, #tpu.memory_space<hbm>>
    tpu.wait_indirect_dma semaphore(%arg14 : memref<!tpu.dma_semaphore, #tpu.memory_space<semaphore_mem>>) src(%dma_wait3A_54 : memref<10000x64xf32, #tpu.memory_space<hbm>>) dst(%arg8 : memref<128x64xf32, #tpu.memory_space<vmem>>)
    %dma_start3A_55 = arith.constant 0 : i32
    %dma_start3A_56 = arith.constant 0 : i32
    %dma_start3A_57 = tpu.memref_slice %arg7[%dma_start3A_55, %dma_start3A_56] : memref<157x128xi32, #tpu.memory_space<vmem>> -> memref<1x128xi32, #tpu.memory_space<vmem>>
    %dma_start3A_58 = tpu.memref_squeeze %dma_start3A_57 : memref<1x128xi32, #tpu.memory_space<vmem>> -> memref<128xi32, #tpu.memory_space<vmem>>
    %dma_start3A_59 = arith.constant 0 : i32
    %dma_start3A_60 = arith.constant 0 : i32
    %dma_start3A_61 = tpu.memref_slice %arg13[%dma_start3A_59, %dma_start3A_60] : memref<10240x64xf32, #tpu.memory_space<vmem_shared>> -> memref<10240x64xf32, #tpu.memory_space<vmem_shared>>
    tpu.enqueue_indirect_dma source(%arg8 : memref<128x64xf32, #tpu.memory_space<vmem>>) target(%dma_start3A_61 : memref<10240x64xf32, #tpu.memory_space<vmem_shared>>) offsets(%dma_start3A_58 : memref<128xi32, #tpu.memory_space<vmem>>) semaphore(%arg18 : memref<!tpu.dma_semaphore, #tpu.memory_space<semaphore_mem>>) {add = true}
    %dma_start3A_62 = arith.constant 3 : i32
    %dma_start3A_63 = arith.constant 0 : i32
    %dma_start3A_64 = tpu.memref_slice %arg6[%dma_start3A_62, %dma_start3A_63] : memref<157x128xi32, #tpu.memory_space<vmem>> -> memref<1x128xi32, #tpu.memory_space<vmem>>
    %dma_start3A_65 = tpu.memref_squeeze %dma_start3A_64 : memref<1x128xi32, #tpu.memory_space<vmem>> -> memref<128xi32, #tpu.memory_space<vmem>>
    %dma_start3A_66 = arith.constant 0 : i32
    %dma_start3A_67 = arith.constant 0 : i32
    %dma_start3A_68 = tpu.memref_slice %arg4[%arg0, %dma_start3A_66, %dma_start3A_67] : memref<2x10000x64xf32, #tpu.memory_space<hbm>> -> memref<1x10000x64xf32, #tpu.memory_space<hbm>>
    %dma_start3A_69 = tpu.memref_squeeze %dma_start3A_68 : memref<1x10000x64xf32, #tpu.memory_space<hbm>> -> memref<10000x64xf32, #tpu.memory_space<hbm>>
    %dma_start3A_70 = arith.constant 0 : i32
    %dma_start3A_71 = arith.constant 0 : i32
    %dma_start3A_72 = tpu.memref_slice %dma_start3A_69[%dma_start3A_70, %dma_start3A_71] : memref<10000x64xf32, #tpu.memory_space<hbm>> -> memref<10000x64xf32, #tpu.memory_space<hbm>>
    tpu.enqueue_indirect_dma source(%dma_start3A_72 : memref<10000x64xf32, #tpu.memory_space<hbm>>) target(%arg11 : memref<128x64xf32, #tpu.memory_space<vmem>>) offsets(%dma_start3A_65 : memref<128xi32, #tpu.memory_space<vmem>>) semaphore(%arg17 : memref<!tpu.dma_semaphore, #tpu.memory_space<semaphore_mem>>)
    %scan3A_73 = arith.constant 0 : i32
    %scan3A_74 = arith.constant 0 : i32
    %scan3A_75 = arith.constant 38 : i32
    %scan3A_76 = arith.addi %scan3A_74, %scan3A_75 : i32
    %scan3A_77 = arith.constant 1 : i32
    %scan3A_78 = scf.for %scan3A_202 = %scan3A_74 to %scan3A_76 step %scan3A_77 iter_args(%scan3A_203 = %scan3A_73) -> (i32)  : i32 {
      %mul3A_204 = arith.constant 4 : i32
      %mul3A_205 = arith.muli %mul3A_204, %scan3A_202 : i32
      %add3A = arith.constant 1 : i32
      %add3A_206 = arith.addi %add3A, %mul3A_205 : i32
      %add3A_207 = arith.constant 0 : i32
      %add3A_208 = arith.addi %add3A_206, %add3A_207 : i32
      %sub3A = arith.constant 1 : i32
      %sub3A_209 = arith.subi %add3A_208, %sub3A : i32
      %dma_wait3A_210 = arith.constant 0 : i32
      %dma_wait3A_211 = tpu.memref_slice %arg7[%sub3A_209, %dma_wait3A_210] : memref<157x128xi32, #tpu.memory_space<vmem>> -> memref<1x128xi32, #tpu.memory_space<vmem>>
      %dma_wait3A_212 = tpu.memref_squeeze %dma_wait3A_211 : memref<1x128xi32, #tpu.memory_space<vmem>> -> memref<128xi32, #tpu.memory_space<vmem>>
      %dma_wait3A_213 = arith.constant 0 : i32
      %dma_wait3A_214 = arith.constant 0 : i32
      %dma_wait3A_215 = tpu.memref_slice %arg13[%dma_wait3A_213, %dma_wait3A_214] : memref<10240x64xf32, #tpu.memory_space<vmem_shared>> -> memref<10240x64xf32, #tpu.memory_space<vmem_shared>>
      tpu.wait_indirect_dma semaphore(%arg18 : memref<!tpu.dma_semaphore, #tpu.memory_space<semaphore_mem>>) src(%arg8 : memref<128x64xf32, #tpu.memory_space<vmem>>) dst(%dma_wait3A_215 : memref<10240x64xf32, #tpu.memory_space<vmem_shared>>)
      %add3A_216 = arith.constant 4 : i32
      %add3A_217 = arith.addi %add3A_208, %add3A_216 : i32
      %sub3A_218 = arith.constant 1 : i32
      %sub3A_219 = arith.subi %add3A_217, %sub3A_218 : i32
      %dma_start3A_220 = arith.constant 0 : i32
      %dma_start3A_221 = tpu.memref_slice %arg6[%sub3A_219, %dma_start3A_220] : memref<157x128xi32, #tpu.memory_space<vmem>> -> memref<1x128xi32, #tpu.memory_space<vmem>>
      %dma_start3A_222 = tpu.memref_squeeze %dma_start3A_221 : memref<1x128xi32, #tpu.memory_space<vmem>> -> memref<128xi32, #tpu.memory_space<vmem>>
      %dma_start3A_223 = arith.constant 0 : i32
      %dma_start3A_224 = arith.constant 0 : i32
      %dma_start3A_225 = tpu.memref_slice %arg4[%arg0, %dma_start3A_223, %dma_start3A_224] : memref<2x10000x64xf32, #tpu.memory_space<hbm>> -> memref<1x10000x64xf32, #tpu.memory_space<hbm>>
      %dma_start3A_226 = tpu.memref_squeeze %dma_start3A_225 : memref<1x10000x64xf32, #tpu.memory_space<hbm>> -> memref<10000x64xf32, #tpu.memory_space<hbm>>
      %dma_start3A_227 = arith.constant 0 : i32
      %dma_start3A_228 = arith.constant 0 : i32
      %dma_start3A_229 = tpu.memref_slice %dma_start3A_226[%dma_start3A_227, %dma_start3A_228] : memref<10000x64xf32, #tpu.memory_space<hbm>> -> memref<10000x64xf32, #tpu.memory_space<hbm>>
      tpu.enqueue_indirect_dma source(%dma_start3A_229 : memref<10000x64xf32, #tpu.memory_space<hbm>>) target(%arg8 : memref<128x64xf32, #tpu.memory_space<vmem>>) offsets(%dma_start3A_222 : memref<128xi32, #tpu.memory_space<vmem>>) semaphore(%arg14 : memref<!tpu.dma_semaphore, #tpu.memory_space<semaphore_mem>>)
      %dma_wait3A_230 = arith.constant 0 : i32
      %dma_wait3A_231 = tpu.memref_slice %arg6[%add3A_208, %dma_wait3A_230] : memref<157x128xi32, #tpu.memory_space<vmem>> -> memref<1x128xi32, #tpu.memory_space<vmem>>
      %dma_wait3A_232 = tpu.memref_squeeze %dma_wait3A_231 : memref<1x128xi32, #tpu.memory_space<vmem>> -> memref<128xi32, #tpu.memory_space<vmem>>
      %dma_wait3A_233 = arith.constant 0 : i32
      %dma_wait3A_234 = arith.constant 0 : i32
      %dma_wait3A_235 = tpu.memref_slice %arg4[%arg0, %dma_wait3A_233, %dma_wait3A_234] : memref<2x10000x64xf32, #tpu.memory_space<hbm>> -> memref<1x10000x64xf32, #tpu.memory_space<hbm>>
      %dma_wait3A_236 = tpu.memref_squeeze %dma_wait3A_235 : memref<1x10000x64xf32, #tpu.memory_space<hbm>> -> memref<10000x64xf32, #tpu.memory_space<hbm>>
      %dma_wait3A_237 = arith.constant 0 : i32
      %dma_wait3A_238 = arith.constant 0 : i32
      %dma_wait3A_239 = tpu.memref_slice %dma_wait3A_236[%dma_wait3A_237, %dma_wait3A_238] : memref<10000x64xf32, #tpu.memory_space<hbm>> -> memref<10000x64xf32, #tpu.memory_space<hbm>>
      tpu.wait_indirect_dma semaphore(%arg15 : memref<!tpu.dma_semaphore, #tpu.memory_space<semaphore_mem>>) src(%dma_wait3A_239 : memref<10000x64xf32, #tpu.memory_space<hbm>>) dst(%arg9 : memref<128x64xf32, #tpu.memory_space<vmem>>)
      %dma_start3A_240 = arith.constant 0 : i32
      %dma_start3A_241 = tpu.memref_slice %arg7[%add3A_208, %dma_start3A_240] : memref<157x128xi32, #tpu.memory_space<vmem>> -> memref<1x128xi32, #tpu.memory_space<vmem>>
      %dma_start3A_242 = tpu.memref_squeeze %dma_start3A_241 : memref<1x128xi32, #tpu.memory_space<vmem>> -> memref<128xi32, #tpu.memory_space<vmem>>
      %dma_start3A_243 = arith.constant 0 : i32
      %dma_start3A_244 = arith.constant 0 : i32
      %dma_start3A_245 = tpu.memref_slice %arg13[%dma_start3A_243, %dma_start3A_244] : memref<10240x64xf32, #tpu.memory_space<vmem_shared>> -> memref<10240x64xf32, #tpu.memory_space<vmem_shared>>
      tpu.enqueue_indirect_dma source(%arg9 : memref<128x64xf32, #tpu.memory_space<vmem>>) target(%dma_start3A_245 : memref<10240x64xf32, #tpu.memory_space<vmem_shared>>) offsets(%dma_start3A_242 : memref<128xi32, #tpu.memory_space<vmem>>) semaphore(%arg18 : memref<!tpu.dma_semaphore, #tpu.memory_space<semaphore_mem>>) {add = true}
      %add3A_246 = arith.constant 1 : i32
      %add3A_247 = arith.addi %add3A_206, %add3A_246 : i32
      %sub3A_248 = arith.constant 1 : i32
      %sub3A_249 = arith.subi %add3A_247, %sub3A_248 : i32
      %dma_wait3A_250 = arith.constant 0 : i32
      %dma_wait3A_251 = tpu.memref_slice %arg7[%sub3A_249, %dma_wait3A_250] : memref<157x128xi32, #tpu.memory_space<vmem>> -> memref<1x128xi32, #tpu.memory_space<vmem>>
      %dma_wait3A_252 = tpu.memref_squeeze %dma_wait3A_251 : memref<1x128xi32, #tpu.memory_space<vmem>> -> memref<128xi32, #tpu.memory_space<vmem>>
      %dma_wait3A_253 = arith.constant 0 : i32
      %dma_wait3A_254 = arith.constant 0 : i32
      %dma_wait3A_255 = tpu.memref_slice %arg13[%dma_wait3A_253, %dma_wait3A_254] : memref<10240x64xf32, #tpu.memory_space<vmem_shared>> -> memref<10240x64xf32, #tpu.memory_space<vmem_shared>>
      tpu.wait_indirect_dma semaphore(%arg18 : memref<!tpu.dma_semaphore, #tpu.memory_space<semaphore_mem>>) src(%arg9 : memref<128x64xf32, #tpu.memory_space<vmem>>) dst(%dma_wait3A_255 : memref<10240x64xf32, #tpu.memory_space<vmem_shared>>)
      %add3A_256 = arith.constant 4 : i32
      %add3A_257 = arith.addi %add3A_247, %add3A_256 : i32
      %sub3A_258 = arith.constant 1 : i32
      %sub3A_259 = arith.subi %add3A_257, %sub3A_258 : i32
      %dma_start3A_260 = arith.constant 0 : i32
      %dma_start3A_261 = tpu.memref_slice %arg6[%sub3A_259, %dma_start3A_260] : memref<157x128xi32, #tpu.memory_space<vmem>> -> memref<1x128xi32, #tpu.memory_space<vmem>>
      %dma_start3A_262 = tpu.memref_squeeze %dma_start3A_261 : memref<1x128xi32, #tpu.memory_space<vmem>> -> memref<128xi32, #tpu.memory_space<vmem>>
      %dma_start3A_263 = arith.constant 0 : i32
      %dma_start3A_264 = arith.constant 0 : i32
      %dma_start3A_265 = tpu.memref_slice %arg4[%arg0, %dma_start3A_263, %dma_start3A_264] : memref<2x10000x64xf32, #tpu.memory_space<hbm>> -> memref<1x10000x64xf32, #tpu.memory_space<hbm>>
      %dma_start3A_266 = tpu.memref_squeeze %dma_start3A_265 : memref<1x10000x64xf32, #tpu.memory_space<hbm>> -> memref<10000x64xf32, #tpu.memory_space<hbm>>
      %dma_start3A_267 = arith.constant 0 : i32
      %dma_start3A_268 = arith.constant 0 : i32
      %dma_start3A_269 = tpu.memref_slice %dma_start3A_266[%dma_start3A_267, %dma_start3A_268] : memref<10000x64xf32, #tpu.memory_space<hbm>> -> memref<10000x64xf32, #tpu.memory_space<hbm>>
      tpu.enqueue_indirect_dma source(%dma_start3A_269 : memref<10000x64xf32, #tpu.memory_space<hbm>>) target(%arg9 : memref<128x64xf32, #tpu.memory_space<vmem>>) offsets(%dma_start3A_262 : memref<128xi32, #tpu.memory_space<vmem>>) semaphore(%arg15 : memref<!tpu.dma_semaphore, #tpu.memory_space<semaphore_mem>>)
      %dma_wait3A_270 = arith.constant 0 : i32
      %dma_wait3A_271 = tpu.memref_slice %arg6[%add3A_247, %dma_wait3A_270] : memref<157x128xi32, #tpu.memory_space<vmem>> -> memref<1x128xi32, #tpu.memory_space<vmem>>
      %dma_wait3A_272 = tpu.memref_squeeze %dma_wait3A_271 : memref<1x128xi32, #tpu.memory_space<vmem>> -> memref<128xi32, #tpu.memory_space<vmem>>
      %dma_wait3A_273 = arith.constant 0 : i32
      %dma_wait3A_274 = arith.constant 0 : i32
      %dma_wait3A_275 = tpu.memref_slice %arg4[%arg0, %dma_wait3A_273, %dma_wait3A_274] : memref<2x10000x64xf32, #tpu.memory_space<hbm>> -> memref<1x10000x64xf32, #tpu.memory_space<hbm>>
      %dma_wait3A_276 = tpu.memref_squeeze %dma_wait3A_275 : memref<1x10000x64xf32, #tpu.memory_space<hbm>> -> memref<10000x64xf32, #tpu.memory_space<hbm>>
      %dma_wait3A_277 = arith.constant 0 : i32
      %dma_wait3A_278 = arith.constant 0 : i32
      %dma_wait3A_279 = tpu.memref_slice %dma_wait3A_276[%dma_wait3A_277, %dma_wait3A_278] : memref<10000x64xf32, #tpu.memory_space<hbm>> -> memref<10000x64xf32, #tpu.memory_space<hbm>>
      tpu.wait_indirect_dma semaphore(%arg16 : memref<!tpu.dma_semaphore, #tpu.memory_space<semaphore_mem>>) src(%dma_wait3A_279 : memref<10000x64xf32, #tpu.memory_space<hbm>>) dst(%arg10 : memref<128x64xf32, #tpu.memory_space<vmem>>)
      %dma_start3A_280 = arith.constant 0 : i32
      %dma_start3A_281 = tpu.memref_slice %arg7[%add3A_247, %dma_start3A_280] : memref<157x128xi32, #tpu.memory_space<vmem>> -> memref<1x128xi32, #tpu.memory_space<vmem>>
      %dma_start3A_282 = tpu.memref_squeeze %dma_start3A_281 : memref<1x128xi32, #tpu.memory_space<vmem>> -> memref<128xi32, #tpu.memory_space<vmem>>
      %dma_start3A_283 = arith.constant 0 : i32
      %dma_start3A_284 = arith.constant 0 : i32
      %dma_start3A_285 = tpu.memref_slice %arg13[%dma_start3A_283, %dma_start3A_284] : memref<10240x64xf32, #tpu.memory_space<vmem_shared>> -> memref<10240x64xf32, #tpu.memory_space<vmem_shared>>
      tpu.enqueue_indirect_dma source(%arg10 : memref<128x64xf32, #tpu.memory_space<vmem>>) target(%dma_start3A_285 : memref<10240x64xf32, #tpu.memory_space<vmem_shared>>) offsets(%dma_start3A_282 : memref<128xi32, #tpu.memory_space<vmem>>) semaphore(%arg18 : memref<!tpu.dma_semaphore, #tpu.memory_space<semaphore_mem>>) {add = true}
      %add3A_286 = arith.constant 2 : i32
      %add3A_287 = arith.addi %add3A_206, %add3A_286 : i32
      %sub3A_288 = arith.constant 1 : i32
      %sub3A_289 = arith.subi %add3A_287, %sub3A_288 : i32
      %dma_wait3A_290 = arith.constant 0 : i32
      %dma_wait3A_291 = tpu.memref_slice %arg7[%sub3A_289, %dma_wait3A_290] : memref<157x128xi32, #tpu.memory_space<vmem>> -> memref<1x128xi32, #tpu.memory_space<vmem>>
      %dma_wait3A_292 = tpu.memref_squeeze %dma_wait3A_291 : memref<1x128xi32, #tpu.memory_space<vmem>> -> memref<128xi32, #tpu.memory_space<vmem>>
      %dma_wait3A_293 = arith.constant 0 : i32
      %dma_wait3A_294 = arith.constant 0 : i32
      %dma_wait3A_295 = tpu.memref_slice %arg13[%dma_wait3A_293, %dma_wait3A_294] : memref<10240x64xf32, #tpu.memory_space<vmem_shared>> -> memref<10240x64xf32, #tpu.memory_space<vmem_shared>>
      tpu.wait_indirect_dma semaphore(%arg18 : memref<!tpu.dma_semaphore, #tpu.memory_space<semaphore_mem>>) src(%arg10 : memref<128x64xf32, #tpu.memory_space<vmem>>) dst(%dma_wait3A_295 : memref<10240x64xf32, #tpu.memory_space<vmem_shared>>)
      %add3A_296 = arith.constant 4 : i32
      %add3A_297 = arith.addi %add3A_287, %add3A_296 : i32
      %sub3A_298 = arith.constant 1 : i32
      %sub3A_299 = arith.subi %add3A_297, %sub3A_298 : i32
      %dma_start3A_300 = arith.constant 0 : i32
      %dma_start3A_301 = tpu.memref_slice %arg6[%sub3A_299, %dma_start3A_300] : memref<157x128xi32, #tpu.memory_space<vmem>> -> memref<1x128xi32, #tpu.memory_space<vmem>>
      %dma_start3A_302 = tpu.memref_squeeze %dma_start3A_301 : memref<1x128xi32, #tpu.memory_space<vmem>> -> memref<128xi32, #tpu.memory_space<vmem>>
      %dma_start3A_303 = arith.constant 0 : i32
      %dma_start3A_304 = arith.constant 0 : i32
      %dma_start3A_305 = tpu.memref_slice %arg4[%arg0, %dma_start3A_303, %dma_start3A_304] : memref<2x10000x64xf32, #tpu.memory_space<hbm>> -> memref<1x10000x64xf32, #tpu.memory_space<hbm>>
      %dma_start3A_306 = tpu.memref_squeeze %dma_start3A_305 : memref<1x10000x64xf32, #tpu.memory_space<hbm>> -> memref<10000x64xf32, #tpu.memory_space<hbm>>
      %dma_start3A_307 = arith.constant 0 : i32
      %dma_start3A_308 = arith.constant 0 : i32
      %dma_start3A_309 = tpu.memref_slice %dma_start3A_306[%dma_start3A_307, %dma_start3A_308] : memref<10000x64xf32, #tpu.memory_space<hbm>> -> memref<10000x64xf32, #tpu.memory_space<hbm>>
      tpu.enqueue_indirect_dma source(%dma_start3A_309 : memref<10000x64xf32, #tpu.memory_space<hbm>>) target(%arg10 : memref<128x64xf32, #tpu.memory_space<vmem>>) offsets(%dma_start3A_302 : memref<128xi32, #tpu.memory_space<vmem>>) semaphore(%arg16 : memref<!tpu.dma_semaphore, #tpu.memory_space<semaphore_mem>>)
      %dma_wait3A_310 = arith.constant 0 : i32
      %dma_wait3A_311 = tpu.memref_slice %arg6[%add3A_287, %dma_wait3A_310] : memref<157x128xi32, #tpu.memory_space<vmem>> -> memref<1x128xi32, #tpu.memory_space<vmem>>
      %dma_wait3A_312 = tpu.memref_squeeze %dma_wait3A_311 : memref<1x128xi32, #tpu.memory_space<vmem>> -> memref<128xi32, #tpu.memory_space<vmem>>
      %dma_wait3A_313 = arith.constant 0 : i32
      %dma_wait3A_314 = arith.constant 0 : i32
      %dma_wait3A_315 = tpu.memref_slice %arg4[%arg0, %dma_wait3A_313, %dma_wait3A_314] : memref<2x10000x64xf32, #tpu.memory_space<hbm>> -> memref<1x10000x64xf32, #tpu.memory_space<hbm>>
      %dma_wait3A_316 = tpu.memref_squeeze %dma_wait3A_315 : memref<1x10000x64xf32, #tpu.memory_space<hbm>> -> memref<10000x64xf32, #tpu.memory_space<hbm>>
      %dma_wait3A_317 = arith.constant 0 : i32
      %dma_wait3A_318 = arith.constant 0 : i32
      %dma_wait3A_319 = tpu.memref_slice %dma_wait3A_316[%dma_wait3A_317, %dma_wait3A_318] : memref<10000x64xf32, #tpu.memory_space<hbm>> -> memref<10000x64xf32, #tpu.memory_space<hbm>>
      tpu.wait_indirect_dma semaphore(%arg17 : memref<!tpu.dma_semaphore, #tpu.memory_space<semaphore_mem>>) src(%dma_wait3A_319 : memref<10000x64xf32, #tpu.memory_space<hbm>>) dst(%arg11 : memref<128x64xf32, #tpu.memory_space<vmem>>)
      %dma_start3A_320 = arith.constant 0 : i32
      %dma_start3A_321 = tpu.memref_slice %arg7[%add3A_287, %dma_start3A_320] : memref<157x128xi32, #tpu.memory_space<vmem>> -> memref<1x128xi32, #tpu.memory_space<vmem>>
      %dma_start3A_322 = tpu.memref_squeeze %dma_start3A_321 : memref<1x128xi32, #tpu.memory_space<vmem>> -> memref<128xi32, #tpu.memory_space<vmem>>
      %dma_start3A_323 = arith.constant 0 : i32
      %dma_start3A_324 = arith.constant 0 : i32
      %dma_start3A_325 = tpu.memref_slice %arg13[%dma_start3A_323, %dma_start3A_324] : memref<10240x64xf32, #tpu.memory_space<vmem_shared>> -> memref<10240x64xf32, #tpu.memory_space<vmem_shared>>
      tpu.enqueue_indirect_dma source(%arg11 : memref<128x64xf32, #tpu.memory_space<vmem>>) target(%dma_start3A_325 : memref<10240x64xf32, #tpu.memory_space<vmem_shared>>) offsets(%dma_start3A_322 : memref<128xi32, #tpu.memory_space<vmem>>) semaphore(%arg18 : memref<!tpu.dma_semaphore, #tpu.memory_space<semaphore_mem>>) {add = true}
      %add3A_326 = arith.constant 3 : i32
      %add3A_327 = arith.addi %add3A_206, %add3A_326 : i32
      %sub3A_328 = arith.constant 1 : i32
      %sub3A_329 = arith.subi %add3A_327, %sub3A_328 : i32
      %dma_wait3A_330 = arith.constant 0 : i32
      %dma_wait3A_331 = tpu.memref_slice %arg7[%sub3A_329, %dma_wait3A_330] : memref<157x128xi32, #tpu.memory_space<vmem>> -> memref<1x128xi32, #tpu.memory_space<vmem>>
      %dma_wait3A_332 = tpu.memref_squeeze %dma_wait3A_331 : memref<1x128xi32, #tpu.memory_space<vmem>> -> memref<128xi32, #tpu.memory_space<vmem>>
      %dma_wait3A_333 = arith.constant 0 : i32
      %dma_wait3A_334 = arith.constant 0 : i32
      %dma_wait3A_335 = tpu.memref_slice %arg13[%dma_wait3A_333, %dma_wait3A_334] : memref<10240x64xf32, #tpu.memory_space<vmem_shared>> -> memref<10240x64xf32, #tpu.memory_space<vmem_shared>>
      tpu.wait_indirect_dma semaphore(%arg18 : memref<!tpu.dma_semaphore, #tpu.memory_space<semaphore_mem>>) src(%arg11 : memref<128x64xf32, #tpu.memory_space<vmem>>) dst(%dma_wait3A_335 : memref<10240x64xf32, #tpu.memory_space<vmem_shared>>)
      %add3A_336 = arith.constant 4 : i32
      %add3A_337 = arith.addi %add3A_327, %add3A_336 : i32
      %sub3A_338 = arith.constant 1 : i32
      %sub3A_339 = arith.subi %add3A_337, %sub3A_338 : i32
      %dma_start3A_340 = arith.constant 0 : i32
      %dma_start3A_341 = tpu.memref_slice %arg6[%sub3A_339, %dma_start3A_340] : memref<157x128xi32, #tpu.memory_space<vmem>> -> memref<1x128xi32, #tpu.memory_space<vmem>>
      %dma_start3A_342 = tpu.memref_squeeze %dma_start3A_341 : memref<1x128xi32, #tpu.memory_space<vmem>> -> memref<128xi32, #tpu.memory_space<vmem>>
      %dma_start3A_343 = arith.constant 0 : i32
      %dma_start3A_344 = arith.constant 0 : i32
      %dma_start3A_345 = tpu.memref_slice %arg4[%arg0, %dma_start3A_343, %dma_start3A_344] : memref<2x10000x64xf32, #tpu.memory_space<hbm>> -> memref<1x10000x64xf32, #tpu.memory_space<hbm>>
      %dma_start3A_346 = tpu.memref_squeeze %dma_start3A_345 : memref<1x10000x64xf32, #tpu.memory_space<hbm>> -> memref<10000x64xf32, #tpu.memory_space<hbm>>
      %dma_start3A_347 = arith.constant 0 : i32
      %dma_start3A_348 = arith.constant 0 : i32
      %dma_start3A_349 = tpu.memref_slice %dma_start3A_346[%dma_start3A_347, %dma_start3A_348] : memref<10000x64xf32, #tpu.memory_space<hbm>> -> memref<10000x64xf32, #tpu.memory_space<hbm>>
      tpu.enqueue_indirect_dma source(%dma_start3A_349 : memref<10000x64xf32, #tpu.memory_space<hbm>>) target(%arg11 : memref<128x64xf32, #tpu.memory_space<vmem>>) offsets(%dma_start3A_342 : memref<128xi32, #tpu.memory_space<vmem>>) semaphore(%arg17 : memref<!tpu.dma_semaphore, #tpu.memory_space<semaphore_mem>>)
      %dma_wait3A_350 = arith.constant 0 : i32
      %dma_wait3A_351 = tpu.memref_slice %arg6[%add3A_327, %dma_wait3A_350] : memref<157x128xi32, #tpu.memory_space<vmem>> -> memref<1x128xi32, #tpu.memory_space<vmem>>
      %dma_wait3A_352 = tpu.memref_squeeze %dma_wait3A_351 : memref<1x128xi32, #tpu.memory_space<vmem>> -> memref<128xi32, #tpu.memory_space<vmem>>
      %dma_wait3A_353 = arith.constant 0 : i32
      %dma_wait3A_354 = arith.constant 0 : i32
      %dma_wait3A_355 = tpu.memref_slice %arg4[%arg0, %dma_wait3A_353, %dma_wait3A_354] : memref<2x10000x64xf32, #tpu.memory_space<hbm>> -> memref<1x10000x64xf32, #tpu.memory_space<hbm>>
      %dma_wait3A_356 = tpu.memref_squeeze %dma_wait3A_355 : memref<1x10000x64xf32, #tpu.memory_space<hbm>> -> memref<10000x64xf32, #tpu.memory_space<hbm>>
      %dma_wait3A_357 = arith.constant 0 : i32
      %dma_wait3A_358 = arith.constant 0 : i32
      %dma_wait3A_359 = tpu.memref_slice %dma_wait3A_356[%dma_wait3A_357, %dma_wait3A_358] : memref<10000x64xf32, #tpu.memory_space<hbm>> -> memref<10000x64xf32, #tpu.memory_space<hbm>>
      tpu.wait_indirect_dma semaphore(%arg14 : memref<!tpu.dma_semaphore, #tpu.memory_space<semaphore_mem>>) src(%dma_wait3A_359 : memref<10000x64xf32, #tpu.memory_space<hbm>>) dst(%arg8 : memref<128x64xf32, #tpu.memory_space<vmem>>)
      %dma_start3A_360 = arith.constant 0 : i32
      %dma_start3A_361 = tpu.memref_slice %arg7[%add3A_327, %dma_start3A_360] : memref<157x128xi32, #tpu.memory_space<vmem>> -> memref<1x128xi32, #tpu.memory_space<vmem>>
      %dma_start3A_362 = tpu.memref_squeeze %dma_start3A_361 : memref<1x128xi32, #tpu.memory_space<vmem>> -> memref<128xi32, #tpu.memory_space<vmem>>
      %dma_start3A_363 = arith.constant 0 : i32
      %dma_start3A_364 = arith.constant 0 : i32
      %dma_start3A_365 = tpu.memref_slice %arg13[%dma_start3A_363, %dma_start3A_364] : memref<10240x64xf32, #tpu.memory_space<vmem_shared>> -> memref<10240x64xf32, #tpu.memory_space<vmem_shared>>
      tpu.enqueue_indirect_dma source(%arg8 : memref<128x64xf32, #tpu.memory_space<vmem>>) target(%dma_start3A_365 : memref<10240x64xf32, #tpu.memory_space<vmem_shared>>) offsets(%dma_start3A_362 : memref<128xi32, #tpu.memory_space<vmem>>) semaphore(%arg18 : memref<!tpu.dma_semaphore, #tpu.memory_space<semaphore_mem>>) {add = true}
      %scan3A_366 = arith.constant 0 : i32
      scf.yield %scan3A_366 : i32
    }
    %scan3A_79 = arith.constant 38 : i32
    %dma_wait3A_80 = arith.constant 152 : i32
    %dma_wait3A_81 = arith.constant 0 : i32
    %dma_wait3A_82 = tpu.memref_slice %arg7[%dma_wait3A_80, %dma_wait3A_81] : memref<157x128xi32, #tpu.memory_space<vmem>> -> memref<1x128xi32, #tpu.memory_space<vmem>>
    %dma_wait3A_83 = tpu.memref_squeeze %dma_wait3A_82 : memref<1x128xi32, #tpu.memory_space<vmem>> -> memref<128xi32, #tpu.memory_space<vmem>>
    %dma_wait3A_84 = arith.constant 0 : i32
    %dma_wait3A_85 = arith.constant 0 : i32
    %dma_wait3A_86 = tpu.memref_slice %arg13[%dma_wait3A_84, %dma_wait3A_85] : memref<10240x64xf32, #tpu.memory_space<vmem_shared>> -> memref<10240x64xf32, #tpu.memory_space<vmem_shared>>
    tpu.wait_indirect_dma semaphore(%arg18 : memref<!tpu.dma_semaphore, #tpu.memory_space<semaphore_mem>>) src(%arg8 : memref<128x64xf32, #tpu.memory_space<vmem>>) dst(%dma_wait3A_86 : memref<10240x64xf32, #tpu.memory_space<vmem_shared>>)
    %dma_start3A_87 = arith.constant 156 : i32
    %dma_start3A_88 = arith.constant 0 : i32
    %dma_start3A_89 = tpu.memref_slice %arg6[%dma_start3A_87, %dma_start3A_88] : memref<157x128xi32, #tpu.memory_space<vmem>> -> memref<1x128xi32, #tpu.memory_space<vmem>>
    %dma_start3A_90 = tpu.memref_squeeze %dma_start3A_89 : memref<1x128xi32, #tpu.memory_space<vmem>> -> memref<128xi32, #tpu.memory_space<vmem>>
    %dma_start3A_91 = arith.constant 0 : i32
    %dma_start3A_92 = arith.constant 0 : i32
    %dma_start3A_93 = tpu.memref_slice %arg4[%arg0, %dma_start3A_91, %dma_start3A_92] : memref<2x10000x64xf32, #tpu.memory_space<hbm>> -> memref<1x10000x64xf32, #tpu.memory_space<hbm>>
    %dma_start3A_94 = tpu.memref_squeeze %dma_start3A_93 : memref<1x10000x64xf32, #tpu.memory_space<hbm>> -> memref<10000x64xf32, #tpu.memory_space<hbm>>
    %dma_start3A_95 = arith.constant 0 : i32
    %dma_start3A_96 = arith.constant 0 : i32
    %dma_start3A_97 = tpu.memref_slice %dma_start3A_94[%dma_start3A_95, %dma_start3A_96] : memref<10000x64xf32, #tpu.memory_space<hbm>> -> memref<10000x64xf32, #tpu.memory_space<hbm>>
    tpu.enqueue_indirect_dma source(%dma_start3A_97 : memref<10000x64xf32, #tpu.memory_space<hbm>>) target(%arg8 : memref<128x64xf32, #tpu.memory_space<vmem>>) offsets(%dma_start3A_90 : memref<128xi32, #tpu.memory_space<vmem>>) semaphore(%arg14 : memref<!tpu.dma_semaphore, #tpu.memory_space<semaphore_mem>>)
    %dma_wait3A_98 = arith.constant 153 : i32
    %dma_wait3A_99 = arith.constant 0 : i32
    %dma_wait3A_100 = tpu.memref_slice %arg6[%dma_wait3A_98, %dma_wait3A_99] : memref<157x128xi32, #tpu.memory_space<vmem>> -> memref<1x128xi32, #tpu.memory_space<vmem>>
    %dma_wait3A_101 = tpu.memref_squeeze %dma_wait3A_100 : memref<1x128xi32, #tpu.memory_space<vmem>> -> memref<128xi32, #tpu.memory_space<vmem>>
    %dma_wait3A_102 = arith.constant 0 : i32
    %dma_wait3A_103 = arith.constant 0 : i32
    %dma_wait3A_104 = tpu.memref_slice %arg4[%arg0, %dma_wait3A_102, %dma_wait3A_103] : memref<2x10000x64xf32, #tpu.memory_space<hbm>> -> memref<1x10000x64xf32, #tpu.memory_space<hbm>>
    %dma_wait3A_105 = tpu.memref_squeeze %dma_wait3A_104 : memref<1x10000x64xf32, #tpu.memory_space<hbm>> -> memref<10000x64xf32, #tpu.memory_space<hbm>>
    %dma_wait3A_106 = arith.constant 0 : i32
    %dma_wait3A_107 = arith.constant 0 : i32
    %dma_wait3A_108 = tpu.memref_slice %dma_wait3A_105[%dma_wait3A_106, %dma_wait3A_107] : memref<10000x64xf32, #tpu.memory_space<hbm>> -> memref<10000x64xf32, #tpu.memory_space<hbm>>
    tpu.wait_indirect_dma semaphore(%arg15 : memref<!tpu.dma_semaphore, #tpu.memory_space<semaphore_mem>>) src(%dma_wait3A_108 : memref<10000x64xf32, #tpu.memory_space<hbm>>) dst(%arg9 : memref<128x64xf32, #tpu.memory_space<vmem>>)
    %dma_start3A_109 = arith.constant 153 : i32
    %dma_start3A_110 = arith.constant 0 : i32
    %dma_start3A_111 = tpu.memref_slice %arg7[%dma_start3A_109, %dma_start3A_110] : memref<157x128xi32, #tpu.memory_space<vmem>> -> memref<1x128xi32, #tpu.memory_space<vmem>>
    %dma_start3A_112 = tpu.memref_squeeze %dma_start3A_111 : memref<1x128xi32, #tpu.memory_space<vmem>> -> memref<128xi32, #tpu.memory_space<vmem>>
    %dma_start3A_113 = arith.constant 0 : i32
    %dma_start3A_114 = arith.constant 0 : i32
    %dma_start3A_115 = tpu.memref_slice %arg13[%dma_start3A_113, %dma_start3A_114] : memref<10240x64xf32, #tpu.memory_space<vmem_shared>> -> memref<10240x64xf32, #tpu.memory_space<vmem_shared>>
    tpu.enqueue_indirect_dma source(%arg9 : memref<128x64xf32, #tpu.memory_space<vmem>>) target(%dma_start3A_115 : memref<10240x64xf32, #tpu.memory_space<vmem_shared>>) offsets(%dma_start3A_112 : memref<128xi32, #tpu.memory_space<vmem>>) semaphore(%arg18 : memref<!tpu.dma_semaphore, #tpu.memory_space<semaphore_mem>>) {add = true}
    %dma_wait3A_116 = arith.constant 153 : i32
    %dma_wait3A_117 = arith.constant 0 : i32
    %dma_wait3A_118 = tpu.memref_slice %arg7[%dma_wait3A_116, %dma_wait3A_117] : memref<157x128xi32, #tpu.memory_space<vmem>> -> memref<1x128xi32, #tpu.memory_space<vmem>>
    %dma_wait3A_119 = tpu.memref_squeeze %dma_wait3A_118 : memref<1x128xi32, #tpu.memory_space<vmem>> -> memref<128xi32, #tpu.memory_space<vmem>>
    %dma_wait3A_120 = arith.constant 0 : i32
    %dma_wait3A_121 = arith.constant 0 : i32
    %dma_wait3A_122 = tpu.memref_slice %arg13[%dma_wait3A_120, %dma_wait3A_121] : memref<10240x64xf32, #tpu.memory_space<vmem_shared>> -> memref<10240x64xf32, #tpu.memory_space<vmem_shared>>
    tpu.wait_indirect_dma semaphore(%arg18 : memref<!tpu.dma_semaphore, #tpu.memory_space<semaphore_mem>>) src(%arg9 : memref<128x64xf32, #tpu.memory_space<vmem>>) dst(%dma_wait3A_122 : memref<10240x64xf32, #tpu.memory_space<vmem_shared>>)
    %dma_wait3A_123 = arith.constant 154 : i32
    %dma_wait3A_124 = arith.constant 0 : i32
    %dma_wait3A_125 = tpu.memref_slice %arg6[%dma_wait3A_123, %dma_wait3A_124] : memref<157x128xi32, #tpu.memory_space<vmem>> -> memref<1x128xi32, #tpu.memory_space<vmem>>
    %dma_wait3A_126 = tpu.memref_squeeze %dma_wait3A_125 : memref<1x128xi32, #tpu.memory_space<vmem>> -> memref<128xi32, #tpu.memory_space<vmem>>
    %dma_wait3A_127 = arith.constant 0 : i32
    %dma_wait3A_128 = arith.constant 0 : i32
    %dma_wait3A_129 = tpu.memref_slice %arg4[%arg0, %dma_wait3A_127, %dma_wait3A_128] : memref<2x10000x64xf32, #tpu.memory_space<hbm>> -> memref<1x10000x64xf32, #tpu.memory_space<hbm>>
    %dma_wait3A_130 = tpu.memref_squeeze %dma_wait3A_129 : memref<1x10000x64xf32, #tpu.memory_space<hbm>> -> memref<10000x64xf32, #tpu.memory_space<hbm>>
    %dma_wait3A_131 = arith.constant 0 : i32
    %dma_wait3A_132 = arith.constant 0 : i32
    %dma_wait3A_133 = tpu.memref_slice %dma_wait3A_130[%dma_wait3A_131, %dma_wait3A_132] : memref<10000x64xf32, #tpu.memory_space<hbm>> -> memref<10000x64xf32, #tpu.memory_space<hbm>>
    tpu.wait_indirect_dma semaphore(%arg16 : memref<!tpu.dma_semaphore, #tpu.memory_space<semaphore_mem>>) src(%dma_wait3A_133 : memref<10000x64xf32, #tpu.memory_space<hbm>>) dst(%arg10 : memref<128x64xf32, #tpu.memory_space<vmem>>)
    %dma_start3A_134 = arith.constant 154 : i32
    %dma_start3A_135 = arith.constant 0 : i32
    %dma_start3A_136 = tpu.memref_slice %arg7[%dma_start3A_134, %dma_start3A_135] : memref<157x128xi32, #tpu.memory_space<vmem>> -> memref<1x128xi32, #tpu.memory_space<vmem>>
    %dma_start3A_137 = tpu.memref_squeeze %dma_start3A_136 : memref<1x128xi32, #tpu.memory_space<vmem>> -> memref<128xi32, #tpu.memory_space<vmem>>
    %dma_start3A_138 = arith.constant 0 : i32
    %dma_start3A_139 = arith.constant 0 : i32
    %dma_start3A_140 = tpu.memref_slice %arg13[%dma_start3A_138, %dma_start3A_139] : memref<10240x64xf32, #tpu.memory_space<vmem_shared>> -> memref<10240x64xf32, #tpu.memory_space<vmem_shared>>
    tpu.enqueue_indirect_dma source(%arg10 : memref<128x64xf32, #tpu.memory_space<vmem>>) target(%dma_start3A_140 : memref<10240x64xf32, #tpu.memory_space<vmem_shared>>) offsets(%dma_start3A_137 : memref<128xi32, #tpu.memory_space<vmem>>) semaphore(%arg18 : memref<!tpu.dma_semaphore, #tpu.memory_space<semaphore_mem>>) {add = true}
    %dma_wait3A_141 = arith.constant 154 : i32
    %dma_wait3A_142 = arith.constant 0 : i32
    %dma_wait3A_143 = tpu.memref_slice %arg7[%dma_wait3A_141, %dma_wait3A_142] : memref<157x128xi32, #tpu.memory_space<vmem>> -> memref<1x128xi32, #tpu.memory_space<vmem>>
    %dma_wait3A_144 = tpu.memref_squeeze %dma_wait3A_143 : memref<1x128xi32, #tpu.memory_space<vmem>> -> memref<128xi32, #tpu.memory_space<vmem>>
    %dma_wait3A_145 = arith.constant 0 : i32
    %dma_wait3A_146 = arith.constant 0 : i32
    %dma_wait3A_147 = tpu.memref_slice %arg13[%dma_wait3A_145, %dma_wait3A_146] : memref<10240x64xf32, #tpu.memory_space<vmem_shared>> -> memref<10240x64xf32, #tpu.memory_space<vmem_shared>>
    tpu.wait_indirect_dma semaphore(%arg18 : memref<!tpu.dma_semaphore, #tpu.memory_space<semaphore_mem>>) src(%arg10 : memref<128x64xf32, #tpu.memory_space<vmem>>) dst(%dma_wait3A_147 : memref<10240x64xf32, #tpu.memory_space<vmem_shared>>)
    %dma_wait3A_148 = arith.constant 155 : i32
    %dma_wait3A_149 = arith.constant 0 : i32
    %dma_wait3A_150 = tpu.memref_slice %arg6[%dma_wait3A_148, %dma_wait3A_149] : memref<157x128xi32, #tpu.memory_space<vmem>> -> memref<1x128xi32, #tpu.memory_space<vmem>>
    %dma_wait3A_151 = tpu.memref_squeeze %dma_wait3A_150 : memref<1x128xi32, #tpu.memory_space<vmem>> -> memref<128xi32, #tpu.memory_space<vmem>>
    %dma_wait3A_152 = arith.constant 0 : i32
    %dma_wait3A_153 = arith.constant 0 : i32
    %dma_wait3A_154 = tpu.memref_slice %arg4[%arg0, %dma_wait3A_152, %dma_wait3A_153] : memref<2x10000x64xf32, #tpu.memory_space<hbm>> -> memref<1x10000x64xf32, #tpu.memory_space<hbm>>
    %dma_wait3A_155 = tpu.memref_squeeze %dma_wait3A_154 : memref<1x10000x64xf32, #tpu.memory_space<hbm>> -> memref<10000x64xf32, #tpu.memory_space<hbm>>
    %dma_wait3A_156 = arith.constant 0 : i32
    %dma_wait3A_157 = arith.constant 0 : i32
    %dma_wait3A_158 = tpu.memref_slice %dma_wait3A_155[%dma_wait3A_156, %dma_wait3A_157] : memref<10000x64xf32, #tpu.memory_space<hbm>> -> memref<10000x64xf32, #tpu.memory_space<hbm>>
    tpu.wait_indirect_dma semaphore(%arg17 : memref<!tpu.dma_semaphore, #tpu.memory_space<semaphore_mem>>) src(%dma_wait3A_158 : memref<10000x64xf32, #tpu.memory_space<hbm>>) dst(%arg11 : memref<128x64xf32, #tpu.memory_space<vmem>>)
    %dma_start3A_159 = arith.constant 155 : i32
    %dma_start3A_160 = arith.constant 0 : i32
    %dma_start3A_161 = tpu.memref_slice %arg7[%dma_start3A_159, %dma_start3A_160] : memref<157x128xi32, #tpu.memory_space<vmem>> -> memref<1x128xi32, #tpu.memory_space<vmem>>
    %dma_start3A_162 = tpu.memref_squeeze %dma_start3A_161 : memref<1x128xi32, #tpu.memory_space<vmem>> -> memref<128xi32, #tpu.memory_space<vmem>>
    %dma_start3A_163 = arith.constant 0 : i32
    %dma_start3A_164 = arith.constant 0 : i32
    %dma_start3A_165 = tpu.memref_slice %arg13[%dma_start3A_163, %dma_start3A_164] : memref<10240x64xf32, #tpu.memory_space<vmem_shared>> -> memref<10240x64xf32, #tpu.memory_space<vmem_shared>>
    tpu.enqueue_indirect_dma source(%arg11 : memref<128x64xf32, #tpu.memory_space<vmem>>) target(%dma_start3A_165 : memref<10240x64xf32, #tpu.memory_space<vmem_shared>>) offsets(%dma_start3A_162 : memref<128xi32, #tpu.memory_space<vmem>>) semaphore(%arg18 : memref<!tpu.dma_semaphore, #tpu.memory_space<semaphore_mem>>) {add = true}
    %dma_wait3A_166 = arith.constant 155 : i32
    %dma_wait3A_167 = arith.constant 0 : i32
    %dma_wait3A_168 = tpu.memref_slice %arg7[%dma_wait3A_166, %dma_wait3A_167] : memref<157x128xi32, #tpu.memory_space<vmem>> -> memref<1x128xi32, #tpu.memory_space<vmem>>
    %dma_wait3A_169 = tpu.memref_squeeze %dma_wait3A_168 : memref<1x128xi32, #tpu.memory_space<vmem>> -> memref<128xi32, #tpu.memory_space<vmem>>
    %dma_wait3A_170 = arith.constant 0 : i32
    %dma_wait3A_171 = arith.constant 0 : i32
    %dma_wait3A_172 = tpu.memref_slice %arg13[%dma_wait3A_170, %dma_wait3A_171] : memref<10240x64xf32, #tpu.memory_space<vmem_shared>> -> memref<10240x64xf32, #tpu.memory_space<vmem_shared>>
    tpu.wait_indirect_dma semaphore(%arg18 : memref<!tpu.dma_semaphore, #tpu.memory_space<semaphore_mem>>) src(%arg11 : memref<128x64xf32, #tpu.memory_space<vmem>>) dst(%dma_wait3A_172 : memref<10240x64xf32, #tpu.memory_space<vmem_shared>>)
    %dma_wait3A_173 = arith.constant 156 : i32
    %dma_wait3A_174 = arith.constant 0 : i32
    %dma_wait3A_175 = tpu.memref_slice %arg6[%dma_wait3A_173, %dma_wait3A_174] : memref<157x128xi32, #tpu.memory_space<vmem>> -> memref<1x128xi32, #tpu.memory_space<vmem>>
    %dma_wait3A_176 = tpu.memref_squeeze %dma_wait3A_175 : memref<1x128xi32, #tpu.memory_space<vmem>> -> memref<128xi32, #tpu.memory_space<vmem>>
    %dma_wait3A_177 = arith.constant 0 : i32
    %dma_wait3A_178 = arith.constant 0 : i32
    %dma_wait3A_179 = tpu.memref_slice %arg4[%arg0, %dma_wait3A_177, %dma_wait3A_178] : memref<2x10000x64xf32, #tpu.memory_space<hbm>> -> memref<1x10000x64xf32, #tpu.memory_space<hbm>>
    %dma_wait3A_180 = tpu.memref_squeeze %dma_wait3A_179 : memref<1x10000x64xf32, #tpu.memory_space<hbm>> -> memref<10000x64xf32, #tpu.memory_space<hbm>>
    %dma_wait3A_181 = arith.constant 0 : i32
    %dma_wait3A_182 = arith.constant 0 : i32
    %dma_wait3A_183 = tpu.memref_slice %dma_wait3A_180[%dma_wait3A_181, %dma_wait3A_182] : memref<10000x64xf32, #tpu.memory_space<hbm>> -> memref<10000x64xf32, #tpu.memory_space<hbm>>
    tpu.wait_indirect_dma semaphore(%arg14 : memref<!tpu.dma_semaphore, #tpu.memory_space<semaphore_mem>>) src(%dma_wait3A_183 : memref<10000x64xf32, #tpu.memory_space<hbm>>) dst(%arg8 : memref<128x64xf32, #tpu.memory_space<vmem>>)
    %dma_start3A_184 = arith.constant 156 : i32
    %dma_start3A_185 = arith.constant 0 : i32
    %dma_start3A_186 = tpu.memref_slice %arg7[%dma_start3A_184, %dma_start3A_185] : memref<157x128xi32, #tpu.memory_space<vmem>> -> memref<1x128xi32, #tpu.memory_space<vmem>>
    %dma_start3A_187 = tpu.memref_squeeze %dma_start3A_186 : memref<1x128xi32, #tpu.memory_space<vmem>> -> memref<128xi32, #tpu.memory_space<vmem>>
    %dma_start3A_188 = arith.constant 0 : i32
    %dma_start3A_189 = arith.constant 0 : i32
    %dma_start3A_190 = tpu.memref_slice %arg13[%dma_start3A_188, %dma_start3A_189] : memref<10240x64xf32, #tpu.memory_space<vmem_shared>> -> memref<10240x64xf32, #tpu.memory_space<vmem_shared>>
    tpu.enqueue_indirect_dma source(%arg8 : memref<128x64xf32, #tpu.memory_space<vmem>>) target(%dma_start3A_190 : memref<10240x64xf32, #tpu.memory_space<vmem_shared>>) offsets(%dma_start3A_187 : memref<128xi32, #tpu.memory_space<vmem>>) semaphore(%arg18 : memref<!tpu.dma_semaphore, #tpu.memory_space<semaphore_mem>>) {add = true}
    %dma_wait3A_191 = arith.constant 156 : i32
    %dma_wait3A_192 = arith.constant 0 : i32
    %dma_wait3A_193 = tpu.memref_slice %arg7[%dma_wait3A_191, %dma_wait3A_192] : memref<157x128xi32, #tpu.memory_space<vmem>> -> memref<1x128xi32, #tpu.memory_space<vmem>>
    %dma_wait3A_194 = tpu.memref_squeeze %dma_wait3A_193 : memref<1x128xi32, #tpu.memory_space<vmem>> -> memref<128xi32, #tpu.memory_space<vmem>>
    %dma_wait3A_195 = arith.constant 0 : i32
    %dma_wait3A_196 = arith.constant 0 : i32
    %dma_wait3A_197 = tpu.memref_slice %arg13[%dma_wait3A_195, %dma_wait3A_196] : memref<10240x64xf32, #tpu.memory_space<vmem_shared>> -> memref<10240x64xf32, #tpu.memory_space<vmem_shared>>
    tpu.wait_indirect_dma semaphore(%arg18 : memref<!tpu.dma_semaphore, #tpu.memory_space<semaphore_mem>>) src(%arg8 : memref<128x64xf32, #tpu.memory_space<vmem>>) dst(%dma_wait3A_197 : memref<10240x64xf32, #tpu.memory_space<vmem_shared>>)
    %barrier3A_198 = arith.constant 0 : index
    tpu.barrier barrier_id(%barrier3A_198)
    %mul3A = arith.constant 640 : i32
    %mul3A_199 = arith.muli %arg1, %mul3A : i32
    %mul3A_200 = arith.constant 640 : i32
    %mul3A_201 = arith.muli %arg1, %mul3A_200 : i32
    "tpu.region"() ({
      %run_scoped3A = tpu.sem_alloc : memref<!tpu.dma_semaphore, #tpu.memory_space<semaphore_mem>>
      %dma_start3A_202 = arith.constant 0 : i32
      %dma_start3A_203 = tpu.memref_slice %arg5[%arg0, %mul3A_201, %dma_start3A_202] : memref<2x10240x64xf32, #tpu.memory_space<hbm>> -> memref<1x640x64xf32, #tpu.memory_space<hbm>>
      %dma_start3A_204 = tpu.memref_squeeze %dma_start3A_203 : memref<1x640x64xf32, #tpu.memory_space<hbm>> -> memref<640x64xf32, #tpu.memory_space<hbm>>
      %dma_start3A_205 = arith.constant 0 : i32
      %dma_start3A_206 = tpu.memref_slice %arg13[%mul3A_199, %dma_start3A_205] : memref<10240x64xf32, #tpu.memory_space<vmem_shared>> -> memref<640x64xf32, #tpu.memory_space<vmem_shared>>
      tpu.enqueue_dma source(%dma_start3A_206 : memref<640x64xf32, #tpu.memory_space<vmem_shared>>) target(%dma_start3A_204 : memref<640x64xf32, #tpu.memory_space<hbm>>) target_semaphore(%run_scoped3A : memref<!tpu.dma_semaphore, #tpu.memory_space<semaphore_mem>>)
      %dma_wait3A_207 = arith.constant 0 : i32
      %dma_wait3A_208 = tpu.memref_slice %arg5[%arg0, %mul3A_201, %dma_wait3A_207] : memref<2x10240x64xf32, #tpu.memory_space<hbm>> -> memref<1x640x64xf32, #tpu.memory_space<hbm>>
      %dma_wait3A_209 = tpu.memref_squeeze %dma_wait3A_208 : memref<1x640x64xf32, #tpu.memory_space<hbm>> -> memref<640x64xf32, #tpu.memory_space<hbm>>
      %dma_wait3A_210 = arith.constant 0 : i32
      %dma_wait3A_211 = tpu.memref_slice %arg13[%mul3A_199, %dma_wait3A_210] : memref<10240x64xf32, #tpu.memory_space<vmem_shared>> -> memref<640x64xf32, #tpu.memory_space<vmem_shared>>
      tpu.wait_dma2 semaphore(%run_scoped3A : memref<!tpu.dma_semaphore, #tpu.memory_space<semaphore_mem>>) src(%dma_wait3A_211 : memref<640x64xf32, #tpu.memory_space<vmem_shared>>) dst(%dma_wait3A_209 : memref<640x64xf32, #tpu.memory_space<hbm>>)
      tpu.yield
    }) : () -> ()
    return
  }
}

#map = affine_map<(d0, d1) -> (0, 0, 0)>
#map1 = affine_map<(d0, d1) -> (0, 0)>
module attributes {stable_mosaic.version = 14 : i64} {
  func.func @deg(%arg0: i32, %arg1: i32, %arg2: memref<16x157x128xi32, #tpu.memory_space<hbm>>, %arg3: memref<2x10240xf32, #tpu.memory_space<hbm>>, %arg4: memref<157x128xi32, #tpu.memory_space<vmem>>, %arg5: memref<128xf32, #tpu.memory_space<vmem>>, %arg6: memref<640xf32, #tpu.memory_space<vmem>>, %arg7: memref<10240xf32, #tpu.memory_space<vmem_shared>>) attributes {dimension_semantics = [#tpu.dimension_semantics<core_parallel>, #tpu.dimension_semantics<subcore_parallel>], iteration_bounds = array<i64: 2, 16>, scalar_prefetch = 0 : i64, scratch_operands = 4 : i64, tpu.core_type = #tpu.core_type<sc_vector_subcore>, window_params = [{transform_indices = #map}, {transform_indices = #map1}]} {
    %scan3A = arith.constant 0 : i32
    %scan3A_0 = arith.constant 0 : i32
    %scan3A_1 = arith.constant 8 : i32
    %scan3A_2 = arith.addi %scan3A_0, %scan3A_1 : i32
    %scan3A_3 = arith.constant 1 : i32
    %scan3A_4 = scf.for %scan3A_33 = %scan3A_0 to %scan3A_2 step %scan3A_3 iter_args(%scan3A_34 = %scan3A) -> (i32)  : i32 {
      %broadcast_in_dim3A = arith.constant 1.000000e+00 : f32
      %broadcast_in_dim3A_35 = vector.broadcast %broadcast_in_dim3A : f32 to vector<16xf32>
      %mul3A_36 = arith.constant 16 : i32
      %mul3A_37 = arith.muli %scan3A_33, %mul3A_36 : i32
      %swap3A = arith.index_cast %mul3A_37 : i32 to index
      %swap3A_38 = tpu.vector_load %arg5[%swap3A] {strides = array<i32>} : memref<128xf32, #tpu.memory_space<vmem>>, vector<16xf32>,
      %swap3A_39 = vector.shape_cast %swap3A_38 : vector<16xf32> to vector<16xf32>
      %swap3A_40 = vector.shape_cast %broadcast_in_dim3A_35 : vector<16xf32> to vector<16xf32>
      tpu.vector_store %arg5[%swap3A], %swap3A_40 {strides = array<i32>} : memref<128xf32, #tpu.memory_space<vmem>>, vector<16xf32>,
      %scan3A_41 = arith.constant 0 : i32
      scf.yield %scan3A_41 : i32
    }
    %scan3A_5 = arith.constant 8 : i32
    %scan3A_6 = arith.constant 0 : i32
    %scan3A_7 = arith.constant 0 : i32
    %scan3A_8 = arith.constant 40 : i32
    %scan3A_9 = arith.addi %scan3A_7, %scan3A_8 : i32
    %scan3A_10 = arith.constant 1 : i32
    %scan3A_11 = scf.for %scan3A_33 = %scan3A_7 to %scan3A_9 step %scan3A_10 iter_args(%scan3A_34 = %scan3A_6) -> (i32)  : i32 {
      %broadcast_in_dim3A = arith.constant 0.000000e+00 : f32
      %broadcast_in_dim3A_35 = vector.broadcast %broadcast_in_dim3A : f32 to vector<16xf32>
      %mul3A_36 = arith.constant 16 : i32
      %mul3A_37 = arith.muli %scan3A_33, %mul3A_36 : i32
      %swap3A = arith.index_cast %mul3A_37 : i32 to index
      %swap3A_38 = tpu.vector_load %arg6[%swap3A] {strides = array<i32>} : memref<640xf32, #tpu.memory_space<vmem>>, vector<16xf32>,
      %swap3A_39 = vector.shape_cast %swap3A_38 : vector<16xf32> to vector<16xf32>
      %swap3A_40 = vector.shape_cast %broadcast_in_dim3A_35 : vector<16xf32> to vector<16xf32>
      tpu.vector_store %arg6[%swap3A], %swap3A_40 {strides = array<i32>} : memref<640xf32, #tpu.memory_space<vmem>>, vector<16xf32>,
      %scan3A_41 = arith.constant 0 : i32
      scf.yield %scan3A_41 : i32
    }
    %scan3A_12 = arith.constant 40 : i32
    %mul3A = arith.constant 640 : i32
    %mul3A_13 = arith.muli %arg1, %mul3A : i32
    "tpu.region"() ({
      %run_scoped3A = tpu.sem_alloc : memref<!tpu.dma_semaphore, #tpu.memory_space<semaphore_mem>>
      %dma_start3A = tpu.memref_slice %arg7[%mul3A_13] : memref<10240xf32, #tpu.memory_space<vmem_shared>> -> memref<640xf32, #tpu.memory_space<vmem_shared>>
      %dma_start3A_33 = tpu.memref_slice %arg7[%mul3A_13] : memref<10240xf32, #tpu.memory_space<vmem_shared>> -> memref<640xf32, #tpu.memory_space<vmem_shared>>
      tpu.enqueue_dma source(%arg6 : memref<640xf32, #tpu.memory_space<vmem>>) target(%dma_start3A_33 : memref<640xf32, #tpu.memory_space<vmem_shared>>) target_semaphore(%run_scoped3A : memref<!tpu.dma_semaphore, #tpu.memory_space<semaphore_mem>>)
      %dma_wait3A = tpu.memref_slice %arg7[%mul3A_13] : memref<10240xf32, #tpu.memory_space<vmem_shared>> -> memref<640xf32, #tpu.memory_space<vmem_shared>>
      %dma_wait3A_34 = tpu.memref_slice %arg7[%mul3A_13] : memref<10240xf32, #tpu.memory_space<vmem_shared>> -> memref<640xf32, #tpu.memory_space<vmem_shared>>
      tpu.wait_dma2 semaphore(%run_scoped3A : memref<!tpu.dma_semaphore, #tpu.memory_space<semaphore_mem>>) src(%arg6 : memref<640xf32, #tpu.memory_space<vmem>>) dst(%dma_wait3A_34 : memref<640xf32, #tpu.memory_space<vmem_shared>>)
      tpu.yield
    }) : () -> ()
    %barrier3A = arith.constant 0 : index
    tpu.barrier barrier_id(%barrier3A)
    "tpu.region"() ({
      %run_scoped3A = tpu.sem_alloc : memref<!tpu.dma_semaphore, #tpu.memory_space<semaphore_mem>>
      %dma_start3A = arith.constant 0 : i32
      %dma_start3A_33 = arith.constant 0 : i32
      %dma_start3A_34 = tpu.memref_slice %arg2[%arg1, %dma_start3A, %dma_start3A_33] : memref<16x157x128xi32, #tpu.memory_space<hbm>> -> memref<1x157x128xi32, #tpu.memory_space<hbm>>
      %dma_start3A_35 = tpu.memref_squeeze %dma_start3A_34 : memref<1x157x128xi32, #tpu.memory_space<hbm>> -> memref<157x128xi32, #tpu.memory_space<hbm>>
      %dma_start3A_36 = arith.constant 0 : i32
      %dma_start3A_37 = arith.constant 0 : i32
      %dma_start3A_38 = tpu.memref_slice %arg2[%arg1, %dma_start3A_36, %dma_start3A_37] : memref<16x157x128xi32, #tpu.memory_space<hbm>> -> memref<1x157x128xi32, #tpu.memory_space<hbm>>
      %dma_start3A_39 = tpu.memref_squeeze %dma_start3A_38 : memref<1x157x128xi32, #tpu.memory_space<hbm>> -> memref<157x128xi32, #tpu.memory_space<hbm>>
      tpu.enqueue_dma source(%dma_start3A_39 : memref<157x128xi32, #tpu.memory_space<hbm>>) target(%arg4 : memref<157x128xi32, #tpu.memory_space<vmem>>) target_semaphore(%run_scoped3A : memref<!tpu.dma_semaphore, #tpu.memory_space<semaphore_mem>>)
      %dma_wait3A = arith.constant 0 : i32
      %dma_wait3A_40 = arith.constant 0 : i32
      %dma_wait3A_41 = tpu.memref_slice %arg2[%arg1, %dma_wait3A, %dma_wait3A_40] : memref<16x157x128xi32, #tpu.memory_space<hbm>> -> memref<1x157x128xi32, #tpu.memory_space<hbm>>
      %dma_wait3A_42 = tpu.memref_squeeze %dma_wait3A_41 : memref<1x157x128xi32, #tpu.memory_space<hbm>> -> memref<157x128xi32, #tpu.memory_space<hbm>>
      %dma_wait3A_43 = arith.constant 0 : i32
      %dma_wait3A_44 = arith.constant 0 : i32
      %dma_wait3A_45 = tpu.memref_slice %arg2[%arg1, %dma_wait3A_43, %dma_wait3A_44] : memref<16x157x128xi32, #tpu.memory_space<hbm>> -> memref<1x157x128xi32, #tpu.memory_space<hbm>>
      %dma_wait3A_46 = tpu.memref_squeeze %dma_wait3A_45 : memref<1x157x128xi32, #tpu.memory_space<hbm>> -> memref<157x128xi32, #tpu.memory_space<hbm>>
      tpu.wait_dma2 semaphore(%run_scoped3A : memref<!tpu.dma_semaphore, #tpu.memory_space<semaphore_mem>>) src(%dma_wait3A_46 : memref<157x128xi32, #tpu.memory_space<hbm>>) dst(%arg4 : memref<157x128xi32, #tpu.memory_space<vmem>>)
      tpu.yield
    }) : () -> ()
    %mul3A_14 = arith.constant 79 : i32
    %mul3A_15 = arith.muli %arg0, %mul3A_14 : i32
    %add3A = arith.constant 79 : i32
    %add3A_16 = arith.addi %mul3A_15, %add3A : i32
    %min3A = arith.constant 157 : i32
    %min3A_17 = arith.minsi %add3A_16, %min3A : i32
    %while3A = arith.constant 0 : i32
    %while3A_18 = arith.subi %min3A_17, %mul3A_15 : i32
    %while3A_19 = arith.addi %mul3A_15, %while3A_18 : i32
    %while3A_20 = arith.constant 1 : i32
    %while3A_21 = arith.divsi %while3A_18, %while3A_20 : i32
    %while3A_22 = arith.muli %while3A_21, %while3A_20 : i32
    %while3A_23 = arith.addi %mul3A_15, %while3A_22 : i32
    %while3A_24 = arith.constant 1 : i32
    %while3A_25 = scf.for %while3A_33 = %mul3A_15 to %while3A_23 step %while3A_24 iter_args(%while3A_34 = %while3A) -> (i32)  : i32 {
      "tpu.region"() ({
        %run_scoped3A = tpu.sem_alloc : memref<!tpu.dma_semaphore, #tpu.memory_space<semaphore_mem>>
        %dma_start3A = arith.constant 0 : i32
        %dma_start3A_36 = tpu.memref_slice %arg4[%while3A_33, %dma_start3A] : memref<157x128xi32, #tpu.memory_space<vmem>> -> memref<1x128xi32, #tpu.memory_space<vmem>>
        %dma_start3A_37 = tpu.memref_squeeze %dma_start3A_36 : memref<1x128xi32, #tpu.memory_space<vmem>> -> memref<128xi32, #tpu.memory_space<vmem>>
        %dma_start3A_38 = arith.constant 0 : i32
        %dma_start3A_39 = tpu.memref_slice %arg7[%dma_start3A_38] : memref<10240xf32, #tpu.memory_space<vmem_shared>> -> memref<10240xf32, #tpu.memory_space<vmem_shared>>
        tpu.enqueue_indirect_dma source(%arg5 : memref<128xf32, #tpu.memory_space<vmem>>) target(%dma_start3A_39 : memref<10240xf32, #tpu.memory_space<vmem_shared>>) offsets(%dma_start3A_37 : memref<128xi32, #tpu.memory_space<vmem>>) semaphore(%run_scoped3A : memref<!tpu.dma_semaphore, #tpu.memory_space<semaphore_mem>>) {add = true}
        %dma_wait3A = arith.constant 0 : i32
        %dma_wait3A_40 = tpu.memref_slice %arg4[%while3A_33, %dma_wait3A] : memref<157x128xi32, #tpu.memory_space<vmem>> -> memref<1x128xi32, #tpu.memory_space<vmem>>
        %dma_wait3A_41 = tpu.memref_squeeze %dma_wait3A_40 : memref<1x128xi32, #tpu.memory_space<vmem>> -> memref<128xi32, #tpu.memory_space<vmem>>
        %dma_wait3A_42 = arith.constant 0 : i32
        %dma_wait3A_43 = tpu.memref_slice %arg7[%dma_wait3A_42] : memref<10240xf32, #tpu.memory_space<vmem_shared>> -> memref<10240xf32, #tpu.memory_space<vmem_shared>>
        tpu.wait_indirect_dma semaphore(%run_scoped3A : memref<!tpu.dma_semaphore, #tpu.memory_space<semaphore_mem>>) src(%arg5 : memref<128xf32, #tpu.memory_space<vmem>>) dst(%dma_wait3A_43 : memref<10240xf32, #tpu.memory_space<vmem_shared>>)
        tpu.yield
      }) : () -> ()
      %while3A_35 = arith.constant 0 : i32
      scf.yield %while3A_35 : i32
    }
    %while3A_26 = arith.constant 1 : i32
    %while3A_27 = scf.for %while3A_33 = %while3A_23 to %while3A_19 step %while3A_26 iter_args(%while3A_34 = %while3A_25) -> (i32)  : i32 {
      "tpu.region"() ({
        %run_scoped3A = tpu.sem_alloc : memref<!tpu.dma_semaphore, #tpu.memory_space<semaphore_mem>>
        %dma_start3A = arith.constant 0 : i32
        %dma_start3A_36 = tpu.memref_slice %arg4[%while3A_33, %dma_start3A] : memref<157x128xi32, #tpu.memory_space<vmem>> -> memref<1x128xi32, #tpu.memory_space<vmem>>
        %dma_start3A_37 = tpu.memref_squeeze %dma_start3A_36 : memref<1x128xi32, #tpu.memory_space<vmem>> -> memref<128xi32, #tpu.memory_space<vmem>>
        %dma_start3A_38 = arith.constant 0 : i32
        %dma_start3A_39 = tpu.memref_slice %arg7[%dma_start3A_38] : memref<10240xf32, #tpu.memory_space<vmem_shared>> -> memref<10240xf32, #tpu.memory_space<vmem_shared>>
        tpu.enqueue_indirect_dma source(%arg5 : memref<128xf32, #tpu.memory_space<vmem>>) target(%dma_start3A_39 : memref<10240xf32, #tpu.memory_space<vmem_shared>>) offsets(%dma_start3A_37 : memref<128xi32, #tpu.memory_space<vmem>>) semaphore(%run_scoped3A : memref<!tpu.dma_semaphore, #tpu.memory_space<semaphore_mem>>) {add = true}
        %dma_wait3A = arith.constant 0 : i32
        %dma_wait3A_40 = tpu.memref_slice %arg4[%while3A_33, %dma_wait3A] : memref<157x128xi32, #tpu.memory_space<vmem>> -> memref<1x128xi32, #tpu.memory_space<vmem>>
        %dma_wait3A_41 = tpu.memref_squeeze %dma_wait3A_40 : memref<1x128xi32, #tpu.memory_space<vmem>> -> memref<128xi32, #tpu.memory_space<vmem>>
        %dma_wait3A_42 = arith.constant 0 : i32
        %dma_wait3A_43 = tpu.memref_slice %arg7[%dma_wait3A_42] : memref<10240xf32, #tpu.memory_space<vmem_shared>> -> memref<10240xf32, #tpu.memory_space<vmem_shared>>
        tpu.wait_indirect_dma semaphore(%run_scoped3A : memref<!tpu.dma_semaphore, #tpu.memory_space<semaphore_mem>>) src(%arg5 : memref<128xf32, #tpu.memory_space<vmem>>) dst(%dma_wait3A_43 : memref<10240xf32, #tpu.memory_space<vmem_shared>>)
        tpu.yield
      }) : () -> ()
      %while3A_35 = arith.constant 0 : i32
      scf.yield %while3A_35 : i32
    }
    %barrier3A_28 = arith.constant 0 : index
    tpu.barrier barrier_id(%barrier3A_28)
    %mul3A_29 = arith.constant 640 : i32
    %mul3A_30 = arith.muli %arg1, %mul3A_29 : i32
    %mul3A_31 = arith.constant 640 : i32
    %mul3A_32 = arith.muli %arg1, %mul3A_31 : i32
    "tpu.region"() ({
      %run_scoped3A = tpu.sem_alloc : memref<!tpu.dma_semaphore, #tpu.memory_space<semaphore_mem>>
      %dma_start3A = tpu.memref_slice %arg3[%arg0, %mul3A_32] : memref<2x10240xf32, #tpu.memory_space<hbm>> -> memref<1x640xf32, #tpu.memory_space<hbm>>
      %dma_start3A_33 = tpu.memref_squeeze %dma_start3A : memref<1x640xf32, #tpu.memory_space<hbm>> -> memref<640xf32, #tpu.memory_space<hbm>>
      %dma_start3A_34 = tpu.memref_slice %arg7[%mul3A_30] : memref<10240xf32, #tpu.memory_space<vmem_shared>> -> memref<640xf32, #tpu.memory_space<vmem_shared>>
      tpu.enqueue_dma source(%dma_start3A_34 : memref<640xf32, #tpu.memory_space<vmem_shared>>) target(%dma_start3A_33 : memref<640xf32, #tpu.memory_space<hbm>>) target_semaphore(%run_scoped3A : memref<!tpu.dma_semaphore, #tpu.memory_space<semaphore_mem>>)
      %dma_wait3A = tpu.memref_slice %arg3[%arg0, %mul3A_32] : memref<2x10240xf32, #tpu.memory_space<hbm>> -> memref<1x640xf32, #tpu.memory_space<hbm>>
      %dma_wait3A_35 = tpu.memref_squeeze %dma_wait3A : memref<1x640xf32, #tpu.memory_space<hbm>> -> memref<640xf32, #tpu.memory_space<hbm>>
      %dma_wait3A_36 = tpu.memref_slice %arg7[%mul3A_30] : memref<10240xf32, #tpu.memory_space<vmem_shared>> -> memref<640xf32, #tpu.memory_space<vmem_shared>>
      tpu.wait_dma2 semaphore(%run_scoped3A : memref<!tpu.dma_semaphore, #tpu.memory_space<semaphore_mem>>) src(%dma_wait3A_36 : memref<640xf32, #tpu.memory_space<vmem_shared>>) dst(%dma_wait3A_35 : memref<640xf32, #tpu.memory_space<hbm>>)
      tpu.yield
    }) : () -> ()
    return
  }
}

#map = affine_map<(d0, d1) -> (0, 0, 0)>
module attributes {stable_mosaic.version = 14 : i64} {
  func.func @scat(%arg0: i32, %arg1: i32, %arg2: memref<16x157x128xi32, #tpu.memory_space<hbm>>, %arg3: memref<16x157x128xi32, #tpu.memory_space<hbm>>, %arg4: memref<2x10000x32xf32, #tpu.memory_space<hbm>>, %arg5: memref<2x10240x32xf32, #tpu.memory_space<hbm>>, %arg6: memref<157x128xi32, #tpu.memory_space<vmem>>, %arg7: memref<157x128xi32, #tpu.memory_space<vmem>>, %arg8: memref<128x32xf32, #tpu.memory_space<vmem>>, %arg9: memref<128x32xf32, #tpu.memory_space<vmem>>, %arg10: memref<128x32xf32, #tpu.memory_space<vmem>>, %arg11: memref<128x32xf32, #tpu.memory_space<vmem>>, %arg12: memref<128x32xf32, #tpu.memory_space<vmem>>, %arg13: memref<128x32xf32, #tpu.memory_space<vmem>>, %arg14: memref<128x32xf32, #tpu.memory_space<vmem>>, %arg15: memref<10240x32xf32, #tpu.memory_space<vmem_shared>>, %arg16: memref<!tpu.dma_semaphore, #tpu.memory_space<semaphore_mem>>, %arg17: memref<!tpu.dma_semaphore, #tpu.memory_space<semaphore_mem>>, %arg18: memref<!tpu.dma_semaphore, #tpu.memory_space<semaphore_mem>>, %arg19: memref<!tpu.dma_semaphore, #tpu.memory_space<semaphore_mem>>, %arg20: memref<!tpu.dma_semaphore, #tpu.memory_space<semaphore_mem>>, %arg21: memref<!tpu.dma_semaphore, #tpu.memory_space<semaphore_mem>>, %arg22: memref<!tpu.dma_semaphore, #tpu.memory_space<semaphore_mem>>) attributes {dimension_semantics = [#tpu.dimension_semantics<core_parallel>, #tpu.dimension_semantics<subcore_parallel>], iteration_bounds = array<i64: 2, 16>, scalar_prefetch = 0 : i64, scratch_operands = 17 : i64, tpu.core_type = #tpu.core_type<sc_vector_subcore>, window_params = [{transform_indices = #map}, {transform_indices = #map}, {transform_indices = #map}, {transform_indices = #map}]} {
    %scan3A = arith.constant 0 : i32
    %scan3A_0 = arith.constant 0 : i32
    %scan3A_1 = arith.constant 128 : i32
    %scan3A_2 = arith.addi %scan3A_0, %scan3A_1 : i32
    %scan3A_3 = arith.constant 1 : i32
    %scan3A_4 = scf.for %scan3A_274 = %scan3A_0 to %scan3A_2 step %scan3A_3 iter_args(%scan3A_275 = %scan3A) -> (i32)  : i32 {
      %broadcast_in_dim3A = arith.constant 0.000000e+00 : f32
      %broadcast_in_dim3A_276 = vector.broadcast %broadcast_in_dim3A : f32 to vector<16xf32>
      %swap3A = arith.index_cast %scan3A_274 : i32 to index
      %swap3A_277 = arith.constant 0 : index
      %swap3A_278 = tpu.vector_load %arg14[%swap3A, %swap3A_277] {strides = array<i32>} : memref<128x32xf32, #tpu.memory_space<vmem>>, vector<1x16xf32>,
      %swap3A_279 = vector.shape_cast %swap3A_278 : vector<1x16xf32> to vector<16xf32>
      %swap3A_280 = vector.shape_cast %broadcast_in_dim3A_276 : vector<16xf32> to vector<1x16xf32>
      tpu.vector_store %arg14[%swap3A, %swap3A_277], %swap3A_280 {strides = array<i32>} : memref<128x32xf32, #tpu.memory_space<vmem>>, vector<1x16xf32>,
      %broadcast_in_dim3A_281 = arith.constant 0.000000e+00 : f32
      %broadcast_in_dim3A_282 = vector.broadcast %broadcast_in_dim3A_281 : f32 to vector<16xf32>
      %swap3A_283 = arith.index_cast %scan3A_274 : i32 to index
      %swap3A_284 = arith.constant 16 : index
      %swap3A_285 = tpu.vector_load %arg14[%swap3A_283, %swap3A_284] {strides = array<i32>} : memref<128x32xf32, #tpu.memory_space<vmem>>, vector<1x16xf32>,
      %swap3A_286 = vector.shape_cast %swap3A_285 : vector<1x16xf32> to vector<16xf32>
      %swap3A_287 = vector.shape_cast %broadcast_in_dim3A_282 : vector<16xf32> to vector<1x16xf32>
      tpu.vector_store %arg14[%swap3A_283, %swap3A_284], %swap3A_287 {strides = array<i32>} : memref<128x32xf32, #tpu.memory_space<vmem>>, vector<1x16xf32>,
      %scan3A_288 = arith.constant 0 : i32
      scf.yield %scan3A_288 : i32
    }
    %scan3A_5 = arith.constant 128 : i32
    %scan3A_6 = arith.constant 0 : i32
    %scan3A_7 = arith.constant 0 : i32
    %scan3A_8 = arith.constant 5 : i32
    %scan3A_9 = arith.addi %scan3A_7, %scan3A_8 : i32
    %scan3A_10 = arith.constant 1 : i32
    %scan3A_11 = scf.for %scan3A_274 = %scan3A_7 to %scan3A_9 step %scan3A_10 iter_args(%scan3A_275 = %scan3A_6) -> (i32)  : i32 {
      %mul3A_276 = arith.constant 640 : i32
      %mul3A_277 = arith.muli %arg1, %mul3A_276 : i32
      %mul3A_278 = arith.constant 128 : i32
      %mul3A_279 = arith.muli %scan3A_274, %mul3A_278 : i32
      %add3A = arith.addi %mul3A_277, %mul3A_279 : i32
      "tpu.region"() ({
        %run_scoped3A = tpu.sem_alloc : memref<!tpu.dma_semaphore, #tpu.memory_space<semaphore_mem>>
        %dma_start3A_281 = arith.constant 0 : i32
        %dma_start3A_282 = tpu.memref_slice %arg15[%add3A, %dma_start3A_281] : memref<10240x32xf32, #tpu.memory_space<vmem_shared>> -> memref<128x32xf32, #tpu.memory_space<vmem_shared>>
        %dma_start3A_283 = arith.constant 0 : i32
        %dma_start3A_284 = tpu.memref_slice %arg15[%add3A, %dma_start3A_283] : memref<10240x32xf32, #tpu.memory_space<vmem_shared>> -> memref<128x32xf32, #tpu.memory_space<vmem_shared>>
        tpu.enqueue_dma source(%arg14 : memref<128x32xf32, #tpu.memory_space<vmem>>) target(%dma_start3A_284 : memref<128x32xf32, #tpu.memory_space<vmem_shared>>) target_semaphore(%run_scoped3A : memref<!tpu.dma_semaphore, #tpu.memory_space<semaphore_mem>>)
        %dma_wait3A_285 = arith.constant 0 : i32
        %dma_wait3A_286 = tpu.memref_slice %arg15[%add3A, %dma_wait3A_285] : memref<10240x32xf32, #tpu.memory_space<vmem_shared>> -> memref<128x32xf32, #tpu.memory_space<vmem_shared>>
        %dma_wait3A_287 = arith.constant 0 : i32
        %dma_wait3A_288 = tpu.memref_slice %arg15[%add3A, %dma_wait3A_287] : memref<10240x32xf32, #tpu.memory_space<vmem_shared>> -> memref<128x32xf32, #tpu.memory_space<vmem_shared>>
        tpu.wait_dma2 semaphore(%run_scoped3A : memref<!tpu.dma_semaphore, #tpu.memory_space<semaphore_mem>>) src(%arg14 : memref<128x32xf32, #tpu.memory_space<vmem>>) dst(%dma_wait3A_288 : memref<128x32xf32, #tpu.memory_space<vmem_shared>>)
        tpu.yield
      }) : () -> ()
      %scan3A_280 = arith.constant 0 : i32
      scf.yield %scan3A_280 : i32
    }
    %scan3A_12 = arith.constant 5 : i32
    %barrier3A = arith.constant 0 : index
    tpu.barrier barrier_id(%barrier3A)
    "tpu.region"() ({
      %run_scoped3A = tpu.sem_alloc : memref<!tpu.dma_semaphore, #tpu.memory_space<semaphore_mem>>
      %dma_start3A_274 = arith.constant 0 : i32
      %dma_start3A_275 = arith.constant 0 : i32
      %dma_start3A_276 = tpu.memref_slice %arg2[%arg1, %dma_start3A_274, %dma_start3A_275] : memref<16x157x128xi32, #tpu.memory_space<hbm>> -> memref<1x157x128xi32, #tpu.memory_space<hbm>>
      %dma_start3A_277 = tpu.memref_squeeze %dma_start3A_276 : memref<1x157x128xi32, #tpu.memory_space<hbm>> -> memref<157x128xi32, #tpu.memory_space<hbm>>
      %dma_start3A_278 = arith.constant 0 : i32
      %dma_start3A_279 = arith.constant 0 : i32
      %dma_start3A_280 = tpu.memref_slice %arg2[%arg1, %dma_start3A_278, %dma_start3A_279] : memref<16x157x128xi32, #tpu.memory_space<hbm>> -> memref<1x157x128xi32, #tpu.memory_space<hbm>>
      %dma_start3A_281 = tpu.memref_squeeze %dma_start3A_280 : memref<1x157x128xi32, #tpu.memory_space<hbm>> -> memref<157x128xi32, #tpu.memory_space<hbm>>
      tpu.enqueue_dma source(%dma_start3A_281 : memref<157x128xi32, #tpu.memory_space<hbm>>) target(%arg6 : memref<157x128xi32, #tpu.memory_space<vmem>>) target_semaphore(%run_scoped3A : memref<!tpu.dma_semaphore, #tpu.memory_space<semaphore_mem>>)
      %dma_wait3A_282 = arith.constant 0 : i32
      %dma_wait3A_283 = arith.constant 0 : i32
      %dma_wait3A_284 = tpu.memref_slice %arg2[%arg1, %dma_wait3A_282, %dma_wait3A_283] : memref<16x157x128xi32, #tpu.memory_space<hbm>> -> memref<1x157x128xi32, #tpu.memory_space<hbm>>
      %dma_wait3A_285 = tpu.memref_squeeze %dma_wait3A_284 : memref<1x157x128xi32, #tpu.memory_space<hbm>> -> memref<157x128xi32, #tpu.memory_space<hbm>>
      %dma_wait3A_286 = arith.constant 0 : i32
      %dma_wait3A_287 = arith.constant 0 : i32
      %dma_wait3A_288 = tpu.memref_slice %arg2[%arg1, %dma_wait3A_286, %dma_wait3A_287] : memref<16x157x128xi32, #tpu.memory_space<hbm>> -> memref<1x157x128xi32, #tpu.memory_space<hbm>>
      %dma_wait3A_289 = tpu.memref_squeeze %dma_wait3A_288 : memref<1x157x128xi32, #tpu.memory_space<hbm>> -> memref<157x128xi32, #tpu.memory_space<hbm>>
      tpu.wait_dma2 semaphore(%run_scoped3A : memref<!tpu.dma_semaphore, #tpu.memory_space<semaphore_mem>>) src(%dma_wait3A_289 : memref<157x128xi32, #tpu.memory_space<hbm>>) dst(%arg6 : memref<157x128xi32, #tpu.memory_space<vmem>>)
      tpu.yield
    }) : () -> ()
    "tpu.region"() ({
      %run_scoped3A = tpu.sem_alloc : memref<!tpu.dma_semaphore, #tpu.memory_space<semaphore_mem>>
      %dma_start3A_274 = arith.constant 0 : i32
      %dma_start3A_275 = arith.constant 0 : i32
      %dma_start3A_276 = tpu.memref_slice %arg3[%arg1, %dma_start3A_274, %dma_start3A_275] : memref<16x157x128xi32, #tpu.memory_space<hbm>> -> memref<1x157x128xi32, #tpu.memory_space<hbm>>
      %dma_start3A_277 = tpu.memref_squeeze %dma_start3A_276 : memref<1x157x128xi32, #tpu.memory_space<hbm>> -> memref<157x128xi32, #tpu.memory_space<hbm>>
      %dma_start3A_278 = arith.constant 0 : i32
      %dma_start3A_279 = arith.constant 0 : i32
      %dma_start3A_280 = tpu.memref_slice %arg3[%arg1, %dma_start3A_278, %dma_start3A_279] : memref<16x157x128xi32, #tpu.memory_space<hbm>> -> memref<1x157x128xi32, #tpu.memory_space<hbm>>
      %dma_start3A_281 = tpu.memref_squeeze %dma_start3A_280 : memref<1x157x128xi32, #tpu.memory_space<hbm>> -> memref<157x128xi32, #tpu.memory_space<hbm>>
      tpu.enqueue_dma source(%dma_start3A_281 : memref<157x128xi32, #tpu.memory_space<hbm>>) target(%arg7 : memref<157x128xi32, #tpu.memory_space<vmem>>) target_semaphore(%run_scoped3A : memref<!tpu.dma_semaphore, #tpu.memory_space<semaphore_mem>>)
      %dma_wait3A_282 = arith.constant 0 : i32
      %dma_wait3A_283 = arith.constant 0 : i32
      %dma_wait3A_284 = tpu.memref_slice %arg3[%arg1, %dma_wait3A_282, %dma_wait3A_283] : memref<16x157x128xi32, #tpu.memory_space<hbm>> -> memref<1x157x128xi32, #tpu.memory_space<hbm>>
      %dma_wait3A_285 = tpu.memref_squeeze %dma_wait3A_284 : memref<1x157x128xi32, #tpu.memory_space<hbm>> -> memref<157x128xi32, #tpu.memory_space<hbm>>
      %dma_wait3A_286 = arith.constant 0 : i32
      %dma_wait3A_287 = arith.constant 0 : i32
      %dma_wait3A_288 = tpu.memref_slice %arg3[%arg1, %dma_wait3A_286, %dma_wait3A_287] : memref<16x157x128xi32, #tpu.memory_space<hbm>> -> memref<1x157x128xi32, #tpu.memory_space<hbm>>
      %dma_wait3A_289 = tpu.memref_squeeze %dma_wait3A_288 : memref<1x157x128xi32, #tpu.memory_space<hbm>> -> memref<157x128xi32, #tpu.memory_space<hbm>>
      tpu.wait_dma2 semaphore(%run_scoped3A : memref<!tpu.dma_semaphore, #tpu.memory_space<semaphore_mem>>) src(%dma_wait3A_289 : memref<157x128xi32, #tpu.memory_space<hbm>>) dst(%arg7 : memref<157x128xi32, #tpu.memory_space<vmem>>)
      tpu.yield
    }) : () -> ()
    %dma_start3A = arith.constant 0 : i32
    %dma_start3A_13 = arith.constant 0 : i32
    %dma_start3A_14 = tpu.memref_slice %arg6[%dma_start3A, %dma_start3A_13] : memref<157x128xi32, #tpu.memory_space<vmem>> -> memref<1x128xi32, #tpu.memory_space<vmem>>
    %dma_start3A_15 = tpu.memref_squeeze %dma_start3A_14 : memref<1x128xi32, #tpu.memory_space<vmem>> -> memref<128xi32, #tpu.memory_space<vmem>>
    %dma_start3A_16 = arith.constant 0 : i32
    %dma_start3A_17 = arith.constant 0 : i32
    %dma_start3A_18 = tpu.memref_slice %arg4[%arg0, %dma_start3A_16, %dma_start3A_17] : memref<2x10000x32xf32, #tpu.memory_space<hbm>> -> memref<1x10000x32xf32, #tpu.memory_space<hbm>>
    %dma_start3A_19 = tpu.memref_squeeze %dma_start3A_18 : memref<1x10000x32xf32, #tpu.memory_space<hbm>> -> memref<10000x32xf32, #tpu.memory_space<hbm>>
    %dma_start3A_20 = arith.constant 0 : i32
    %dma_start3A_21 = arith.constant 0 : i32
    %dma_start3A_22 = tpu.memref_slice %dma_start3A_19[%dma_start3A_20, %dma_start3A_21] : memref<10000x32xf32, #tpu.memory_space<hbm>> -> memref<10000x32xf32, #tpu.memory_space<hbm>>
    tpu.enqueue_indirect_dma source(%dma_start3A_22 : memref<10000x32xf32, #tpu.memory_space<hbm>>) target(%arg8 : memref<128x32xf32, #tpu.memory_space<vmem>>) offsets(%dma_start3A_15 : memref<128xi32, #tpu.memory_space<vmem>>) semaphore(%arg16 : memref<!tpu.dma_semaphore, #tpu.memory_space<semaphore_mem>>)
    %dma_start3A_23 = arith.constant 1 : i32
    %dma_start3A_24 = arith.constant 0 : i32
    %dma_start3A_25 = tpu.memref_slice %arg6[%dma_start3A_23, %dma_start3A_24] : memref<157x128xi32, #tpu.memory_space<vmem>> -> memref<1x128xi32, #tpu.memory_space<vmem>>
    %dma_start3A_26 = tpu.memref_squeeze %dma_start3A_25 : memref<1x128xi32, #tpu.memory_space<vmem>> -> memref<128xi32, #tpu.memory_space<vmem>>
    %dma_start3A_27 = arith.constant 0 : i32
    %dma_start3A_28 = arith.constant 0 : i32
    %dma_start3A_29 = tpu.memref_slice %arg4[%arg0, %dma_start3A_27, %dma_start3A_28] : memref<2x10000x32xf32, #tpu.memory_space<hbm>> -> memref<1x10000x32xf32, #tpu.memory_space<hbm>>
    %dma_start3A_30 = tpu.memref_squeeze %dma_start3A_29 : memref<1x10000x32xf32, #tpu.memory_space<hbm>> -> memref<10000x32xf32, #tpu.memory_space<hbm>>
    %dma_start3A_31 = arith.constant 0 : i32
    %dma_start3A_32 = arith.constant 0 : i32
    %dma_start3A_33 = tpu.memref_slice %dma_start3A_30[%dma_start3A_31, %dma_start3A_32] : memref<10000x32xf32, #tpu.memory_space<hbm>> -> memref<10000x32xf32, #tpu.memory_space<hbm>>
    tpu.enqueue_indirect_dma source(%dma_start3A_33 : memref<10000x32xf32, #tpu.memory_space<hbm>>) target(%arg9 : memref<128x32xf32, #tpu.memory_space<vmem>>) offsets(%dma_start3A_26 : memref<128xi32, #tpu.memory_space<vmem>>) semaphore(%arg17 : memref<!tpu.dma_semaphore, #tpu.memory_space<semaphore_mem>>)
    %dma_start3A_34 = arith.constant 2 : i32
    %dma_start3A_35 = arith.constant 0 : i32
    %dma_start3A_36 = tpu.memref_slice %arg6[%dma_start3A_34, %dma_start3A_35] : memref<157x128xi32, #tpu.memory_space<vmem>> -> memref<1x128xi32, #tpu.memory_space<vmem>>
    %dma_start3A_37 = tpu.memref_squeeze %dma_start3A_36 : memref<1x128xi32, #tpu.memory_space<vmem>> -> memref<128xi32, #tpu.memory_space<vmem>>
    %dma_start3A_38 = arith.constant 0 : i32
    %dma_start3A_39 = arith.constant 0 : i32
    %dma_start3A_40 = tpu.memref_slice %arg4[%arg0, %dma_start3A_38, %dma_start3A_39] : memref<2x10000x32xf32, #tpu.memory_space<hbm>> -> memref<1x10000x32xf32, #tpu.memory_space<hbm>>
    %dma_start3A_41 = tpu.memref_squeeze %dma_start3A_40 : memref<1x10000x32xf32, #tpu.memory_space<hbm>> -> memref<10000x32xf32, #tpu.memory_space<hbm>>
    %dma_start3A_42 = arith.constant 0 : i32
    %dma_start3A_43 = arith.constant 0 : i32
    %dma_start3A_44 = tpu.memref_slice %dma_start3A_41[%dma_start3A_42, %dma_start3A_43] : memref<10000x32xf32, #tpu.memory_space<hbm>> -> memref<10000x32xf32, #tpu.memory_space<hbm>>
    tpu.enqueue_indirect_dma source(%dma_start3A_44 : memref<10000x32xf32, #tpu.memory_space<hbm>>) target(%arg10 : memref<128x32xf32, #tpu.memory_space<vmem>>) offsets(%dma_start3A_37 : memref<128xi32, #tpu.memory_space<vmem>>) semaphore(%arg18 : memref<!tpu.dma_semaphore, #tpu.memory_space<semaphore_mem>>)
    %dma_start3A_45 = arith.constant 3 : i32
    %dma_start3A_46 = arith.constant 0 : i32
    %dma_start3A_47 = tpu.memref_slice %arg6[%dma_start3A_45, %dma_start3A_46] : memref<157x128xi32, #tpu.memory_space<vmem>> -> memref<1x128xi32, #tpu.memory_space<vmem>>
    %dma_start3A_48 = tpu.memref_squeeze %dma_start3A_47 : memref<1x128xi32, #tpu.memory_space<vmem>> -> memref<128xi32, #tpu.memory_space<vmem>>
    %dma_start3A_49 = arith.constant 0 : i32
    %dma_start3A_50 = arith.constant 0 : i32
    %dma_start3A_51 = tpu.memref_slice %arg4[%arg0, %dma_start3A_49, %dma_start3A_50] : memref<2x10000x32xf32, #tpu.memory_space<hbm>> -> memref<1x10000x32xf32, #tpu.memory_space<hbm>>
    %dma_start3A_52 = tpu.memref_squeeze %dma_start3A_51 : memref<1x10000x32xf32, #tpu.memory_space<hbm>> -> memref<10000x32xf32, #tpu.memory_space<hbm>>
    %dma_start3A_53 = arith.constant 0 : i32
    %dma_start3A_54 = arith.constant 0 : i32
    %dma_start3A_55 = tpu.memref_slice %dma_start3A_52[%dma_start3A_53, %dma_start3A_54] : memref<10000x32xf32, #tpu.memory_space<hbm>> -> memref<10000x32xf32, #tpu.memory_space<hbm>>
    tpu.enqueue_indirect_dma source(%dma_start3A_55 : memref<10000x32xf32, #tpu.memory_space<hbm>>) target(%arg11 : memref<128x32xf32, #tpu.memory_space<vmem>>) offsets(%dma_start3A_48 : memref<128xi32, #tpu.memory_space<vmem>>) semaphore(%arg19 : memref<!tpu.dma_semaphore, #tpu.memory_space<semaphore_mem>>)
    %dma_start3A_56 = arith.constant 4 : i32
    %dma_start3A_57 = arith.constant 0 : i32
    %dma_start3A_58 = tpu.memref_slice %arg6[%dma_start3A_56, %dma_start3A_57] : memref<157x128xi32, #tpu.memory_space<vmem>> -> memref<1x128xi32, #tpu.memory_space<vmem>>
    %dma_start3A_59 = tpu.memref_squeeze %dma_start3A_58 : memref<1x128xi32, #tpu.memory_space<vmem>> -> memref<128xi32, #tpu.memory_space<vmem>>
    %dma_start3A_60 = arith.constant 0 : i32
    %dma_start3A_61 = arith.constant 0 : i32
    %dma_start3A_62 = tpu.memref_slice %arg4[%arg0, %dma_start3A_60, %dma_start3A_61] : memref<2x10000x32xf32, #tpu.memory_space<hbm>> -> memref<1x10000x32xf32, #tpu.memory_space<hbm>>
    %dma_start3A_63 = tpu.memref_squeeze %dma_start3A_62 : memref<1x10000x32xf32, #tpu.memory_space<hbm>> -> memref<10000x32xf32, #tpu.memory_space<hbm>>
    %dma_start3A_64 = arith.constant 0 : i32
    %dma_start3A_65 = arith.constant 0 : i32
    %dma_start3A_66 = tpu.memref_slice %dma_start3A_63[%dma_start3A_64, %dma_start3A_65] : memref<10000x32xf32, #tpu.memory_space<hbm>> -> memref<10000x32xf32, #tpu.memory_space<hbm>>
    tpu.enqueue_indirect_dma source(%dma_start3A_66 : memref<10000x32xf32, #tpu.memory_space<hbm>>) target(%arg12 : memref<128x32xf32, #tpu.memory_space<vmem>>) offsets(%dma_start3A_59 : memref<128xi32, #tpu.memory_space<vmem>>) semaphore(%arg20 : memref<!tpu.dma_semaphore, #tpu.memory_space<semaphore_mem>>)
    %dma_wait3A = arith.constant 0 : i32
    %dma_wait3A_67 = arith.constant 0 : i32
    %dma_wait3A_68 = tpu.memref_slice %arg6[%dma_wait3A, %dma_wait3A_67] : memref<157x128xi32, #tpu.memory_space<vmem>> -> memref<1x128xi32, #tpu.memory_space<vmem>>
    %dma_wait3A_69 = tpu.memref_squeeze %dma_wait3A_68 : memref<1x128xi32, #tpu.memory_space<vmem>> -> memref<128xi32, #tpu.memory_space<vmem>>
    %dma_wait3A_70 = arith.constant 0 : i32
    %dma_wait3A_71 = arith.constant 0 : i32
    %dma_wait3A_72 = tpu.memref_slice %arg4[%arg0, %dma_wait3A_70, %dma_wait3A_71] : memref<2x10000x32xf32, #tpu.memory_space<hbm>> -> memref<1x10000x32xf32, #tpu.memory_space<hbm>>
    %dma_wait3A_73 = tpu.memref_squeeze %dma_wait3A_72 : memref<1x10000x32xf32, #tpu.memory_space<hbm>> -> memref<10000x32xf32, #tpu.memory_space<hbm>>
    %dma_wait3A_74 = arith.constant 0 : i32
    %dma_wait3A_75 = arith.constant 0 : i32
    %dma_wait3A_76 = tpu.memref_slice %dma_wait3A_73[%dma_wait3A_74, %dma_wait3A_75] : memref<10000x32xf32, #tpu.memory_space<hbm>> -> memref<10000x32xf32, #tpu.memory_space<hbm>>
    tpu.wait_indirect_dma semaphore(%arg16 : memref<!tpu.dma_semaphore, #tpu.memory_space<semaphore_mem>>) src(%dma_wait3A_76 : memref<10000x32xf32, #tpu.memory_space<hbm>>) dst(%arg8 : memref<128x32xf32, #tpu.memory_space<vmem>>)
    %dma_start3A_77 = arith.constant 0 : i32
    %dma_start3A_78 = arith.constant 0 : i32
    %dma_start3A_79 = tpu.memref_slice %arg7[%dma_start3A_77, %dma_start3A_78] : memref<157x128xi32, #tpu.memory_space<vmem>> -> memref<1x128xi32, #tpu.memory_space<vmem>>
    %dma_start3A_80 = tpu.memref_squeeze %dma_start3A_79 : memref<1x128xi32, #tpu.memory_space<vmem>> -> memref<128xi32, #tpu.memory_space<vmem>>
    %dma_start3A_81 = arith.constant 0 : i32
    %dma_start3A_82 = arith.constant 0 : i32
    %dma_start3A_83 = tpu.memref_slice %arg15[%dma_start3A_81, %dma_start3A_82] : memref<10240x32xf32, #tpu.memory_space<vmem_shared>> -> memref<10240x32xf32, #tpu.memory_space<vmem_shared>>
    tpu.enqueue_indirect_dma source(%arg8 : memref<128x32xf32, #tpu.memory_space<vmem>>) target(%dma_start3A_83 : memref<10240x32xf32, #tpu.memory_space<vmem_shared>>) offsets(%dma_start3A_80 : memref<128xi32, #tpu.memory_space<vmem>>) semaphore(%arg22 : memref<!tpu.dma_semaphore, #tpu.memory_space<semaphore_mem>>) {add = true}
    %dma_start3A_84 = arith.constant 5 : i32
    %dma_start3A_85 = arith.constant 0 : i32
    %dma_start3A_86 = tpu.memref_slice %arg6[%dma_start3A_84, %dma_start3A_85] : memref<157x128xi32, #tpu.memory_space<vmem>> -> memref<1x128xi32, #tpu.memory_space<vmem>>
    %dma_start3A_87 = tpu.memref_squeeze %dma_start3A_86 : memref<1x128xi32, #tpu.memory_space<vmem>> -> memref<128xi32, #tpu.memory_space<vmem>>
    %dma_start3A_88 = arith.constant 0 : i32
    %dma_start3A_89 = arith.constant 0 : i32
    %dma_start3A_90 = tpu.memref_slice %arg4[%arg0, %dma_start3A_88, %dma_start3A_89] : memref<2x10000x32xf32, #tpu.memory_space<hbm>> -> memref<1x10000x32xf32, #tpu.memory_space<hbm>>
    %dma_start3A_91 = tpu.memref_squeeze %dma_start3A_90 : memref<1x10000x32xf32, #tpu.memory_space<hbm>> -> memref<10000x32xf32, #tpu.memory_space<hbm>>
    %dma_start3A_92 = arith.constant 0 : i32
    %dma_start3A_93 = arith.constant 0 : i32
    %dma_start3A_94 = tpu.memref_slice %dma_start3A_91[%dma_start3A_92, %dma_start3A_93] : memref<10000x32xf32, #tpu.memory_space<hbm>> -> memref<10000x32xf32, #tpu.memory_space<hbm>>
    tpu.enqueue_indirect_dma source(%dma_start3A_94 : memref<10000x32xf32, #tpu.memory_space<hbm>>) target(%arg13 : memref<128x32xf32, #tpu.memory_space<vmem>>) offsets(%dma_start3A_87 : memref<128xi32, #tpu.memory_space<vmem>>) semaphore(%arg21 : memref<!tpu.dma_semaphore, #tpu.memory_space<semaphore_mem>>)
    %scan3A_95 = arith.constant 0 : i32
    %scan3A_96 = arith.constant 0 : i32
    %scan3A_97 = arith.constant 25 : i32
    %scan3A_98 = arith.addi %scan3A_96, %scan3A_97 : i32
    %scan3A_99 = arith.constant 1 : i32
    %scan3A_100 = scf.for %scan3A_274 = %scan3A_96 to %scan3A_98 step %scan3A_99 iter_args(%scan3A_275 = %scan3A_95) -> (i32)  : i32 {
      %mul3A_276 = arith.constant 6 : i32
      %mul3A_277 = arith.muli %mul3A_276, %scan3A_274 : i32
      %add3A = arith.constant 1 : i32
      %add3A_278 = arith.addi %add3A, %mul3A_277 : i32
      %add3A_279 = arith.constant 0 : i32
      %add3A_280 = arith.addi %add3A_278, %add3A_279 : i32
      %sub3A = arith.constant 1 : i32
      %sub3A_281 = arith.subi %add3A_280, %sub3A : i32
      %dma_wait3A_282 = arith.constant 0 : i32
      %dma_wait3A_283 = tpu.memref_slice %arg7[%sub3A_281, %dma_wait3A_282] : memref<157x128xi32, #tpu.memory_space<vmem>> -> memref<1x128xi32, #tpu.memory_space<vmem>>
      %dma_wait3A_284 = tpu.memref_squeeze %dma_wait3A_283 : memref<1x128xi32, #tpu.memory_space<vmem>> -> memref<128xi32, #tpu.memory_space<vmem>>
      %dma_wait3A_285 = arith.constant 0 : i32
      %dma_wait3A_286 = arith.constant 0 : i32
      %dma_wait3A_287 = tpu.memref_slice %arg15[%dma_wait3A_285, %dma_wait3A_286] : memref<10240x32xf32, #tpu.memory_space<vmem_shared>> -> memref<10240x32xf32, #tpu.memory_space<vmem_shared>>
      tpu.wait_indirect_dma semaphore(%arg22 : memref<!tpu.dma_semaphore, #tpu.memory_space<semaphore_mem>>) src(%arg8 : memref<128x32xf32, #tpu.memory_space<vmem>>) dst(%dma_wait3A_287 : memref<10240x32xf32, #tpu.memory_space<vmem_shared>>)
      %add3A_288 = arith.constant 6 : i32
      %add3A_289 = arith.addi %add3A_280, %add3A_288 : i32
      %sub3A_290 = arith.constant 1 : i32
      %sub3A_291 = arith.subi %add3A_289, %sub3A_290 : i32
      %dma_start3A_292 = arith.constant 0 : i32
      %dma_start3A_293 = tpu.memref_slice %arg6[%sub3A_291, %dma_start3A_292] : memref<157x128xi32, #tpu.memory_space<vmem>> -> memref<1x128xi32, #tpu.memory_space<vmem>>
      %dma_start3A_294 = tpu.memref_squeeze %dma_start3A_293 : memref<1x128xi32, #tpu.memory_space<vmem>> -> memref<128xi32, #tpu.memory_space<vmem>>
      %dma_start3A_295 = arith.constant 0 : i32
      %dma_start3A_296 = arith.constant 0 : i32
      %dma_start3A_297 = tpu.memref_slice %arg4[%arg0, %dma_start3A_295, %dma_start3A_296] : memref<2x10000x32xf32, #tpu.memory_space<hbm>> -> memref<1x10000x32xf32, #tpu.memory_space<hbm>>
      %dma_start3A_298 = tpu.memref_squeeze %dma_start3A_297 : memref<1x10000x32xf32, #tpu.memory_space<hbm>> -> memref<10000x32xf32, #tpu.memory_space<hbm>>
      %dma_start3A_299 = arith.constant 0 : i32
      %dma_start3A_300 = arith.constant 0 : i32
      %dma_start3A_301 = tpu.memref_slice %dma_start3A_298[%dma_start3A_299, %dma_start3A_300] : memref<10000x32xf32, #tpu.memory_space<hbm>> -> memref<10000x32xf32, #tpu.memory_space<hbm>>
      tpu.enqueue_indirect_dma source(%dma_start3A_301 : memref<10000x32xf32, #tpu.memory_space<hbm>>) target(%arg8 : memref<128x32xf32, #tpu.memory_space<vmem>>) offsets(%dma_start3A_294 : memref<128xi32, #tpu.memory_space<vmem>>) semaphore(%arg16 : memref<!tpu.dma_semaphore, #tpu.memory_space<semaphore_mem>>)
      %dma_wait3A_302 = arith.constant 0 : i32
      %dma_wait3A_303 = tpu.memref_slice %arg6[%add3A_280, %dma_wait3A_302] : memref<157x128xi32, #tpu.memory_space<vmem>> -> memref<1x128xi32, #tpu.memory_space<vmem>>
      %dma_wait3A_304 = tpu.memref_squeeze %dma_wait3A_303 : memref<1x128xi32, #tpu.memory_space<vmem>> -> memref<128xi32, #tpu.memory_space<vmem>>
      %dma_wait3A_305 = arith.constant 0 : i32
      %dma_wait3A_306 = arith.constant 0 : i32
      %dma_wait3A_307 = tpu.memref_slice %arg4[%arg0, %dma_wait3A_305, %dma_wait3A_306] : memref<2x10000x32xf32, #tpu.memory_space<hbm>> -> memref<1x10000x32xf32, #tpu.memory_space<hbm>>
      %dma_wait3A_308 = tpu.memref_squeeze %dma_wait3A_307 : memref<1x10000x32xf32, #tpu.memory_space<hbm>> -> memref<10000x32xf32, #tpu.memory_space<hbm>>
      %dma_wait3A_309 = arith.constant 0 : i32
      %dma_wait3A_310 = arith.constant 0 : i32
      %dma_wait3A_311 = tpu.memref_slice %dma_wait3A_308[%dma_wait3A_309, %dma_wait3A_310] : memref<10000x32xf32, #tpu.memory_space<hbm>> -> memref<10000x32xf32, #tpu.memory_space<hbm>>
      tpu.wait_indirect_dma semaphore(%arg17 : memref<!tpu.dma_semaphore, #tpu.memory_space<semaphore_mem>>) src(%dma_wait3A_311 : memref<10000x32xf32, #tpu.memory_space<hbm>>) dst(%arg9 : memref<128x32xf32, #tpu.memory_space<vmem>>)
      %dma_start3A_312 = arith.constant 0 : i32
      %dma_start3A_313 = tpu.memref_slice %arg7[%add3A_280, %dma_start3A_312] : memref<157x128xi32, #tpu.memory_space<vmem>> -> memref<1x128xi32, #tpu.memory_space<vmem>>
      %dma_start3A_314 = tpu.memref_squeeze %dma_start3A_313 : memref<1x128xi32, #tpu.memory_space<vmem>> -> memref<128xi32, #tpu.memory_space<vmem>>
      %dma_start3A_315 = arith.constant 0 : i32
      %dma_start3A_316 = arith.constant 0 : i32
      %dma_start3A_317 = tpu.memref_slice %arg15[%dma_start3A_315, %dma_start3A_316] : memref<10240x32xf32, #tpu.memory_space<vmem_shared>> -> memref<10240x32xf32, #tpu.memory_space<vmem_shared>>
      tpu.enqueue_indirect_dma source(%arg9 : memref<128x32xf32, #tpu.memory_space<vmem>>) target(%dma_start3A_317 : memref<10240x32xf32, #tpu.memory_space<vmem_shared>>) offsets(%dma_start3A_314 : memref<128xi32, #tpu.memory_space<vmem>>) semaphore(%arg22 : memref<!tpu.dma_semaphore, #tpu.memory_space<semaphore_mem>>) {add = true}
      %add3A_318 = arith.constant 1 : i32
      %add3A_319 = arith.addi %add3A_278, %add3A_318 : i32
      %sub3A_320 = arith.constant 1 : i32
      %sub3A_321 = arith.subi %add3A_319, %sub3A_320 : i32
      %dma_wait3A_322 = arith.constant 0 : i32
      %dma_wait3A_323 = tpu.memref_slice %arg7[%sub3A_321, %dma_wait3A_322] : memref<157x128xi32, #tpu.memory_space<vmem>> -> memref<1x128xi32, #tpu.memory_space<vmem>>
      %dma_wait3A_324 = tpu.memref_squeeze %dma_wait3A_323 : memref<1x128xi32, #tpu.memory_space<vmem>> -> memref<128xi32, #tpu.memory_space<vmem>>
      %dma_wait3A_325 = arith.constant 0 : i32
      %dma_wait3A_326 = arith.constant 0 : i32
      %dma_wait3A_327 = tpu.memref_slice %arg15[%dma_wait3A_325, %dma_wait3A_326] : memref<10240x32xf32, #tpu.memory_space<vmem_shared>> -> memref<10240x32xf32, #tpu.memory_space<vmem_shared>>
      tpu.wait_indirect_dma semaphore(%arg22 : memref<!tpu.dma_semaphore, #tpu.memory_space<semaphore_mem>>) src(%arg9 : memref<128x32xf32, #tpu.memory_space<vmem>>) dst(%dma_wait3A_327 : memref<10240x32xf32, #tpu.memory_space<vmem_shared>>)
      %add3A_328 = arith.constant 6 : i32
      %add3A_329 = arith.addi %add3A_319, %add3A_328 : i32
      %sub3A_330 = arith.constant 1 : i32
      %sub3A_331 = arith.subi %add3A_329, %sub3A_330 : i32
      %dma_start3A_332 = arith.constant 0 : i32
      %dma_start3A_333 = tpu.memref_slice %arg6[%sub3A_331, %dma_start3A_332] : memref<157x128xi32, #tpu.memory_space<vmem>> -> memref<1x128xi32, #tpu.memory_space<vmem>>
      %dma_start3A_334 = tpu.memref_squeeze %dma_start3A_333 : memref<1x128xi32, #tpu.memory_space<vmem>> -> memref<128xi32, #tpu.memory_space<vmem>>
      %dma_start3A_335 = arith.constant 0 : i32
      %dma_start3A_336 = arith.constant 0 : i32
      %dma_start3A_337 = tpu.memref_slice %arg4[%arg0, %dma_start3A_335, %dma_start3A_336] : memref<2x10000x32xf32, #tpu.memory_space<hbm>> -> memref<1x10000x32xf32, #tpu.memory_space<hbm>>
      %dma_start3A_338 = tpu.memref_squeeze %dma_start3A_337 : memref<1x10000x32xf32, #tpu.memory_space<hbm>> -> memref<10000x32xf32, #tpu.memory_space<hbm>>
      %dma_start3A_339 = arith.constant 0 : i32
      %dma_start3A_340 = arith.constant 0 : i32
      %dma_start3A_341 = tpu.memref_slice %dma_start3A_338[%dma_start3A_339, %dma_start3A_340] : memref<10000x32xf32, #tpu.memory_space<hbm>> -> memref<10000x32xf32, #tpu.memory_space<hbm>>
      tpu.enqueue_indirect_dma source(%dma_start3A_341 : memref<10000x32xf32, #tpu.memory_space<hbm>>) target(%arg9 : memref<128x32xf32, #tpu.memory_space<vmem>>) offsets(%dma_start3A_334 : memref<128xi32, #tpu.memory_space<vmem>>) semaphore(%arg17 : memref<!tpu.dma_semaphore, #tpu.memory_space<semaphore_mem>>)
      %dma_wait3A_342 = arith.constant 0 : i32
      %dma_wait3A_343 = tpu.memref_slice %arg6[%add3A_319, %dma_wait3A_342] : memref<157x128xi32, #tpu.memory_space<vmem>> -> memref<1x128xi32, #tpu.memory_space<vmem>>
      %dma_wait3A_344 = tpu.memref_squeeze %dma_wait3A_343 : memref<1x128xi32, #tpu.memory_space<vmem>> -> memref<128xi32, #tpu.memory_space<vmem>>
      %dma_wait3A_345 = arith.constant 0 : i32
      %dma_wait3A_346 = arith.constant 0 : i32
      %dma_wait3A_347 = tpu.memref_slice %arg4[%arg0, %dma_wait3A_345, %dma_wait3A_346] : memref<2x10000x32xf32, #tpu.memory_space<hbm>> -> memref<1x10000x32xf32, #tpu.memory_space<hbm>>
      %dma_wait3A_348 = tpu.memref_squeeze %dma_wait3A_347 : memref<1x10000x32xf32, #tpu.memory_space<hbm>> -> memref<10000x32xf32, #tpu.memory_space<hbm>>
      %dma_wait3A_349 = arith.constant 0 : i32
      %dma_wait3A_350 = arith.constant 0 : i32
      %dma_wait3A_351 = tpu.memref_slice %dma_wait3A_348[%dma_wait3A_349, %dma_wait3A_350] : memref<10000x32xf32, #tpu.memory_space<hbm>> -> memref<10000x32xf32, #tpu.memory_space<hbm>>
      tpu.wait_indirect_dma semaphore(%arg18 : memref<!tpu.dma_semaphore, #tpu.memory_space<semaphore_mem>>) src(%dma_wait3A_351 : memref<10000x32xf32, #tpu.memory_space<hbm>>) dst(%arg10 : memref<128x32xf32, #tpu.memory_space<vmem>>)
      %dma_start3A_352 = arith.constant 0 : i32
      %dma_start3A_353 = tpu.memref_slice %arg7[%add3A_319, %dma_start3A_352] : memref<157x128xi32, #tpu.memory_space<vmem>> -> memref<1x128xi32, #tpu.memory_space<vmem>>
      %dma_start3A_354 = tpu.memref_squeeze %dma_start3A_353 : memref<1x128xi32, #tpu.memory_space<vmem>> -> memref<128xi32, #tpu.memory_space<vmem>>
      %dma_start3A_355 = arith.constant 0 : i32
      %dma_start3A_356 = arith.constant 0 : i32
      %dma_start3A_357 = tpu.memref_slice %arg15[%dma_start3A_355, %dma_start3A_356] : memref<10240x32xf32, #tpu.memory_space<vmem_shared>> -> memref<10240x32xf32, #tpu.memory_space<vmem_shared>>
      tpu.enqueue_indirect_dma source(%arg10 : memref<128x32xf32, #tpu.memory_space<vmem>>) target(%dma_start3A_357 : memref<10240x32xf32, #tpu.memory_space<vmem_shared>>) offsets(%dma_start3A_354 : memref<128xi32, #tpu.memory_space<vmem>>) semaphore(%arg22 : memref<!tpu.dma_semaphore, #tpu.memory_space<semaphore_mem>>) {add = true}
      %add3A_358 = arith.constant 2 : i32
      %add3A_359 = arith.addi %add3A_278, %add3A_358 : i32
      %sub3A_360 = arith.constant 1 : i32
      %sub3A_361 = arith.subi %add3A_359, %sub3A_360 : i32
      %dma_wait3A_362 = arith.constant 0 : i32
      %dma_wait3A_363 = tpu.memref_slice %arg7[%sub3A_361, %dma_wait3A_362] : memref<157x128xi32, #tpu.memory_space<vmem>> -> memref<1x128xi32, #tpu.memory_space<vmem>>
      %dma_wait3A_364 = tpu.memref_squeeze %dma_wait3A_363 : memref<1x128xi32, #tpu.memory_space<vmem>> -> memref<128xi32, #tpu.memory_space<vmem>>
      %dma_wait3A_365 = arith.constant 0 : i32
      %dma_wait3A_366 = arith.constant 0 : i32
      %dma_wait3A_367 = tpu.memref_slice %arg15[%dma_wait3A_365, %dma_wait3A_366] : memref<10240x32xf32, #tpu.memory_space<vmem_shared>> -> memref<10240x32xf32, #tpu.memory_space<vmem_shared>>
      tpu.wait_indirect_dma semaphore(%arg22 : memref<!tpu.dma_semaphore, #tpu.memory_space<semaphore_mem>>) src(%arg10 : memref<128x32xf32, #tpu.memory_space<vmem>>) dst(%dma_wait3A_367 : memref<10240x32xf32, #tpu.memory_space<vmem_shared>>)
      %add3A_368 = arith.constant 6 : i32
      %add3A_369 = arith.addi %add3A_359, %add3A_368 : i32
      %sub3A_370 = arith.constant 1 : i32
      %sub3A_371 = arith.subi %add3A_369, %sub3A_370 : i32
      %dma_start3A_372 = arith.constant 0 : i32
      %dma_start3A_373 = tpu.memref_slice %arg6[%sub3A_371, %dma_start3A_372] : memref<157x128xi32, #tpu.memory_space<vmem>> -> memref<1x128xi32, #tpu.memory_space<vmem>>
      %dma_start3A_374 = tpu.memref_squeeze %dma_start3A_373 : memref<1x128xi32, #tpu.memory_space<vmem>> -> memref<128xi32, #tpu.memory_space<vmem>>
      %dma_start3A_375 = arith.constant 0 : i32
      %dma_start3A_376 = arith.constant 0 : i32
      %dma_start3A_377 = tpu.memref_slice %arg4[%arg0, %dma_start3A_375, %dma_start3A_376] : memref<2x10000x32xf32, #tpu.memory_space<hbm>> -> memref<1x10000x32xf32, #tpu.memory_space<hbm>>
      %dma_start3A_378 = tpu.memref_squeeze %dma_start3A_377 : memref<1x10000x32xf32, #tpu.memory_space<hbm>> -> memref<10000x32xf32, #tpu.memory_space<hbm>>
      %dma_start3A_379 = arith.constant 0 : i32
      %dma_start3A_380 = arith.constant 0 : i32
      %dma_start3A_381 = tpu.memref_slice %dma_start3A_378[%dma_start3A_379, %dma_start3A_380] : memref<10000x32xf32, #tpu.memory_space<hbm>> -> memref<10000x32xf32, #tpu.memory_space<hbm>>
      tpu.enqueue_indirect_dma source(%dma_start3A_381 : memref<10000x32xf32, #tpu.memory_space<hbm>>) target(%arg10 : memref<128x32xf32, #tpu.memory_space<vmem>>) offsets(%dma_start3A_374 : memref<128xi32, #tpu.memory_space<vmem>>) semaphore(%arg18 : memref<!tpu.dma_semaphore, #tpu.memory_space<semaphore_mem>>)
      %dma_wait3A_382 = arith.constant 0 : i32
      %dma_wait3A_383 = tpu.memref_slice %arg6[%add3A_359, %dma_wait3A_382] : memref<157x128xi32, #tpu.memory_space<vmem>> -> memref<1x128xi32, #tpu.memory_space<vmem>>
      %dma_wait3A_384 = tpu.memref_squeeze %dma_wait3A_383 : memref<1x128xi32, #tpu.memory_space<vmem>> -> memref<128xi32, #tpu.memory_space<vmem>>
      %dma_wait3A_385 = arith.constant 0 : i32
      %dma_wait3A_386 = arith.constant 0 : i32
      %dma_wait3A_387 = tpu.memref_slice %arg4[%arg0, %dma_wait3A_385, %dma_wait3A_386] : memref<2x10000x32xf32, #tpu.memory_space<hbm>> -> memref<1x10000x32xf32, #tpu.memory_space<hbm>>
      %dma_wait3A_388 = tpu.memref_squeeze %dma_wait3A_387 : memref<1x10000x32xf32, #tpu.memory_space<hbm>> -> memref<10000x32xf32, #tpu.memory_space<hbm>>
      %dma_wait3A_389 = arith.constant 0 : i32
      %dma_wait3A_390 = arith.constant 0 : i32
      %dma_wait3A_391 = tpu.memref_slice %dma_wait3A_388[%dma_wait3A_389, %dma_wait3A_390] : memref<10000x32xf32, #tpu.memory_space<hbm>> -> memref<10000x32xf32, #tpu.memory_space<hbm>>
      tpu.wait_indirect_dma semaphore(%arg19 : memref<!tpu.dma_semaphore, #tpu.memory_space<semaphore_mem>>) src(%dma_wait3A_391 : memref<10000x32xf32, #tpu.memory_space<hbm>>) dst(%arg11 : memref<128x32xf32, #tpu.memory_space<vmem>>)
      %dma_start3A_392 = arith.constant 0 : i32
      %dma_start3A_393 = tpu.memref_slice %arg7[%add3A_359, %dma_start3A_392] : memref<157x128xi32, #tpu.memory_space<vmem>> -> memref<1x128xi32, #tpu.memory_space<vmem>>
      %dma_start3A_394 = tpu.memref_squeeze %dma_start3A_393 : memref<1x128xi32, #tpu.memory_space<vmem>> -> memref<128xi32, #tpu.memory_space<vmem>>
      %dma_start3A_395 = arith.constant 0 : i32
      %dma_start3A_396 = arith.constant 0 : i32
      %dma_start3A_397 = tpu.memref_slice %arg15[%dma_start3A_395, %dma_start3A_396] : memref<10240x32xf32, #tpu.memory_space<vmem_shared>> -> memref<10240x32xf32, #tpu.memory_space<vmem_shared>>
      tpu.enqueue_indirect_dma source(%arg11 : memref<128x32xf32, #tpu.memory_space<vmem>>) target(%dma_start3A_397 : memref<10240x32xf32, #tpu.memory_space<vmem_shared>>) offsets(%dma_start3A_394 : memref<128xi32, #tpu.memory_space<vmem>>) semaphore(%arg22 : memref<!tpu.dma_semaphore, #tpu.memory_space<semaphore_mem>>) {add = true}
      %add3A_398 = arith.constant 3 : i32
      %add3A_399 = arith.addi %add3A_278, %add3A_398 : i32
      %sub3A_400 = arith.constant 1 : i32
      %sub3A_401 = arith.subi %add3A_399, %sub3A_400 : i32
      %dma_wait3A_402 = arith.constant 0 : i32
      %dma_wait3A_403 = tpu.memref_slice %arg7[%sub3A_401, %dma_wait3A_402] : memref<157x128xi32, #tpu.memory_space<vmem>> -> memref<1x128xi32, #tpu.memory_space<vmem>>
      %dma_wait3A_404 = tpu.memref_squeeze %dma_wait3A_403 : memref<1x128xi32, #tpu.memory_space<vmem>> -> memref<128xi32, #tpu.memory_space<vmem>>
      %dma_wait3A_405 = arith.constant 0 : i32
      %dma_wait3A_406 = arith.constant 0 : i32
      %dma_wait3A_407 = tpu.memref_slice %arg15[%dma_wait3A_405, %dma_wait3A_406] : memref<10240x32xf32, #tpu.memory_space<vmem_shared>> -> memref<10240x32xf32, #tpu.memory_space<vmem_shared>>
      tpu.wait_indirect_dma semaphore(%arg22 : memref<!tpu.dma_semaphore, #tpu.memory_space<semaphore_mem>>) src(%arg11 : memref<128x32xf32, #tpu.memory_space<vmem>>) dst(%dma_wait3A_407 : memref<10240x32xf32, #tpu.memory_space<vmem_shared>>)
      %add3A_408 = arith.constant 6 : i32
      %add3A_409 = arith.addi %add3A_399, %add3A_408 : i32
      %sub3A_410 = arith.constant 1 : i32
      %sub3A_411 = arith.subi %add3A_409, %sub3A_410 : i32
      %dma_start3A_412 = arith.constant 0 : i32
      %dma_start3A_413 = tpu.memref_slice %arg6[%sub3A_411, %dma_start3A_412] : memref<157x128xi32, #tpu.memory_space<vmem>> -> memref<1x128xi32, #tpu.memory_space<vmem>>
      %dma_start3A_414 = tpu.memref_squeeze %dma_start3A_413 : memref<1x128xi32, #tpu.memory_space<vmem>> -> memref<128xi32, #tpu.memory_space<vmem>>
      %dma_start3A_415 = arith.constant 0 : i32
      %dma_start3A_416 = arith.constant 0 : i32
      %dma_start3A_417 = tpu.memref_slice %arg4[%arg0, %dma_start3A_415, %dma_start3A_416] : memref<2x10000x32xf32, #tpu.memory_space<hbm>> -> memref<1x10000x32xf32, #tpu.memory_space<hbm>>
      %dma_start3A_418 = tpu.memref_squeeze %dma_start3A_417 : memref<1x10000x32xf32, #tpu.memory_space<hbm>> -> memref<10000x32xf32, #tpu.memory_space<hbm>>
      %dma_start3A_419 = arith.constant 0 : i32
      %dma_start3A_420 = arith.constant 0 : i32
      %dma_start3A_421 = tpu.memref_slice %dma_start3A_418[%dma_start3A_419, %dma_start3A_420] : memref<10000x32xf32, #tpu.memory_space<hbm>> -> memref<10000x32xf32, #tpu.memory_space<hbm>>
      tpu.enqueue_indirect_dma source(%dma_start3A_421 : memref<10000x32xf32, #tpu.memory_space<hbm>>) target(%arg11 : memref<128x32xf32, #tpu.memory_space<vmem>>) offsets(%dma_start3A_414 : memref<128xi32, #tpu.memory_space<vmem>>) semaphore(%arg19 : memref<!tpu.dma_semaphore, #tpu.memory_space<semaphore_mem>>)
      %dma_wait3A_422 = arith.constant 0 : i32
      %dma_wait3A_423 = tpu.memref_slice %arg6[%add3A_399, %dma_wait3A_422] : memref<157x128xi32, #tpu.memory_space<vmem>> -> memref<1x128xi32, #tpu.memory_space<vmem>>
      %dma_wait3A_424 = tpu.memref_squeeze %dma_wait3A_423 : memref<1x128xi32, #tpu.memory_space<vmem>> -> memref<128xi32, #tpu.memory_space<vmem>>
      %dma_wait3A_425 = arith.constant 0 : i32
      %dma_wait3A_426 = arith.constant 0 : i32
      %dma_wait3A_427 = tpu.memref_slice %arg4[%arg0, %dma_wait3A_425, %dma_wait3A_426] : memref<2x10000x32xf32, #tpu.memory_space<hbm>> -> memref<1x10000x32xf32, #tpu.memory_space<hbm>>
      %dma_wait3A_428 = tpu.memref_squeeze %dma_wait3A_427 : memref<1x10000x32xf32, #tpu.memory_space<hbm>> -> memref<10000x32xf32, #tpu.memory_space<hbm>>
      %dma_wait3A_429 = arith.constant 0 : i32
      %dma_wait3A_430 = arith.constant 0 : i32
      %dma_wait3A_431 = tpu.memref_slice %dma_wait3A_428[%dma_wait3A_429, %dma_wait3A_430] : memref<10000x32xf32, #tpu.memory_space<hbm>> -> memref<10000x32xf32, #tpu.memory_space<hbm>>
      tpu.wait_indirect_dma semaphore(%arg20 : memref<!tpu.dma_semaphore, #tpu.memory_space<semaphore_mem>>) src(%dma_wait3A_431 : memref<10000x32xf32, #tpu.memory_space<hbm>>) dst(%arg12 : memref<128x32xf32, #tpu.memory_space<vmem>>)
      %dma_start3A_432 = arith.constant 0 : i32
      %dma_start3A_433 = tpu.memref_slice %arg7[%add3A_399, %dma_start3A_432] : memref<157x128xi32, #tpu.memory_space<vmem>> -> memref<1x128xi32, #tpu.memory_space<vmem>>
      %dma_start3A_434 = tpu.memref_squeeze %dma_start3A_433 : memref<1x128xi32, #tpu.memory_space<vmem>> -> memref<128xi32, #tpu.memory_space<vmem>>
      %dma_start3A_435 = arith.constant 0 : i32
      %dma_start3A_436 = arith.constant 0 : i32
      %dma_start3A_437 = tpu.memref_slice %arg15[%dma_start3A_435, %dma_start3A_436] : memref<10240x32xf32, #tpu.memory_space<vmem_shared>> -> memref<10240x32xf32, #tpu.memory_space<vmem_shared>>
      tpu.enqueue_indirect_dma source(%arg12 : memref<128x32xf32, #tpu.memory_space<vmem>>) target(%dma_start3A_437 : memref<10240x32xf32, #tpu.memory_space<vmem_shared>>) offsets(%dma_start3A_434 : memref<128xi32, #tpu.memory_space<vmem>>) semaphore(%arg22 : memref<!tpu.dma_semaphore, #tpu.memory_space<semaphore_mem>>) {add = true}
      %add3A_438 = arith.constant 4 : i32
      %add3A_439 = arith.addi %add3A_278, %add3A_438 : i32
      %sub3A_440 = arith.constant 1 : i32
      %sub3A_441 = arith.subi %add3A_439, %sub3A_440 : i32
      %dma_wait3A_442 = arith.constant 0 : i32
      %dma_wait3A_443 = tpu.memref_slice %arg7[%sub3A_441, %dma_wait3A_442] : memref<157x128xi32, #tpu.memory_space<vmem>> -> memref<1x128xi32, #tpu.memory_space<vmem>>
      %dma_wait3A_444 = tpu.memref_squeeze %dma_wait3A_443 : memref<1x128xi32, #tpu.memory_space<vmem>> -> memref<128xi32, #tpu.memory_space<vmem>>
      %dma_wait3A_445 = arith.constant 0 : i32
      %dma_wait3A_446 = arith.constant 0 : i32
      %dma_wait3A_447 = tpu.memref_slice %arg15[%dma_wait3A_445, %dma_wait3A_446] : memref<10240x32xf32, #tpu.memory_space<vmem_shared>> -> memref<10240x32xf32, #tpu.memory_space<vmem_shared>>
      tpu.wait_indirect_dma semaphore(%arg22 : memref<!tpu.dma_semaphore, #tpu.memory_space<semaphore_mem>>) src(%arg12 : memref<128x32xf32, #tpu.memory_space<vmem>>) dst(%dma_wait3A_447 : memref<10240x32xf32, #tpu.memory_space<vmem_shared>>)
      %add3A_448 = arith.constant 6 : i32
      %add3A_449 = arith.addi %add3A_439, %add3A_448 : i32
      %sub3A_450 = arith.constant 1 : i32
      %sub3A_451 = arith.subi %add3A_449, %sub3A_450 : i32
      %dma_start3A_452 = arith.constant 0 : i32
      %dma_start3A_453 = tpu.memref_slice %arg6[%sub3A_451, %dma_start3A_452] : memref<157x128xi32, #tpu.memory_space<vmem>> -> memref<1x128xi32, #tpu.memory_space<vmem>>
      %dma_start3A_454 = tpu.memref_squeeze %dma_start3A_453 : memref<1x128xi32, #tpu.memory_space<vmem>> -> memref<128xi32, #tpu.memory_space<vmem>>
      %dma_start3A_455 = arith.constant 0 : i32
      %dma_start3A_456 = arith.constant 0 : i32
      %dma_start3A_457 = tpu.memref_slice %arg4[%arg0, %dma_start3A_455, %dma_start3A_456] : memref<2x10000x32xf32, #tpu.memory_space<hbm>> -> memref<1x10000x32xf32, #tpu.memory_space<hbm>>
      %dma_start3A_458 = tpu.memref_squeeze %dma_start3A_457 : memref<1x10000x32xf32, #tpu.memory_space<hbm>> -> memref<10000x32xf32, #tpu.memory_space<hbm>>
      %dma_start3A_459 = arith.constant 0 : i32
      %dma_start3A_460 = arith.constant 0 : i32
      %dma_start3A_461 = tpu.memref_slice %dma_start3A_458[%dma_start3A_459, %dma_start3A_460] : memref<10000x32xf32, #tpu.memory_space<hbm>> -> memref<10000x32xf32, #tpu.memory_space<hbm>>
      tpu.enqueue_indirect_dma source(%dma_start3A_461 : memref<10000x32xf32, #tpu.memory_space<hbm>>) target(%arg12 : memref<128x32xf32, #tpu.memory_space<vmem>>) offsets(%dma_start3A_454 : memref<128xi32, #tpu.memory_space<vmem>>) semaphore(%arg20 : memref<!tpu.dma_semaphore, #tpu.memory_space<semaphore_mem>>)
      %dma_wait3A_462 = arith.constant 0 : i32
      %dma_wait3A_463 = tpu.memref_slice %arg6[%add3A_439, %dma_wait3A_462] : memref<157x128xi32, #tpu.memory_space<vmem>> -> memref<1x128xi32, #tpu.memory_space<vmem>>
      %dma_wait3A_464 = tpu.memref_squeeze %dma_wait3A_463 : memref<1x128xi32, #tpu.memory_space<vmem>> -> memref<128xi32, #tpu.memory_space<vmem>>
      %dma_wait3A_465 = arith.constant 0 : i32
      %dma_wait3A_466 = arith.constant 0 : i32
      %dma_wait3A_467 = tpu.memref_slice %arg4[%arg0, %dma_wait3A_465, %dma_wait3A_466] : memref<2x10000x32xf32, #tpu.memory_space<hbm>> -> memref<1x10000x32xf32, #tpu.memory_space<hbm>>
      %dma_wait3A_468 = tpu.memref_squeeze %dma_wait3A_467 : memref<1x10000x32xf32, #tpu.memory_space<hbm>> -> memref<10000x32xf32, #tpu.memory_space<hbm>>
      %dma_wait3A_469 = arith.constant 0 : i32
      %dma_wait3A_470 = arith.constant 0 : i32
      %dma_wait3A_471 = tpu.memref_slice %dma_wait3A_468[%dma_wait3A_469, %dma_wait3A_470] : memref<10000x32xf32, #tpu.memory_space<hbm>> -> memref<10000x32xf32, #tpu.memory_space<hbm>>
      tpu.wait_indirect_dma semaphore(%arg21 : memref<!tpu.dma_semaphore, #tpu.memory_space<semaphore_mem>>) src(%dma_wait3A_471 : memref<10000x32xf32, #tpu.memory_space<hbm>>) dst(%arg13 : memref<128x32xf32, #tpu.memory_space<vmem>>)
      %dma_start3A_472 = arith.constant 0 : i32
      %dma_start3A_473 = tpu.memref_slice %arg7[%add3A_439, %dma_start3A_472] : memref<157x128xi32, #tpu.memory_space<vmem>> -> memref<1x128xi32, #tpu.memory_space<vmem>>
      %dma_start3A_474 = tpu.memref_squeeze %dma_start3A_473 : memref<1x128xi32, #tpu.memory_space<vmem>> -> memref<128xi32, #tpu.memory_space<vmem>>
      %dma_start3A_475 = arith.constant 0 : i32
      %dma_start3A_476 = arith.constant 0 : i32
      %dma_start3A_477 = tpu.memref_slice %arg15[%dma_start3A_475, %dma_start3A_476] : memref<10240x32xf32, #tpu.memory_space<vmem_shared>> -> memref<10240x32xf32, #tpu.memory_space<vmem_shared>>
      tpu.enqueue_indirect_dma source(%arg13 : memref<128x32xf32, #tpu.memory_space<vmem>>) target(%dma_start3A_477 : memref<10240x32xf32, #tpu.memory_space<vmem_shared>>) offsets(%dma_start3A_474 : memref<128xi32, #tpu.memory_space<vmem>>) semaphore(%arg22 : memref<!tpu.dma_semaphore, #tpu.memory_space<semaphore_mem>>) {add = true}
      %add3A_478 = arith.constant 5 : i32
      %add3A_479 = arith.addi %add3A_278, %add3A_478 : i32
      %sub3A_480 = arith.constant 1 : i32
      %sub3A_481 = arith.subi %add3A_479, %sub3A_480 : i32
      %dma_wait3A_482 = arith.constant 0 : i32
      %dma_wait3A_483 = tpu.memref_slice %arg7[%sub3A_481, %dma_wait3A_482] : memref<157x128xi32, #tpu.memory_space<vmem>> -> memref<1x128xi32, #tpu.memory_space<vmem>>
      %dma_wait3A_484 = tpu.memref_squeeze %dma_wait3A_483 : memref<1x128xi32, #tpu.memory_space<vmem>> -> memref<128xi32, #tpu.memory_space<vmem>>
      %dma_wait3A_485 = arith.constant 0 : i32
      %dma_wait3A_486 = arith.constant 0 : i32
      %dma_wait3A_487 = tpu.memref_slice %arg15[%dma_wait3A_485, %dma_wait3A_486] : memref<10240x32xf32, #tpu.memory_space<vmem_shared>> -> memref<10240x32xf32, #tpu.memory_space<vmem_shared>>
      tpu.wait_indirect_dma semaphore(%arg22 : memref<!tpu.dma_semaphore, #tpu.memory_space<semaphore_mem>>) src(%arg13 : memref<128x32xf32, #tpu.memory_space<vmem>>) dst(%dma_wait3A_487 : memref<10240x32xf32, #tpu.memory_space<vmem_shared>>)
      %add3A_488 = arith.constant 6 : i32
      %add3A_489 = arith.addi %add3A_479, %add3A_488 : i32
      %sub3A_490 = arith.constant 1 : i32
      %sub3A_491 = arith.subi %add3A_489, %sub3A_490 : i32
      %dma_start3A_492 = arith.constant 0 : i32
      %dma_start3A_493 = tpu.memref_slice %arg6[%sub3A_491, %dma_start3A_492] : memref<157x128xi32, #tpu.memory_space<vmem>> -> memref<1x128xi32, #tpu.memory_space<vmem>>
      %dma_start3A_494 = tpu.memref_squeeze %dma_start3A_493 : memref<1x128xi32, #tpu.memory_space<vmem>> -> memref<128xi32, #tpu.memory_space<vmem>>
      %dma_start3A_495 = arith.constant 0 : i32
      %dma_start3A_496 = arith.constant 0 : i32
      %dma_start3A_497 = tpu.memref_slice %arg4[%arg0, %dma_start3A_495, %dma_start3A_496] : memref<2x10000x32xf32, #tpu.memory_space<hbm>> -> memref<1x10000x32xf32, #tpu.memory_space<hbm>>
      %dma_start3A_498 = tpu.memref_squeeze %dma_start3A_497 : memref<1x10000x32xf32, #tpu.memory_space<hbm>> -> memref<10000x32xf32, #tpu.memory_space<hbm>>
      %dma_start3A_499 = arith.constant 0 : i32
      %dma_start3A_500 = arith.constant 0 : i32
      %dma_start3A_501 = tpu.memref_slice %dma_start3A_498[%dma_start3A_499, %dma_start3A_500] : memref<10000x32xf32, #tpu.memory_space<hbm>> -> memref<10000x32xf32, #tpu.memory_space<hbm>>
      tpu.enqueue_indirect_dma source(%dma_start3A_501 : memref<10000x32xf32, #tpu.memory_space<hbm>>) target(%arg13 : memref<128x32xf32, #tpu.memory_space<vmem>>) offsets(%dma_start3A_494 : memref<128xi32, #tpu.memory_space<vmem>>) semaphore(%arg21 : memref<!tpu.dma_semaphore, #tpu.memory_space<semaphore_mem>>)
      %dma_wait3A_502 = arith.constant 0 : i32
      %dma_wait3A_503 = tpu.memref_slice %arg6[%add3A_479, %dma_wait3A_502] : memref<157x128xi32, #tpu.memory_space<vmem>> -> memref<1x128xi32, #tpu.memory_space<vmem>>
      %dma_wait3A_504 = tpu.memref_squeeze %dma_wait3A_503 : memref<1x128xi32, #tpu.memory_space<vmem>> -> memref<128xi32, #tpu.memory_space<vmem>>
      %dma_wait3A_505 = arith.constant 0 : i32
      %dma_wait3A_506 = arith.constant 0 : i32
      %dma_wait3A_507 = tpu.memref_slice %arg4[%arg0, %dma_wait3A_505, %dma_wait3A_506] : memref<2x10000x32xf32, #tpu.memory_space<hbm>> -> memref<1x10000x32xf32, #tpu.memory_space<hbm>>
      %dma_wait3A_508 = tpu.memref_squeeze %dma_wait3A_507 : memref<1x10000x32xf32, #tpu.memory_space<hbm>> -> memref<10000x32xf32, #tpu.memory_space<hbm>>
      %dma_wait3A_509 = arith.constant 0 : i32
      %dma_wait3A_510 = arith.constant 0 : i32
      %dma_wait3A_511 = tpu.memref_slice %dma_wait3A_508[%dma_wait3A_509, %dma_wait3A_510] : memref<10000x32xf32, #tpu.memory_space<hbm>> -> memref<10000x32xf32, #tpu.memory_space<hbm>>
      tpu.wait_indirect_dma semaphore(%arg16 : memref<!tpu.dma_semaphore, #tpu.memory_space<semaphore_mem>>) src(%dma_wait3A_511 : memref<10000x32xf32, #tpu.memory_space<hbm>>) dst(%arg8 : memref<128x32xf32, #tpu.memory_space<vmem>>)
      %dma_start3A_512 = arith.constant 0 : i32
      %dma_start3A_513 = tpu.memref_slice %arg7[%add3A_479, %dma_start3A_512] : memref<157x128xi32, #tpu.memory_space<vmem>> -> memref<1x128xi32, #tpu.memory_space<vmem>>
      %dma_start3A_514 = tpu.memref_squeeze %dma_start3A_513 : memref<1x128xi32, #tpu.memory_space<vmem>> -> memref<128xi32, #tpu.memory_space<vmem>>
      %dma_start3A_515 = arith.constant 0 : i32
      %dma_start3A_516 = arith.constant 0 : i32
      %dma_start3A_517 = tpu.memref_slice %arg15[%dma_start3A_515, %dma_start3A_516] : memref<10240x32xf32, #tpu.memory_space<vmem_shared>> -> memref<10240x32xf32, #tpu.memory_space<vmem_shared>>
      tpu.enqueue_indirect_dma source(%arg8 : memref<128x32xf32, #tpu.memory_space<vmem>>) target(%dma_start3A_517 : memref<10240x32xf32, #tpu.memory_space<vmem_shared>>) offsets(%dma_start3A_514 : memref<128xi32, #tpu.memory_space<vmem>>) semaphore(%arg22 : memref<!tpu.dma_semaphore, #tpu.memory_space<semaphore_mem>>) {add = true}
      %scan3A_518 = arith.constant 0 : i32
      scf.yield %scan3A_518 : i32
    }
    %scan3A_101 = arith.constant 25 : i32
    %dma_wait3A_102 = arith.constant 150 : i32
    %dma_wait3A_103 = arith.constant 0 : i32
    %dma_wait3A_104 = tpu.memref_slice %arg7[%dma_wait3A_102, %dma_wait3A_103] : memref<157x128xi32, #tpu.memory_space<vmem>> -> memref<1x128xi32, #tpu.memory_space<vmem>>
    %dma_wait3A_105 = tpu.memref_squeeze %dma_wait3A_104 : memref<1x128xi32, #tpu.memory_space<vmem>> -> memref<128xi32, #tpu.memory_space<vmem>>
    %dma_wait3A_106 = arith.constant 0 : i32
    %dma_wait3A_107 = arith.constant 0 : i32
    %dma_wait3A_108 = tpu.memref_slice %arg15[%dma_wait3A_106, %dma_wait3A_107] : memref<10240x32xf32, #tpu.memory_space<vmem_shared>> -> memref<10240x32xf32, #tpu.memory_space<vmem_shared>>
    tpu.wait_indirect_dma semaphore(%arg22 : memref<!tpu.dma_semaphore, #tpu.memory_space<semaphore_mem>>) src(%arg8 : memref<128x32xf32, #tpu.memory_space<vmem>>) dst(%dma_wait3A_108 : memref<10240x32xf32, #tpu.memory_space<vmem_shared>>)
    %dma_start3A_109 = arith.constant 156 : i32
    %dma_start3A_110 = arith.constant 0 : i32
    %dma_start3A_111 = tpu.memref_slice %arg6[%dma_start3A_109, %dma_start3A_110] : memref<157x128xi32, #tpu.memory_space<vmem>> -> memref<1x128xi32, #tpu.memory_space<vmem>>
    %dma_start3A_112 = tpu.memref_squeeze %dma_start3A_111 : memref<1x128xi32, #tpu.memory_space<vmem>> -> memref<128xi32, #tpu.memory_space<vmem>>
    %dma_start3A_113 = arith.constant 0 : i32
    %dma_start3A_114 = arith.constant 0 : i32
    %dma_start3A_115 = tpu.memref_slice %arg4[%arg0, %dma_start3A_113, %dma_start3A_114] : memref<2x10000x32xf32, #tpu.memory_space<hbm>> -> memref<1x10000x32xf32, #tpu.memory_space<hbm>>
    %dma_start3A_116 = tpu.memref_squeeze %dma_start3A_115 : memref<1x10000x32xf32, #tpu.memory_space<hbm>> -> memref<10000x32xf32, #tpu.memory_space<hbm>>
    %dma_start3A_117 = arith.constant 0 : i32
    %dma_start3A_118 = arith.constant 0 : i32
    %dma_start3A_119 = tpu.memref_slice %dma_start3A_116[%dma_start3A_117, %dma_start3A_118] : memref<10000x32xf32, #tpu.memory_space<hbm>> -> memref<10000x32xf32, #tpu.memory_space<hbm>>
    tpu.enqueue_indirect_dma source(%dma_start3A_119 : memref<10000x32xf32, #tpu.memory_space<hbm>>) target(%arg8 : memref<128x32xf32, #tpu.memory_space<vmem>>) offsets(%dma_start3A_112 : memref<128xi32, #tpu.memory_space<vmem>>) semaphore(%arg16 : memref<!tpu.dma_semaphore, #tpu.memory_space<semaphore_mem>>)
    %dma_wait3A_120 = arith.constant 151 : i32
    %dma_wait3A_121 = arith.constant 0 : i32
    %dma_wait3A_122 = tpu.memref_slice %arg6[%dma_wait3A_120, %dma_wait3A_121] : memref<157x128xi32, #tpu.memory_space<vmem>> -> memref<1x128xi32, #tpu.memory_space<vmem>>
    %dma_wait3A_123 = tpu.memref_squeeze %dma_wait3A_122 : memref<1x128xi32, #tpu.memory_space<vmem>> -> memref<128xi32, #tpu.memory_space<vmem>>
    %dma_wait3A_124 = arith.constant 0 : i32
    %dma_wait3A_125 = arith.constant 0 : i32
    %dma_wait3A_126 = tpu.memref_slice %arg4[%arg0, %dma_wait3A_124, %dma_wait3A_125] : memref<2x10000x32xf32, #tpu.memory_space<hbm>> -> memref<1x10000x32xf32, #tpu.memory_space<hbm>>
    %dma_wait3A_127 = tpu.memref_squeeze %dma_wait3A_126 : memref<1x10000x32xf32, #tpu.memory_space<hbm>> -> memref<10000x32xf32, #tpu.memory_space<hbm>>
    %dma_wait3A_128 = arith.constant 0 : i32
    %dma_wait3A_129 = arith.constant 0 : i32
    %dma_wait3A_130 = tpu.memref_slice %dma_wait3A_127[%dma_wait3A_128, %dma_wait3A_129] : memref<10000x32xf32, #tpu.memory_space<hbm>> -> memref<10000x32xf32, #tpu.memory_space<hbm>>
    tpu.wait_indirect_dma semaphore(%arg17 : memref<!tpu.dma_semaphore, #tpu.memory_space<semaphore_mem>>) src(%dma_wait3A_130 : memref<10000x32xf32, #tpu.memory_space<hbm>>) dst(%arg9 : memref<128x32xf32, #tpu.memory_space<vmem>>)
    %dma_start3A_131 = arith.constant 151 : i32
    %dma_start3A_132 = arith.constant 0 : i32
    %dma_start3A_133 = tpu.memref_slice %arg7[%dma_start3A_131, %dma_start3A_132] : memref<157x128xi32, #tpu.memory_space<vmem>> -> memref<1x128xi32, #tpu.memory_space<vmem>>
    %dma_start3A_134 = tpu.memref_squeeze %dma_start3A_133 : memref<1x128xi32, #tpu.memory_space<vmem>> -> memref<128xi32, #tpu.memory_space<vmem>>
    %dma_start3A_135 = arith.constant 0 : i32
    %dma_start3A_136 = arith.constant 0 : i32
    %dma_start3A_137 = tpu.memref_slice %arg15[%dma_start3A_135, %dma_start3A_136] : memref<10240x32xf32, #tpu.memory_space<vmem_shared>> -> memref<10240x32xf32, #tpu.memory_space<vmem_shared>>
    tpu.enqueue_indirect_dma source(%arg9 : memref<128x32xf32, #tpu.memory_space<vmem>>) target(%dma_start3A_137 : memref<10240x32xf32, #tpu.memory_space<vmem_shared>>) offsets(%dma_start3A_134 : memref<128xi32, #tpu.memory_space<vmem>>) semaphore(%arg22 : memref<!tpu.dma_semaphore, #tpu.memory_space<semaphore_mem>>) {add = true}
    %dma_wait3A_138 = arith.constant 151 : i32
    %dma_wait3A_139 = arith.constant 0 : i32
    %dma_wait3A_140 = tpu.memref_slice %arg7[%dma_wait3A_138, %dma_wait3A_139] : memref<157x128xi32, #tpu.memory_space<vmem>> -> memref<1x128xi32, #tpu.memory_space<vmem>>
    %dma_wait3A_141 = tpu.memref_squeeze %dma_wait3A_140 : memref<1x128xi32, #tpu.memory_space<vmem>> -> memref<128xi32, #tpu.memory_space<vmem>>
    %dma_wait3A_142 = arith.constant 0 : i32
    %dma_wait3A_143 = arith.constant 0 : i32
    %dma_wait3A_144 = tpu.memref_slice %arg15[%dma_wait3A_142, %dma_wait3A_143] : memref<10240x32xf32, #tpu.memory_space<vmem_shared>> -> memref<10240x32xf32, #tpu.memory_space<vmem_shared>>
    tpu.wait_indirect_dma semaphore(%arg22 : memref<!tpu.dma_semaphore, #tpu.memory_space<semaphore_mem>>) src(%arg9 : memref<128x32xf32, #tpu.memory_space<vmem>>) dst(%dma_wait3A_144 : memref<10240x32xf32, #tpu.memory_space<vmem_shared>>)
    %dma_wait3A_145 = arith.constant 152 : i32
    %dma_wait3A_146 = arith.constant 0 : i32
    %dma_wait3A_147 = tpu.memref_slice %arg6[%dma_wait3A_145, %dma_wait3A_146] : memref<157x128xi32, #tpu.memory_space<vmem>> -> memref<1x128xi32, #tpu.memory_space<vmem>>
    %dma_wait3A_148 = tpu.memref_squeeze %dma_wait3A_147 : memref<1x128xi32, #tpu.memory_space<vmem>> -> memref<128xi32, #tpu.memory_space<vmem>>
    %dma_wait3A_149 = arith.constant 0 : i32
    %dma_wait3A_150 = arith.constant 0 : i32
    %dma_wait3A_151 = tpu.memref_slice %arg4[%arg0, %dma_wait3A_149, %dma_wait3A_150] : memref<2x10000x32xf32, #tpu.memory_space<hbm>> -> memref<1x10000x32xf32, #tpu.memory_space<hbm>>
    %dma_wait3A_152 = tpu.memref_squeeze %dma_wait3A_151 : memref<1x10000x32xf32, #tpu.memory_space<hbm>> -> memref<10000x32xf32, #tpu.memory_space<hbm>>
    %dma_wait3A_153 = arith.constant 0 : i32
    %dma_wait3A_154 = arith.constant 0 : i32
    %dma_wait3A_155 = tpu.memref_slice %dma_wait3A_152[%dma_wait3A_153, %dma_wait3A_154] : memref<10000x32xf32, #tpu.memory_space<hbm>> -> memref<10000x32xf32, #tpu.memory_space<hbm>>
    tpu.wait_indirect_dma semaphore(%arg18 : memref<!tpu.dma_semaphore, #tpu.memory_space<semaphore_mem>>) src(%dma_wait3A_155 : memref<10000x32xf32, #tpu.memory_space<hbm>>) dst(%arg10 : memref<128x32xf32, #tpu.memory_space<vmem>>)
    %dma_start3A_156 = arith.constant 152 : i32
    %dma_start3A_157 = arith.constant 0 : i32
    %dma_start3A_158 = tpu.memref_slice %arg7[%dma_start3A_156, %dma_start3A_157] : memref<157x128xi32, #tpu.memory_space<vmem>> -> memref<1x128xi32, #tpu.memory_space<vmem>>
    %dma_start3A_159 = tpu.memref_squeeze %dma_start3A_158 : memref<1x128xi32, #tpu.memory_space<vmem>> -> memref<128xi32, #tpu.memory_space<vmem>>
    %dma_start3A_160 = arith.constant 0 : i32
    %dma_start3A_161 = arith.constant 0 : i32
    %dma_start3A_162 = tpu.memref_slice %arg15[%dma_start3A_160, %dma_start3A_161] : memref<10240x32xf32, #tpu.memory_space<vmem_shared>> -> memref<10240x32xf32, #tpu.memory_space<vmem_shared>>
    tpu.enqueue_indirect_dma source(%arg10 : memref<128x32xf32, #tpu.memory_space<vmem>>) target(%dma_start3A_162 : memref<10240x32xf32, #tpu.memory_space<vmem_shared>>) offsets(%dma_start3A_159 : memref<128xi32, #tpu.memory_space<vmem>>) semaphore(%arg22 : memref<!tpu.dma_semaphore, #tpu.memory_space<semaphore_mem>>) {add = true}
    %dma_wait3A_163 = arith.constant 152 : i32
    %dma_wait3A_164 = arith.constant 0 : i32
    %dma_wait3A_165 = tpu.memref_slice %arg7[%dma_wait3A_163, %dma_wait3A_164] : memref<157x128xi32, #tpu.memory_space<vmem>> -> memref<1x128xi32, #tpu.memory_space<vmem>>
    %dma_wait3A_166 = tpu.memref_squeeze %dma_wait3A_165 : memref<1x128xi32, #tpu.memory_space<vmem>> -> memref<128xi32, #tpu.memory_space<vmem>>
    %dma_wait3A_167 = arith.constant 0 : i32
    %dma_wait3A_168 = arith.constant 0 : i32
    %dma_wait3A_169 = tpu.memref_slice %arg15[%dma_wait3A_167, %dma_wait3A_168] : memref<10240x32xf32, #tpu.memory_space<vmem_shared>> -> memref<10240x32xf32, #tpu.memory_space<vmem_shared>>
    tpu.wait_indirect_dma semaphore(%arg22 : memref<!tpu.dma_semaphore, #tpu.memory_space<semaphore_mem>>) src(%arg10 : memref<128x32xf32, #tpu.memory_space<vmem>>) dst(%dma_wait3A_169 : memref<10240x32xf32, #tpu.memory_space<vmem_shared>>)
    %dma_wait3A_170 = arith.constant 153 : i32
    %dma_wait3A_171 = arith.constant 0 : i32
    %dma_wait3A_172 = tpu.memref_slice %arg6[%dma_wait3A_170, %dma_wait3A_171] : memref<157x128xi32, #tpu.memory_space<vmem>> -> memref<1x128xi32, #tpu.memory_space<vmem>>
    %dma_wait3A_173 = tpu.memref_squeeze %dma_wait3A_172 : memref<1x128xi32, #tpu.memory_space<vmem>> -> memref<128xi32, #tpu.memory_space<vmem>>
    %dma_wait3A_174 = arith.constant 0 : i32
    %dma_wait3A_175 = arith.constant 0 : i32
    %dma_wait3A_176 = tpu.memref_slice %arg4[%arg0, %dma_wait3A_174, %dma_wait3A_175] : memref<2x10000x32xf32, #tpu.memory_space<hbm>> -> memref<1x10000x32xf32, #tpu.memory_space<hbm>>
    %dma_wait3A_177 = tpu.memref_squeeze %dma_wait3A_176 : memref<1x10000x32xf32, #tpu.memory_space<hbm>> -> memref<10000x32xf32, #tpu.memory_space<hbm>>
    %dma_wait3A_178 = arith.constant 0 : i32
    %dma_wait3A_179 = arith.constant 0 : i32
    %dma_wait3A_180 = tpu.memref_slice %dma_wait3A_177[%dma_wait3A_178, %dma_wait3A_179] : memref<10000x32xf32, #tpu.memory_space<hbm>> -> memref<10000x32xf32, #tpu.memory_space<hbm>>
    tpu.wait_indirect_dma semaphore(%arg19 : memref<!tpu.dma_semaphore, #tpu.memory_space<semaphore_mem>>) src(%dma_wait3A_180 : memref<10000x32xf32, #tpu.memory_space<hbm>>) dst(%arg11 : memref<128x32xf32, #tpu.memory_space<vmem>>)
    %dma_start3A_181 = arith.constant 153 : i32
    %dma_start3A_182 = arith.constant 0 : i32
    %dma_start3A_183 = tpu.memref_slice %arg7[%dma_start3A_181, %dma_start3A_182] : memref<157x128xi32, #tpu.memory_space<vmem>> -> memref<1x128xi32, #tpu.memory_space<vmem>>
    %dma_start3A_184 = tpu.memref_squeeze %dma_start3A_183 : memref<1x128xi32, #tpu.memory_space<vmem>> -> memref<128xi32, #tpu.memory_space<vmem>>
    %dma_start3A_185 = arith.constant 0 : i32
    %dma_start3A_186 = arith.constant 0 : i32
    %dma_start3A_187 = tpu.memref_slice %arg15[%dma_start3A_185, %dma_start3A_186] : memref<10240x32xf32, #tpu.memory_space<vmem_shared>> -> memref<10240x32xf32, #tpu.memory_space<vmem_shared>>
    tpu.enqueue_indirect_dma source(%arg11 : memref<128x32xf32, #tpu.memory_space<vmem>>) target(%dma_start3A_187 : memref<10240x32xf32, #tpu.memory_space<vmem_shared>>) offsets(%dma_start3A_184 : memref<128xi32, #tpu.memory_space<vmem>>) semaphore(%arg22 : memref<!tpu.dma_semaphore, #tpu.memory_space<semaphore_mem>>) {add = true}
    %dma_wait3A_188 = arith.constant 153 : i32
    %dma_wait3A_189 = arith.constant 0 : i32
    %dma_wait3A_190 = tpu.memref_slice %arg7[%dma_wait3A_188, %dma_wait3A_189] : memref<157x128xi32, #tpu.memory_space<vmem>> -> memref<1x128xi32, #tpu.memory_space<vmem>>
    %dma_wait3A_191 = tpu.memref_squeeze %dma_wait3A_190 : memref<1x128xi32, #tpu.memory_space<vmem>> -> memref<128xi32, #tpu.memory_space<vmem>>
    %dma_wait3A_192 = arith.constant 0 : i32
    %dma_wait3A_193 = arith.constant 0 : i32
    %dma_wait3A_194 = tpu.memref_slice %arg15[%dma_wait3A_192, %dma_wait3A_193] : memref<10240x32xf32, #tpu.memory_space<vmem_shared>> -> memref<10240x32xf32, #tpu.memory_space<vmem_shared>>
    tpu.wait_indirect_dma semaphore(%arg22 : memref<!tpu.dma_semaphore, #tpu.memory_space<semaphore_mem>>) src(%arg11 : memref<128x32xf32, #tpu.memory_space<vmem>>) dst(%dma_wait3A_194 : memref<10240x32xf32, #tpu.memory_space<vmem_shared>>)
    %dma_wait3A_195 = arith.constant 154 : i32
    %dma_wait3A_196 = arith.constant 0 : i32
    %dma_wait3A_197 = tpu.memref_slice %arg6[%dma_wait3A_195, %dma_wait3A_196] : memref<157x128xi32, #tpu.memory_space<vmem>> -> memref<1x128xi32, #tpu.memory_space<vmem>>
    %dma_wait3A_198 = tpu.memref_squeeze %dma_wait3A_197 : memref<1x128xi32, #tpu.memory_space<vmem>> -> memref<128xi32, #tpu.memory_space<vmem>>
    %dma_wait3A_199 = arith.constant 0 : i32
    %dma_wait3A_200 = arith.constant 0 : i32
    %dma_wait3A_201 = tpu.memref_slice %arg4[%arg0, %dma_wait3A_199, %dma_wait3A_200] : memref<2x10000x32xf32, #tpu.memory_space<hbm>> -> memref<1x10000x32xf32, #tpu.memory_space<hbm>>
    %dma_wait3A_202 = tpu.memref_squeeze %dma_wait3A_201 : memref<1x10000x32xf32, #tpu.memory_space<hbm>> -> memref<10000x32xf32, #tpu.memory_space<hbm>>
    %dma_wait3A_203 = arith.constant 0 : i32
    %dma_wait3A_204 = arith.constant 0 : i32
    %dma_wait3A_205 = tpu.memref_slice %dma_wait3A_202[%dma_wait3A_203, %dma_wait3A_204] : memref<10000x32xf32, #tpu.memory_space<hbm>> -> memref<10000x32xf32, #tpu.memory_space<hbm>>
    tpu.wait_indirect_dma semaphore(%arg20 : memref<!tpu.dma_semaphore, #tpu.memory_space<semaphore_mem>>) src(%dma_wait3A_205 : memref<10000x32xf32, #tpu.memory_space<hbm>>) dst(%arg12 : memref<128x32xf32, #tpu.memory_space<vmem>>)
    %dma_start3A_206 = arith.constant 154 : i32
    %dma_start3A_207 = arith.constant 0 : i32
    %dma_start3A_208 = tpu.memref_slice %arg7[%dma_start3A_206, %dma_start3A_207] : memref<157x128xi32, #tpu.memory_space<vmem>> -> memref<1x128xi32, #tpu.memory_space<vmem>>
    %dma_start3A_209 = tpu.memref_squeeze %dma_start3A_208 : memref<1x128xi32, #tpu.memory_space<vmem>> -> memref<128xi32, #tpu.memory_space<vmem>>
    %dma_start3A_210 = arith.constant 0 : i32
    %dma_start3A_211 = arith.constant 0 : i32
    %dma_start3A_212 = tpu.memref_slice %arg15[%dma_start3A_210, %dma_start3A_211] : memref<10240x32xf32, #tpu.memory_space<vmem_shared>> -> memref<10240x32xf32, #tpu.memory_space<vmem_shared>>
    tpu.enqueue_indirect_dma source(%arg12 : memref<128x32xf32, #tpu.memory_space<vmem>>) target(%dma_start3A_212 : memref<10240x32xf32, #tpu.memory_space<vmem_shared>>) offsets(%dma_start3A_209 : memref<128xi32, #tpu.memory_space<vmem>>) semaphore(%arg22 : memref<!tpu.dma_semaphore, #tpu.memory_space<semaphore_mem>>) {add = true}
    %dma_wait3A_213 = arith.constant 154 : i32
    %dma_wait3A_214 = arith.constant 0 : i32
    %dma_wait3A_215 = tpu.memref_slice %arg7[%dma_wait3A_213, %dma_wait3A_214] : memref<157x128xi32, #tpu.memory_space<vmem>> -> memref<1x128xi32, #tpu.memory_space<vmem>>
    %dma_wait3A_216 = tpu.memref_squeeze %dma_wait3A_215 : memref<1x128xi32, #tpu.memory_space<vmem>> -> memref<128xi32, #tpu.memory_space<vmem>>
    %dma_wait3A_217 = arith.constant 0 : i32
    %dma_wait3A_218 = arith.constant 0 : i32
    %dma_wait3A_219 = tpu.memref_slice %arg15[%dma_wait3A_217, %dma_wait3A_218] : memref<10240x32xf32, #tpu.memory_space<vmem_shared>> -> memref<10240x32xf32, #tpu.memory_space<vmem_shared>>
    tpu.wait_indirect_dma semaphore(%arg22 : memref<!tpu.dma_semaphore, #tpu.memory_space<semaphore_mem>>) src(%arg12 : memref<128x32xf32, #tpu.memory_space<vmem>>) dst(%dma_wait3A_219 : memref<10240x32xf32, #tpu.memory_space<vmem_shared>>)
    %dma_wait3A_220 = arith.constant 155 : i32
    %dma_wait3A_221 = arith.constant 0 : i32
    %dma_wait3A_222 = tpu.memref_slice %arg6[%dma_wait3A_220, %dma_wait3A_221] : memref<157x128xi32, #tpu.memory_space<vmem>> -> memref<1x128xi32, #tpu.memory_space<vmem>>
    %dma_wait3A_223 = tpu.memref_squeeze %dma_wait3A_222 : memref<1x128xi32, #tpu.memory_space<vmem>> -> memref<128xi32, #tpu.memory_space<vmem>>
    %dma_wait3A_224 = arith.constant 0 : i32
    %dma_wait3A_225 = arith.constant 0 : i32
    %dma_wait3A_226 = tpu.memref_slice %arg4[%arg0, %dma_wait3A_224, %dma_wait3A_225] : memref<2x10000x32xf32, #tpu.memory_space<hbm>> -> memref<1x10000x32xf32, #tpu.memory_space<hbm>>
    %dma_wait3A_227 = tpu.memref_squeeze %dma_wait3A_226 : memref<1x10000x32xf32, #tpu.memory_space<hbm>> -> memref<10000x32xf32, #tpu.memory_space<hbm>>
    %dma_wait3A_228 = arith.constant 0 : i32
    %dma_wait3A_229 = arith.constant 0 : i32
    %dma_wait3A_230 = tpu.memref_slice %dma_wait3A_227[%dma_wait3A_228, %dma_wait3A_229] : memref<10000x32xf32, #tpu.memory_space<hbm>> -> memref<10000x32xf32, #tpu.memory_space<hbm>>
    tpu.wait_indirect_dma semaphore(%arg21 : memref<!tpu.dma_semaphore, #tpu.memory_space<semaphore_mem>>) src(%dma_wait3A_230 : memref<10000x32xf32, #tpu.memory_space<hbm>>) dst(%arg13 : memref<128x32xf32, #tpu.memory_space<vmem>>)
    %dma_start3A_231 = arith.constant 155 : i32
    %dma_start3A_232 = arith.constant 0 : i32
    %dma_start3A_233 = tpu.memref_slice %arg7[%dma_start3A_231, %dma_start3A_232] : memref<157x128xi32, #tpu.memory_space<vmem>> -> memref<1x128xi32, #tpu.memory_space<vmem>>
    %dma_start3A_234 = tpu.memref_squeeze %dma_start3A_233 : memref<1x128xi32, #tpu.memory_space<vmem>> -> memref<128xi32, #tpu.memory_space<vmem>>
    %dma_start3A_235 = arith.constant 0 : i32
    %dma_start3A_236 = arith.constant 0 : i32
    %dma_start3A_237 = tpu.memref_slice %arg15[%dma_start3A_235, %dma_start3A_236] : memref<10240x32xf32, #tpu.memory_space<vmem_shared>> -> memref<10240x32xf32, #tpu.memory_space<vmem_shared>>
    tpu.enqueue_indirect_dma source(%arg13 : memref<128x32xf32, #tpu.memory_space<vmem>>) target(%dma_start3A_237 : memref<10240x32xf32, #tpu.memory_space<vmem_shared>>) offsets(%dma_start3A_234 : memref<128xi32, #tpu.memory_space<vmem>>) semaphore(%arg22 : memref<!tpu.dma_semaphore, #tpu.memory_space<semaphore_mem>>) {add = true}
    %dma_wait3A_238 = arith.constant 155 : i32
    %dma_wait3A_239 = arith.constant 0 : i32
    %dma_wait3A_240 = tpu.memref_slice %arg7[%dma_wait3A_238, %dma_wait3A_239] : memref<157x128xi32, #tpu.memory_space<vmem>> -> memref<1x128xi32, #tpu.memory_space<vmem>>
    %dma_wait3A_241 = tpu.memref_squeeze %dma_wait3A_240 : memref<1x128xi32, #tpu.memory_space<vmem>> -> memref<128xi32, #tpu.memory_space<vmem>>
    %dma_wait3A_242 = arith.constant 0 : i32
    %dma_wait3A_243 = arith.constant 0 : i32
    %dma_wait3A_244 = tpu.memref_slice %arg15[%dma_wait3A_242, %dma_wait3A_243] : memref<10240x32xf32, #tpu.memory_space<vmem_shared>> -> memref<10240x32xf32, #tpu.memory_space<vmem_shared>>
    tpu.wait_indirect_dma semaphore(%arg22 : memref<!tpu.dma_semaphore, #tpu.memory_space<semaphore_mem>>) src(%arg13 : memref<128x32xf32, #tpu.memory_space<vmem>>) dst(%dma_wait3A_244 : memref<10240x32xf32, #tpu.memory_space<vmem_shared>>)
    %dma_wait3A_245 = arith.constant 156 : i32
    %dma_wait3A_246 = arith.constant 0 : i32
    %dma_wait3A_247 = tpu.memref_slice %arg6[%dma_wait3A_245, %dma_wait3A_246] : memref<157x128xi32, #tpu.memory_space<vmem>> -> memref<1x128xi32, #tpu.memory_space<vmem>>
    %dma_wait3A_248 = tpu.memref_squeeze %dma_wait3A_247 : memref<1x128xi32, #tpu.memory_space<vmem>> -> memref<128xi32, #tpu.memory_space<vmem>>
    %dma_wait3A_249 = arith.constant 0 : i32
    %dma_wait3A_250 = arith.constant 0 : i32
    %dma_wait3A_251 = tpu.memref_slice %arg4[%arg0, %dma_wait3A_249, %dma_wait3A_250] : memref<2x10000x32xf32, #tpu.memory_space<hbm>> -> memref<1x10000x32xf32, #tpu.memory_space<hbm>>
    %dma_wait3A_252 = tpu.memref_squeeze %dma_wait3A_251 : memref<1x10000x32xf32, #tpu.memory_space<hbm>> -> memref<10000x32xf32, #tpu.memory_space<hbm>>
    %dma_wait3A_253 = arith.constant 0 : i32
    %dma_wait3A_254 = arith.constant 0 : i32
    %dma_wait3A_255 = tpu.memref_slice %dma_wait3A_252[%dma_wait3A_253, %dma_wait3A_254] : memref<10000x32xf32, #tpu.memory_space<hbm>> -> memref<10000x32xf32, #tpu.memory_space<hbm>>
    tpu.wait_indirect_dma semaphore(%arg16 : memref<!tpu.dma_semaphore, #tpu.memory_space<semaphore_mem>>) src(%dma_wait3A_255 : memref<10000x32xf32, #tpu.memory_space<hbm>>) dst(%arg8 : memref<128x32xf32, #tpu.memory_space<vmem>>)
    %dma_start3A_256 = arith.constant 156 : i32
    %dma_start3A_257 = arith.constant 0 : i32
    %dma_start3A_258 = tpu.memref_slice %arg7[%dma_start3A_256, %dma_start3A_257] : memref<157x128xi32, #tpu.memory_space<vmem>> -> memref<1x128xi32, #tpu.memory_space<vmem>>
    %dma_start3A_259 = tpu.memref_squeeze %dma_start3A_258 : memref<1x128xi32, #tpu.memory_space<vmem>> -> memref<128xi32, #tpu.memory_space<vmem>>
    %dma_start3A_260 = arith.constant 0 : i32
    %dma_start3A_261 = arith.constant 0 : i32
    %dma_start3A_262 = tpu.memref_slice %arg15[%dma_start3A_260, %dma_start3A_261] : memref<10240x32xf32, #tpu.memory_space<vmem_shared>> -> memref<10240x32xf32, #tpu.memory_space<vmem_shared>>
    tpu.enqueue_indirect_dma source(%arg8 : memref<128x32xf32, #tpu.memory_space<vmem>>) target(%dma_start3A_262 : memref<10240x32xf32, #tpu.memory_space<vmem_shared>>) offsets(%dma_start3A_259 : memref<128xi32, #tpu.memory_space<vmem>>) semaphore(%arg22 : memref<!tpu.dma_semaphore, #tpu.memory_space<semaphore_mem>>) {add = true}
    %dma_wait3A_263 = arith.constant 156 : i32
    %dma_wait3A_264 = arith.constant 0 : i32
    %dma_wait3A_265 = tpu.memref_slice %arg7[%dma_wait3A_263, %dma_wait3A_264] : memref<157x128xi32, #tpu.memory_space<vmem>> -> memref<1x128xi32, #tpu.memory_space<vmem>>
    %dma_wait3A_266 = tpu.memref_squeeze %dma_wait3A_265 : memref<1x128xi32, #tpu.memory_space<vmem>> -> memref<128xi32, #tpu.memory_space<vmem>>
    %dma_wait3A_267 = arith.constant 0 : i32
    %dma_wait3A_268 = arith.constant 0 : i32
    %dma_wait3A_269 = tpu.memref_slice %arg15[%dma_wait3A_267, %dma_wait3A_268] : memref<10240x32xf32, #tpu.memory_space<vmem_shared>> -> memref<10240x32xf32, #tpu.memory_space<vmem_shared>>
    tpu.wait_indirect_dma semaphore(%arg22 : memref<!tpu.dma_semaphore, #tpu.memory_space<semaphore_mem>>) src(%arg8 : memref<128x32xf32, #tpu.memory_space<vmem>>) dst(%dma_wait3A_269 : memref<10240x32xf32, #tpu.memory_space<vmem_shared>>)
    %barrier3A_270 = arith.constant 0 : index
    tpu.barrier barrier_id(%barrier3A_270)
    %mul3A = arith.constant 640 : i32
    %mul3A_271 = arith.muli %arg1, %mul3A : i32
    %mul3A_272 = arith.constant 640 : i32
    %mul3A_273 = arith.muli %arg1, %mul3A_272 : i32
    "tpu.region"() ({
      %run_scoped3A = tpu.sem_alloc : memref<!tpu.dma_semaphore, #tpu.memory_space<semaphore_mem>>
      %dma_start3A_274 = arith.constant 0 : i32
      %dma_start3A_275 = tpu.memref_slice %arg5[%arg0, %mul3A_273, %dma_start3A_274] : memref<2x10240x32xf32, #tpu.memory_space<hbm>> -> memref<1x640x32xf32, #tpu.memory_space<hbm>>
      %dma_start3A_276 = tpu.memref_squeeze %dma_start3A_275 : memref<1x640x32xf32, #tpu.memory_space<hbm>> -> memref<640x32xf32, #tpu.memory_space<hbm>>
      %dma_start3A_277 = arith.constant 0 : i32
      %dma_start3A_278 = tpu.memref_slice %arg15[%mul3A_271, %dma_start3A_277] : memref<10240x32xf32, #tpu.memory_space<vmem_shared>> -> memref<640x32xf32, #tpu.memory_space<vmem_shared>>
      tpu.enqueue_dma source(%dma_start3A_278 : memref<640x32xf32, #tpu.memory_space<vmem_shared>>) target(%dma_start3A_276 : memref<640x32xf32, #tpu.memory_space<hbm>>) target_semaphore(%run_scoped3A : memref<!tpu.dma_semaphore, #tpu.memory_space<semaphore_mem>>)
      %dma_wait3A_279 = arith.constant 0 : i32
      %dma_wait3A_280 = tpu.memref_slice %arg5[%arg0, %mul3A_273, %dma_wait3A_279] : memref<2x10240x32xf32, #tpu.memory_space<hbm>> -> memref<1x640x32xf32, #tpu.memory_space<hbm>>
      %dma_wait3A_281 = tpu.memref_squeeze %dma_wait3A_280 : memref<1x640x32xf32, #tpu.memory_space<hbm>> -> memref<640x32xf32, #tpu.memory_space<hbm>>
      %dma_wait3A_282 = arith.constant 0 : i32
      %dma_wait3A_283 = tpu.memref_slice %arg15[%mul3A_271, %dma_wait3A_282] : memref<10240x32xf32, #tpu.memory_space<vmem_shared>> -> memref<640x32xf32, #tpu.memory_space<vmem_shared>>
      tpu.wait_dma2 semaphore(%run_scoped3A : memref<!tpu.dma_semaphore, #tpu.memory_space<semaphore_mem>>) src(%dma_wait3A_283 : memref<640x32xf32, #tpu.memory_space<vmem_shared>>) dst(%dma_wait3A_281 : memref<640x32xf32, #tpu.memory_space<hbm>>)
      tpu.yield
    }) : () -> ()
    return
  }
}

module attributes {stable_mosaic.version = 14 : i64} {
  func.func @body(%arg0: i32, %arg1: memref<10000x128xf32, #tpu.memory_space<vmem>>, %arg2: memref<128x128xf32, #tpu.memory_space<vmem>>, %arg3: memref<10000x2xf32, #tpu.memory_space<vmem>>, %arg4: memref<2x10000x64xf32, #tpu.memory_space<vmem>>) attributes {dimension_semantics = [#tpu.dimension_semantics<arbitrary>], iteration_bounds = array<i64: 1>, scalar_prefetch = 0 : i64, scratch_operands = 0 : i64, tpu.core_type = #tpu.core_type<tc>, window_params = [{transform_indices = @transform_0, window_bounds = array<i64: 10000, 128>}, {pipeline_mode = #tpu.pipeline_mode<synchronous>, transform_indices = @transform_1, window_bounds = array<i64: 128, 128>}, {transform_indices = @transform_2, window_bounds = array<i64: 10000, 2>}, {transform_indices = @transform_3, window_bounds = array<i64: 2, 10000, 64>}]} {
    %get3A = arith.constant 0 : index
    %get3A_0 = arith.constant 0 : index
    %get3A_1 = vector.load %arg3[%get3A, %get3A_0] : memref<10000x2xf32, #tpu.memory_space<vmem>>, vector<10000x1xf32>
    %get3A_2 = vector.shape_cast %get3A_1 : vector<10000x1xf32> to vector<10000xf32>
    %get3A_3 = arith.constant 0 : index
    %get3A_4 = arith.constant 1 : index
    %get3A_5 = vector.load %arg3[%get3A_3, %get3A_4] : memref<10000x2xf32, #tpu.memory_space<vmem>>, vector<10000x1xf32>
    %get3A_6 = vector.shape_cast %get3A_5 : vector<10000x1xf32> to vector<10000xf32>
    %add3A = arith.addf %get3A_2, %get3A_6 : vector<10000xf32>
    %add3A_7 = arith.constant 1.000000e+00 : f32
    %add3A_8 = vector.broadcast %add3A_7 : f32 to vector<10000xf32>
    %add3A_9 = arith.addf %add3A, %add3A_8 : vector<10000xf32>
    %rsqrt3A = math.rsqrt %add3A_9 : vector<10000xf32>
    %get3A_10 = arith.constant 0 : index
    %get3A_11 = arith.constant 0 : index
    %get3A_12 = vector.load %arg1[%get3A_10, %get3A_11] : memref<10000x128xf32, #tpu.memory_space<vmem>>, vector<10000x128xf32>
    %get3A_13 = arith.constant 0 : index
    %get3A_14 = arith.constant 0 : index
    %get3A_15 = vector.load %arg2[%get3A_13, %get3A_14] : memref<128x128xf32, #tpu.memory_space<vmem>>, vector<128x128xf32>
    %dot_general3A = arith.constant dense<0.000000e+00> : vector<10000x128xf32>
    %dot_general3A_16 = tpu.matmul %get3A_12, %get3A_15, %dot_general3A {dimension_numbers = #tpu.dot_dimension_numbers<[1], [0], [0], [1], [0, 0, 1, 1], [], []>, transpose_lhs_hint = false} : vector<10000x128xf32>, vector<128x128xf32>, vector<10000x128xf32> -> vector<10000x128xf32>
    %broadcast_in_dim3A = vector.shape_cast %rsqrt3A : vector<10000xf32> to vector<10000x1xf32>
    %mul3A = vector.broadcast %broadcast_in_dim3A : vector<10000x1xf32> to vector<10000x128xf32>
    %mul3A_17 = arith.mulf %dot_general3A_16, %mul3A : vector<10000x128xf32>
    %slice3A = vector.extract_strided_slice %mul3A_17 {offsets = [0, 0], sizes = [10000, 64], strides = [1, 1]} : vector<10000x128xf32> to vector<10000x64xf32>
    %swap3A = arith.constant 0 : index
    %swap3A_18 = arith.constant 0 : index
    %swap3A_19 = arith.constant 0 : index
    %swap3A_20 = vector.load %arg4[%swap3A, %swap3A_18, %swap3A_19] : memref<2x10000x64xf32, #tpu.memory_space<vmem>>, vector<1x10000x64xf32>
    %swap3A_21 = vector.shape_cast %swap3A_20 : vector<1x10000x64xf32> to vector<10000x64xf32>
    %swap3A_22 = vector.shape_cast %slice3A : vector<10000x64xf32> to vector<1x10000x64xf32>
    tpu.vector_store %arg4[%swap3A, %swap3A_18, %swap3A_19], %swap3A_22 {strides = array<i32>} : memref<2x10000x64xf32, #tpu.memory_space<vmem>>, vector<1x10000x64xf32>,
    %slice3A_23 = vector.extract_strided_slice %mul3A_17 {offsets = [0, 64], sizes = [10000, 64], strides = [1, 1]} : vector<10000x128xf32> to vector<10000x64xf32>
    %swap3A_24 = arith.constant 1 : index
    %swap3A_25 = arith.constant 0 : index
    %swap3A_26 = arith.constant 0 : index
    %swap3A_27 = vector.load %arg4[%swap3A_24, %swap3A_25, %swap3A_26] : memref<2x10000x64xf32, #tpu.memory_space<vmem>>, vector<1x10000x64xf32>
    %swap3A_28 = vector.shape_cast %swap3A_27 : vector<1x10000x64xf32> to vector<10000x64xf32>
    %swap3A_29 = vector.shape_cast %slice3A_23 : vector<10000x64xf32> to vector<1x10000x64xf32>
    tpu.vector_store %arg4[%swap3A_24, %swap3A_25, %swap3A_26], %swap3A_29 {strides = array<i32>} : memref<2x10000x64xf32, #tpu.memory_space<vmem>>, vector<1x10000x64xf32>,
    return
  }
  func.func @transform_0(%arg0: i32) -> (i32, i32) {
    %c0_i32 = arith.constant 0 : i32
    %c0_i32_0 = arith.constant 0 : i32
    return %arg0, %c0_i32 : i32, i32
  }
  func.func @transform_1(%arg0: i32) -> (i32, i32) {
    %c0_i32 = arith.constant 0 : i32
    %c0_i32_0 = arith.constant 0 : i32
    %c0_i32_1 = arith.constant 0 : i32
    return %c0_i32, %c0_i32_0 : i32, i32
  }
  func.func @transform_2(%arg0: i32) -> (i32, i32) {
    %c0_i32 = arith.constant 0 : i32
    %c0_i32_0 = arith.constant 0 : i32
    return %arg0, %c0_i32 : i32, i32
  }
  func.func @transform_3(%arg0: i32) -> (i32, i32, i32) {
    %c0_i32 = arith.constant 0 : i32
    %c0_i32_0 = arith.constant 0 : i32
    %c0_i32_1 = arith.constant 0 : i32
    return %c0_i32, %arg0, %c0_i32_0 : i32, i32, i32
  }
}

module attributes {stable_mosaic.version = 14 : i64} {
  func.func @body(%arg0: i32, %arg1: memref<2x10000x64xf32, #tpu.memory_space<vmem>>, %arg2: memref<2x10000x64xf32, #tpu.memory_space<vmem>>, %arg3: memref<10000x2xf32, #tpu.memory_space<vmem>>, %arg4: memref<128x64xf32, #tpu.memory_space<vmem>>, %arg5: memref<2x10000x32xf32, #tpu.memory_space<vmem>>) attributes {dimension_semantics = [#tpu.dimension_semantics<arbitrary>], iteration_bounds = array<i64: 1>, scalar_prefetch = 0 : i64, scratch_operands = 0 : i64, tpu.core_type = #tpu.core_type<tc>, window_params = [{transform_indices = @transform_0, window_bounds = array<i64: 2, 10000, 64>}, {transform_indices = @transform_1, window_bounds = array<i64: 2, 10000, 64>}, {transform_indices = @transform_2, window_bounds = array<i64: 10000, 2>}, {pipeline_mode = #tpu.pipeline_mode<synchronous>, transform_indices = @transform_3, window_bounds = array<i64: 128, 64>}, {transform_indices = @transform_4, window_bounds = array<i64: 2, 10000, 32>}]} {
    %get3A = arith.constant 0 : index
    %get3A_0 = arith.constant 0 : index
    %get3A_1 = vector.load %arg3[%get3A, %get3A_0] : memref<10000x2xf32, #tpu.memory_space<vmem>>, vector<10000x1xf32>
    %get3A_2 = vector.shape_cast %get3A_1 : vector<10000x1xf32> to vector<10000xf32>
    %get3A_3 = arith.constant 0 : index
    %get3A_4 = arith.constant 1 : index
    %get3A_5 = vector.load %arg3[%get3A_3, %get3A_4] : memref<10000x2xf32, #tpu.memory_space<vmem>>, vector<10000x1xf32>
    %get3A_6 = vector.shape_cast %get3A_5 : vector<10000x1xf32> to vector<10000xf32>
    %add3A = arith.addf %get3A_2, %get3A_6 : vector<10000xf32>
    %add3A_7 = arith.constant 1.000000e+00 : f32
    %add3A_8 = vector.broadcast %add3A_7 : f32 to vector<10000xf32>
    %add3A_9 = arith.addf %add3A, %add3A_8 : vector<10000xf32>
    %rsqrt3A = math.rsqrt %add3A_9 : vector<10000xf32>
    %get3A_10 = arith.constant 0 : index
    %get3A_11 = arith.constant 0 : index
    %get3A_12 = arith.constant 0 : index
    %get3A_13 = vector.load %arg1[%get3A_10, %get3A_11, %get3A_12] : memref<2x10000x64xf32, #tpu.memory_space<vmem>>, vector<1x10000x64xf32>
    %get3A_14 = vector.shape_cast %get3A_13 : vector<1x10000x64xf32> to vector<10000x64xf32>
    %get3A_15 = arith.constant 0 : index
    %get3A_16 = arith.constant 0 : index
    %get3A_17 = arith.constant 0 : index
    %get3A_18 = vector.load %arg2[%get3A_15, %get3A_16, %get3A_17] : memref<2x10000x64xf32, #tpu.memory_space<vmem>>, vector<1x10000x64xf32>
    %get3A_19 = vector.shape_cast %get3A_18 : vector<1x10000x64xf32> to vector<10000x64xf32>
    %add3A_20 = arith.addf %get3A_14, %get3A_19 : vector<10000x64xf32>
    %get3A_21 = arith.constant 1 : index
    %get3A_22 = arith.constant 0 : index
    %get3A_23 = arith.constant 0 : index
    %get3A_24 = vector.load %arg1[%get3A_21, %get3A_22, %get3A_23] : memref<2x10000x64xf32, #tpu.memory_space<vmem>>, vector<1x10000x64xf32>
    %get3A_25 = vector.shape_cast %get3A_24 : vector<1x10000x64xf32> to vector<10000x64xf32>
    %get3A_26 = arith.constant 1 : index
    %get3A_27 = arith.constant 0 : index
    %get3A_28 = arith.constant 0 : index
    %get3A_29 = vector.load %arg2[%get3A_26, %get3A_27, %get3A_28] : memref<2x10000x64xf32, #tpu.memory_space<vmem>>, vector<1x10000x64xf32>
    %get3A_30 = vector.shape_cast %get3A_29 : vector<1x10000x64xf32> to vector<10000x64xf32>
    %add3A_31 = arith.addf %get3A_25, %get3A_30 : vector<10000x64xf32>
    %concatenate3A = tpu.concatenate %add3A_20, %add3A_31 in 1 : vector<10000x64xf32>, vector<10000x64xf32> -> vector<10000x128xf32>
    %broadcast_in_dim3A = vector.shape_cast %rsqrt3A : vector<10000xf32> to vector<10000x1xf32>
    %mul3A = vector.broadcast %broadcast_in_dim3A : vector<10000x1xf32> to vector<10000x128xf32>
    %mul3A_32 = arith.mulf %concatenate3A, %mul3A : vector<10000x128xf32>
    %max3A = arith.constant 0.000000e+00 : f32
    %max3A_33 = vector.broadcast %max3A : f32 to vector<10000x128xf32>
    %max3A_34 = arith.maximumf %mul3A_32, %max3A_33 : vector<10000x128xf32>
    %get3A_35 = arith.constant 0 : index
    %get3A_36 = arith.constant 0 : index
    %get3A_37 = vector.load %arg4[%get3A_35, %get3A_36] : memref<128x64xf32, #tpu.memory_space<vmem>>, vector<128x64xf32>
    %dot_general3A = arith.constant dense<0.000000e+00> : vector<10000x64xf32>
    %dot_general3A_38 = tpu.matmul %max3A_34, %get3A_37, %dot_general3A {dimension_numbers = #tpu.dot_dimension_numbers<[1], [0], [0], [1], [0, 0, 1, 1], [], []>, transpose_lhs_hint = false} : vector<10000x128xf32>, vector<128x64xf32>, vector<10000x64xf32> -> vector<10000x64xf32>
    %broadcast_in_dim3A_39 = vector.shape_cast %rsqrt3A : vector<10000xf32> to vector<10000x1xf32>
    %mul3A_40 = vector.broadcast %broadcast_in_dim3A_39 : vector<10000x1xf32> to vector<10000x64xf32>
    %mul3A_41 = arith.mulf %dot_general3A_38, %mul3A_40 : vector<10000x64xf32>
    %slice3A = vector.extract_strided_slice %mul3A_41 {offsets = [0, 0], sizes = [10000, 32], strides = [1, 1]} : vector<10000x64xf32> to vector<10000x32xf32>
    %swap3A = arith.constant 0 : index
    %swap3A_42 = arith.constant 0 : index
    %swap3A_43 = arith.constant 0 : index
    %swap3A_44 = vector.load %arg5[%swap3A, %swap3A_42, %swap3A_43] : memref<2x10000x32xf32, #tpu.memory_space<vmem>>, vector<1x10000x32xf32>
    %swap3A_45 = vector.shape_cast %swap3A_44 : vector<1x10000x32xf32> to vector<10000x32xf32>
    %swap3A_46 = vector.shape_cast %slice3A : vector<10000x32xf32> to vector<1x10000x32xf32>
    tpu.vector_store %arg5[%swap3A, %swap3A_42, %swap3A_43], %swap3A_46 {strides = array<i32>} : memref<2x10000x32xf32, #tpu.memory_space<vmem>>, vector<1x10000x32xf32>,
    %slice3A_47 = vector.extract_strided_slice %mul3A_41 {offsets = [0, 32], sizes = [10000, 32], strides = [1, 1]} : vector<10000x64xf32> to vector<10000x32xf32>
    %swap3A_48 = arith.constant 1 : index
    %swap3A_49 = arith.constant 0 : index
    %swap3A_50 = arith.constant 0 : index
    %swap3A_51 = vector.load %arg5[%swap3A_48, %swap3A_49, %swap3A_50] : memref<2x10000x32xf32, #tpu.memory_space<vmem>>, vector<1x10000x32xf32>
    %swap3A_52 = vector.shape_cast %swap3A_51 : vector<1x10000x32xf32> to vector<10000x32xf32>
    %swap3A_53 = vector.shape_cast %slice3A_47 : vector<10000x32xf32> to vector<1x10000x32xf32>
    tpu.vector_store %arg5[%swap3A_48, %swap3A_49, %swap3A_50], %swap3A_53 {strides = array<i32>} : memref<2x10000x32xf32, #tpu.memory_space<vmem>>, vector<1x10000x32xf32>,
    return
  }
  func.func @transform_0(%arg0: i32) -> (i32, i32, i32) {
    %c0_i32 = arith.constant 0 : i32
    %c0_i32_0 = arith.constant 0 : i32
    %c0_i32_1 = arith.constant 0 : i32
    return %c0_i32, %arg0, %c0_i32_0 : i32, i32, i32
  }
  func.func @transform_1(%arg0: i32) -> (i32, i32, i32) {
    %c0_i32 = arith.constant 0 : i32
    %c0_i32_0 = arith.constant 0 : i32
    %c0_i32_1 = arith.constant 0 : i32
    return %c0_i32, %arg0, %c0_i32_0 : i32, i32, i32
  }
  func.func @transform_2(%arg0: i32) -> (i32, i32) {
    %c0_i32 = arith.constant 0 : i32
    %c0_i32_0 = arith.constant 0 : i32
    return %arg0, %c0_i32 : i32, i32
  }
  func.func @transform_3(%arg0: i32) -> (i32, i32) {
    %c0_i32 = arith.constant 0 : i32
    %c0_i32_0 = arith.constant 0 : i32
    %c0_i32_1 = arith.constant 0 : i32
    return %c0_i32, %c0_i32_0 : i32, i32
  }
  func.func @transform_4(%arg0: i32) -> (i32, i32, i32) {
    %c0_i32 = arith.constant 0 : i32
    %c0_i32_0 = arith.constant 0 : i32
    %c0_i32_1 = arith.constant 0 : i32
    return %c0_i32, %arg0, %c0_i32_0 : i32, i32, i32
  }
}

module attributes {stable_mosaic.version = 14 : i64} {
  func.func @body(%arg0: i32, %arg1: memref<2x10000x32xf32, #tpu.memory_space<vmem>>, %arg2: memref<2x10000x32xf32, #tpu.memory_space<vmem>>, %arg3: memref<10000x2xf32, #tpu.memory_space<vmem>>, %arg4: memref<10000x64xf32, #tpu.memory_space<vmem>>) attributes {dimension_semantics = [#tpu.dimension_semantics<arbitrary>], iteration_bounds = array<i64: 1>, scalar_prefetch = 0 : i64, scratch_operands = 0 : i64, tpu.core_type = #tpu.core_type<tc>, window_params = [{transform_indices = @transform_0, window_bounds = array<i64: 2, 10000, 32>}, {transform_indices = @transform_1, window_bounds = array<i64: 2, 10000, 32>}, {transform_indices = @transform_2, window_bounds = array<i64: 10000, 2>}, {transform_indices = @transform_3, window_bounds = array<i64: 10000, 64>}]} {
    %get3A = arith.constant 0 : index
    %get3A_0 = arith.constant 0 : index
    %get3A_1 = vector.load %arg3[%get3A, %get3A_0] : memref<10000x2xf32, #tpu.memory_space<vmem>>, vector<10000x1xf32>
    %get3A_2 = vector.shape_cast %get3A_1 : vector<10000x1xf32> to vector<10000xf32>
    %get3A_3 = arith.constant 0 : index
    %get3A_4 = arith.constant 1 : index
    %get3A_5 = vector.load %arg3[%get3A_3, %get3A_4] : memref<10000x2xf32, #tpu.memory_space<vmem>>, vector<10000x1xf32>
    %get3A_6 = vector.shape_cast %get3A_5 : vector<10000x1xf32> to vector<10000xf32>
    %add3A = arith.addf %get3A_2, %get3A_6 : vector<10000xf32>
    %add3A_7 = arith.constant 1.000000e+00 : f32
    %add3A_8 = vector.broadcast %add3A_7 : f32 to vector<10000xf32>
    %add3A_9 = arith.addf %add3A, %add3A_8 : vector<10000xf32>
    %rsqrt3A = math.rsqrt %add3A_9 : vector<10000xf32>
    %get3A_10 = arith.constant 0 : index
    %get3A_11 = arith.constant 0 : index
    %get3A_12 = arith.constant 0 : index
    %get3A_13 = vector.load %arg1[%get3A_10, %get3A_11, %get3A_12] : memref<2x10000x32xf32, #tpu.memory_space<vmem>>, vector<1x10000x32xf32>
    %get3A_14 = vector.shape_cast %get3A_13 : vector<1x10000x32xf32> to vector<10000x32xf32>
    %get3A_15 = arith.constant 0 : index
    %get3A_16 = arith.constant 0 : index
    %get3A_17 = arith.constant 0 : index
    %get3A_18 = vector.load %arg2[%get3A_15, %get3A_16, %get3A_17] : memref<2x10000x32xf32, #tpu.memory_space<vmem>>, vector<1x10000x32xf32>
    %get3A_19 = vector.shape_cast %get3A_18 : vector<1x10000x32xf32> to vector<10000x32xf32>
    %add3A_20 = arith.addf %get3A_14, %get3A_19 : vector<10000x32xf32>
    %get3A_21 = arith.constant 1 : index
    %get3A_22 = arith.constant 0 : index
    %get3A_23 = arith.constant 0 : index
    %get3A_24 = vector.load %arg1[%get3A_21, %get3A_22, %get3A_23] : memref<2x10000x32xf32, #tpu.memory_space<vmem>>, vector<1x10000x32xf32>
    %get3A_25 = vector.shape_cast %get3A_24 : vector<1x10000x32xf32> to vector<10000x32xf32>
    %get3A_26 = arith.constant 1 : index
    %get3A_27 = arith.constant 0 : index
    %get3A_28 = arith.constant 0 : index
    %get3A_29 = vector.load %arg2[%get3A_26, %get3A_27, %get3A_28] : memref<2x10000x32xf32, #tpu.memory_space<vmem>>, vector<1x10000x32xf32>
    %get3A_30 = vector.shape_cast %get3A_29 : vector<1x10000x32xf32> to vector<10000x32xf32>
    %add3A_31 = arith.addf %get3A_25, %get3A_30 : vector<10000x32xf32>
    %concatenate3A = tpu.concatenate %add3A_20, %add3A_31 in 1 : vector<10000x32xf32>, vector<10000x32xf32> -> vector<10000x64xf32>
    %broadcast_in_dim3A = vector.shape_cast %rsqrt3A : vector<10000xf32> to vector<10000x1xf32>
    %mul3A = vector.broadcast %broadcast_in_dim3A : vector<10000x1xf32> to vector<10000x64xf32>
    %mul3A_32 = arith.mulf %concatenate3A, %mul3A : vector<10000x64xf32>
    %max3A = arith.constant 0.000000e+00 : f32
    %max3A_33 = vector.broadcast %max3A : f32 to vector<10000x64xf32>
    %max3A_34 = arith.maximumf %mul3A_32, %max3A_33 : vector<10000x64xf32>
    %swap3A = arith.constant 0 : index
    %swap3A_35 = arith.constant 0 : index
    %swap3A_36 = vector.load %arg4[%swap3A, %swap3A_35] : memref<10000x64xf32, #tpu.memory_space<vmem>>, vector<10000x64xf32>
    tpu.vector_store %arg4[%swap3A, %swap3A_35], %max3A_34 {strides = array<i32>} : memref<10000x64xf32, #tpu.memory_space<vmem>>, vector<10000x64xf32>,
    return
  }
  func.func @transform_0(%arg0: i32) -> (i32, i32, i32) {
    %c0_i32 = arith.constant 0 : i32
    %c0_i32_0 = arith.constant 0 : i32
    %c0_i32_1 = arith.constant 0 : i32
    return %c0_i32, %arg0, %c0_i32_0 : i32, i32, i32
  }
  func.func @transform_1(%arg0: i32) -> (i32, i32, i32) {
    %c0_i32 = arith.constant 0 : i32
    %c0_i32_0 = arith.constant 0 : i32
    %c0_i32_1 = arith.constant 0 : i32
    return %c0_i32, %arg0, %c0_i32_0 : i32, i32, i32
  }
  func.func @transform_2(%arg0: i32) -> (i32, i32) {
    %c0_i32 = arith.constant 0 : i32
    %c0_i32_0 = arith.constant 0 : i32
    return %arg0, %c0_i32 : i32, i32
  }
  func.func @transform_3(%arg0: i32) -> (i32, i32) {
    %c0_i32 = arith.constant 0 : i32
    %c0_i32_0 = arith.constant 0 : i32
    return %arg0, %c0_i32 : i32, i32
  }
}

</mosaic_0001>

<sc_bundles>
// kernel: kernel.11.cloned.1.call-start
scs
__scs_entry_jumppad:
0x0: {  	(pc) =	sbr.rel $0x88, $3  }
0x1: {  	(tag) =	ssettag $0x0;
	lr =	simm.s32 $0x1  }
0x2: {  	[smem:$0x3F9D] =	sst lr;
	_ =	strace $0xD0000000  }
0x3: {  	_ = 	snop  }
0x4: {  	_ = 	snop  }
0x5: {  	_ = 	snop  }
0x6: {  	_ = 	snop  }
0x7: {  	_ = 	snop  }
__scs_overlays_trampoline_lowered:
0x8: {  	[smem:$0x3FAC] =	sst s0  }
0x9: {  	[smem:$0x3FAD] =	sst s1  }
0xa: {  	[smem:$0x3FAE] =	sst s2  }
0xb: {  	[smem:$0x3FAF] =	sst s3  }
0xc: {  	[smem:$0x3FB0] =	sst s4  }
0xd: {  	[smem:$0x3FB1] =	sst s5  }
0xe: {  	[smem:$0x3FB2] =	sst s6  }
0xf: {  	[smem:$0x3FB3] =	sst s7  }
0x10: {  	[smem:$0x3FB4] =	sst s8  }
0x11: {  	[smem:$0x3FB5] =	sst s9;
	s0 =	simm.s32 @!p0 $0x0  }
0x12: {  	s1 =	sld [smem:$0x3F9B];
	s0 =	simm.s32 @p0 $0x1  }
0x13: {  	[smem:$0x3FB6] =	sst s0;
	s0 =	simm.s32 @!p1 $0x0  }
0x14: {  	s2 =	sld [smem:$0x3F9A];
	s0 =	simm.s32 @p1 $0x1  }
0x15: {  	[smem:$0x3FB7] =	sst s0;
	s0 =	simm.s32 @!p2 $0x0  }
0x16: {  	s3 =	sld [smem:$0x3FDB];
	s0 =	simm.s32 @p2 $0x1  }
0x17: {  	s4 =	simm.s32 $0x1BF5;
	[smem:$0x3FB9] =	sst s0  }
0x18: {  	s0 =	sld [smem:$0x3F9C];
	_ =	swait.ge [sflag:s4], $0x0  }
0x19: {  	s7 =	sld [smem:$0x3F9D]  }
0x1a: {  	s8 =	sadd.s32 $0xFFFFE003, lr  }
0x1b: {  	s9 =	sadd.s32 $0xFFFFFEF7, lr;
	s5 =	simm.s32 $0xFFFFFFFF;
	p2 =	slt.u32 s8, $0xFFFFF086  }
0x1c: {  	p1 =	slt.u32 s9, $0xF7A;
	s5 =	simm.s32 @!p2 $0x0  }
0x1d: {  	s5 =	simm.s32 @p1 $0x1;
	p0 =	seq.s32 s7, s2  }
0x1e: {  	s7 =	smul.u32 @!p0 $0xF7A, s2;
	p2 =	seq.s32 @!p0 s5, $0x0  }
0x1f: {  	s9 =	smul.u32 $0xF7A, s1;
	s8 =	simm.s32 @!p0 $0x1BF5;
	p2 =	por !p2, p0  }
0x20: {  	[sflag:s8] =	ssyncset.s32 @!p0 $0xFFFFF086;
	s6 =	sadd.s32 @!p0 s3, s7;
	s7 =	simm.s32 @!p0 $0x108  }
0x21: {  	s3 =	sadd.s32 s3, s9;
	s6 =	sadd.s32 @!p0 $0x88, s6;
	s7 =	simm.s32 @p2 $0x1082  }
0x22: {  	[simem:s7], [sflag:s8] =	dma.local @!p0 [hbm:s6], $0xF7A  }
0x23: {  	s9 =	sor.u32 $0xD0000000, s2;
	s6 =	simm.s32 $0x108;
	_ =	swait.ge @!p0 [sflag:s8], $0x0  }
0x24: {  	s3 =	sadd.s32 $0x88, s3;
	s6 =	simm.s32 @!p1 $0x1082;
	[sflag:s4] =	ssyncset.s32 $0xFFFFF086  }
0x25: {  	[simem:s6], [sflag:s4] =	dma.local [hbm:s3], $0xF7A  }
0x26: {  	[smem:$0x3F9D] =	sst s1;
	(tag) =	ssettag s2;
	_ =	strace s9  }
0x27: {  	s1 =	sld [smem:$0x3FAD]  }
0x28: {  	s2 =	sld [smem:$0x3FAE]  }
0x29: {  	s4 =	sld [smem:$0x3FB0]  }
0x2a: {  	p0 =	seq.s32 s5, $0x0;
	s5 =	sld [smem:$0x3FB1]  }
0x2b: {  	s6 =	sld [smem:$0x3FB2]  }
0x2c: {  	s7 =	sld [smem:$0x3FB3]  }
0x2d: {  	s3 =	simm.s32 $0x108;
	s8 =	sld [smem:$0x3FB4]  }
0x2e: {  	s3 =	simm.s32 @!p0 $0x1082;
	s9 =	sld [smem:$0x3FB5]  }
0x2f: {  	lr =	sadd.s32 s0, s3;
	s0 =	sld [smem:$0x3FAC]  }
0x30: {  	s3 =	sld [smem:$0x3FAF]  }
0x31: {  	[smem:$0x3FB8] =	sst s10  }
0x32: {  	s10 =	sld [smem:$0x3FB6];
	_ =	sdelay $0x3  }
0x33: {  	p0 =	seq.s32 s10, $0x1;
	s10 =	sld [smem:$0x3FB8];
	_ =	sdelay $0x3  }
0x34: {  	[smem:$0x3FB8] =	sst s10  }
0x35: {  	s10 =	sld [smem:$0x3FB7];
	_ =	sdelay $0x3  }
0x36: {  	p1 =	seq.s32 s10, $0x1;
	s10 =	sld [smem:$0x3FB8];
	_ =	sdelay $0x3  }
0x37: {  	[smem:$0x3FB8] =	sst s10  }
0x38: {  	s10 =	sld [smem:$0x3FB9]  }
0x39: {  	_ = 	snop;
	(pc) =	sbr.ind lr, $3  }
0x3a: {  	_ = 	snop  }
0x3b: {  	_ = 	snop  }
0x3c: {  	p2 =	seq.s32 s10, $0x1;
	s10 =	sld [smem:$0x3FB8]  }
0x3d: {  	_ =	shalt  }
0x3e: {  	_ =	shalt  }
0x3f: {  	_ =	shalt  }
0x40: {  	_ =	shalt  }
0x41: {  	_ =	shalt  }
0x42: {  	_ =	shalt  }
0x43: {  	_ =	shalt  }
0x44: {  	_ =	shalt  }
0x45: {  	_ =	shalt  }
0x46: {  	_ =	shalt  }
0x47: {  	_ =	shalt  }
0x48: {  	_ =	shalt  }
0x49: {  	_ =	shalt  }
0x4a: {  	_ =	shalt  }
0x4b: {  	_ =	shalt  }
0x4c: {  	_ =	shalt  }
0x4d: {  	_ =	shalt  }
0x4e: {  	_ =	shalt  }
0x4f: {  	_ =	shalt  }
0x50: {  	_ =	shalt  }
0x51: {  	_ =	shalt  }
0x52: {  	_ =	shalt  }
0x53: {  	_ =	shalt  }
0x54: {  	_ =	shalt  }
0x55: {  	_ =	shalt  }
0x56: {  	_ =	shalt  }
0x57: {  	_ =	shalt  }
0x58: {  	_ =	shalt  }
0x59: {  	_ =	shalt  }
0x5a: {  	_ =	shalt  }
0x5b: {  	_ =	shalt  }
0x5c: {  	_ =	shalt  }
0x5d: {  	_ =	shalt  }
0x5e: {  	_ =	shalt  }
0x5f: {  	_ =	shalt  }
0x60: {  	_ =	shalt  }
0x61: {  	_ =	shalt  }
0x62: {  	_ =	shalt  }
0x63: {  	_ =	shalt  }
0x64: {  	_ =	shalt  }
0x65: {  	_ =	shalt  }
0x66: {  	_ =	shalt  }
0x67: {  	_ =	shalt  }
0x68: {  	_ =	shalt  }
0x69: {  	_ =	shalt  }
0x6a: {  	_ =	shalt  }
0x6b: {  	_ =	shalt  }
0x6c: {  	_ =	shalt  }
0x6d: {  	_ =	shalt  }
0x6e: {  	_ =	shalt  }
0x6f: {  	_ =	shalt  }
0x70: {  	_ =	shalt  }
0x71: {  	_ =	shalt  }
0x72: {  	_ =	shalt  }
0x73: {  	_ =	shalt  }
0x74: {  	_ =	shalt  }
0x75: {  	_ =	shalt  }
0x76: {  	_ =	shalt  }
0x77: {  	_ =	shalt  }
0x78: {  	_ =	shalt  }
0x79: {  	_ =	shalt  }
0x7a: {  	_ =	shalt  }
0x7b: {  	_ =	shalt  }
0x7c: {  	_ =	shalt  }
0x7d: {  	_ =	shalt  }
0x7e: {  	_ =	shalt  }
0x7f: {  	_ =	shalt  }
0x80: {  	_ =	shalt  }
0x81: {  	_ =	shalt  }
0x82: {  	_ =	shalt  }
0x83: {  	_ =	shalt  }
0x84: {  	_ =	shalt  }
0x85: {  	_ =	shalt  }
0x86: {  	_ =	shalt  }
0x87: {  	_ =	shalt  }
.Lfunc_end0:
.L_simem_size_0:
called_computation.1_lowered:
.L_overlay_start_0:
0x88: {  	s2 =	sld [smem:$0x3FD9]  }
0x89: {  	s3 =	sld [smem:$0x3FFE];
	_ =	sdelay $0x1  }
0x8a: {  	s1 =	srdreg.scid  }
0x8b: {  	s0 =	sand.u32 $0x1, s1  }
0x8c: {  	s16 =	sshll.u32 s0, $0xA;
	s2 =	sadd.s32 s3, s2  }
0x8d: {  	s2 =	sadd.s32 s2, s16  }
0x8e: {  	[smem:$0x3FC4] =	sst s2  }
0x8f: {  	_ = 	snop  }
0x90: {  	(tm) =	ssettm $0x1  }
0x91: {  	s17 =	sld [smem:$0x3FFB];
	_ =	sdelay $0x3  }
0x92: {  	_ =	strace s17  }
0x93: {  	s2 =	sld [smem:$0x3FFC];
	_ =	sdelay $0x3  }
0x94: {  	_ =	strace s2  }
0x95: {  	s2 =	sld [smem:$0x3FFD];
	_ =	sdelay $0x3  }
0x96: {  	_ =	strace s2  }
0x97: {  	_ =	strace $0x8FFFFFFF  }
0x98: {  	s18 =	sld [smem:$0x3FDB];
	_ =	sdelay $0x1  }
0x99: {  	s19 =	simm.s32 $_scs_section_size  }
0x9a: {  	s4 =	simm.s32 $_size__tile_overlayer_lowered;
	s5 =	simm.s32 $_tile_overlayer_lowered  }
0x9b: {  	s22 =	simm.s32 $0x1BFF;
	s21 =	sshll.u32 s5, $0x1;
	s2 =	sadd.s32 s19, s18  }
0x9c: {  	s6 =	simm.s32 $0x0;
	s20 =	sshll.u32 s4, $0x1;
	s4 =	sadd.s32 s21, s2  }
0x9d: {  	[timem:s6], [sflag:s22] =	dma.local [hbm:s4], s20  }
0x9e: {  	_ =	swait.ge [sflag:s22], s20  }
0x9f: {  	s3 =	ssub.s32 $0x0, s20;
	[sflag:s22] =	ssyncset.done $0x0  }
0xa0: {  	[sflag:s22] =	ssyncadd.s32 s3;
	_ =	sdelay $0x1  }
0xa1: {  	s23 =	simm.s32 $0x1B8B  }
0xa2: {  	_ =	swait.ge [sflag:s23], $0x1  }
0xa3: {  	[sflag:s23] =	ssyncset.done $0x0  }
0xa4: {  	s25 =	simm.s32 $0x1B8E;
	s24 =	sld [smem:$0x3FFE];
	[sflag:s23] =	ssyncadd.s32 $0xFFFFFFFF  }
0xa5: {  	s26 =	simm.s32 $execute0_lowered;
	[smem:$0x3FD2] =	sst s25  }
0xa6: {  	s4 =	sshll.u32 s26, $0x1;
	_ =	strace $0x80000049;
	[dreg:$0x1] =	wrdreg $0xFFFFFFFF  }
0xa7: {  	s28 =	simm.s32 $_size_execute0_lowered;
	s2 =	sadd.s32 s2, s4;
	[dreg:$0x0] =	wrdreg $0x0  }
0xa8: {  	s4 =	sshll.u32 s28, $0x1;
	[dreg:$0x2] =	wrdreg s2  }
0xa9: {  	[dreg:$0x3] =	wrdreg s4  }
0xaa: {  	[dreg:$0x4] =	wrdreg $0xC0  }
0xab: {  	_ =	task [dreg:s6], $0x5FFFF  }
0xac: {  	[dreg:$0x1] =	wrdreg $0xFFFFFFFF  }
0xad: {  	[dreg:$0x0] =	wrdreg $0x60  }
0xae: {  	[dreg:$0x2] =	wrdreg s24  }
0xaf: {  	[dreg:$0x3] =	wrdreg $0x12D000  }
0xb0: {  	[dreg:$0x4] =	wrdreg $0x9  }
0xb1: {  	_ =	task.clear_ibuf [dreg:s6], $0x5FFFF;
	_ =	strace $0x90000049  }
0xb2: {  	s29 =	simm.s32 $0x9;
	_ =	strace $0x8000004B  }
0xb3: {  	_ =	swait.ge [sflag:s29], $0x1  }
0xb4: {  	[sflag:s29] =	ssyncadd.s32 $0xFFFFFFFF  }
0xb5: {  	_ =	strace $0x9000004B  }
0xb6: {  	_ =	sfence  }
0xb7: {  	s30 =	sld [smem:$0x0];
	_ =	sdelay $0x2  }
0xb8: {  	s31 =	sshll.u32 s1, $0xD;
	s1 =	sshrl.u32 s1, $0x2  }
0xb9: {  	s3 =	sand.u32 $0x4000, s31;
	s1 =	sadd.s32 s1, s30  }
0xba: {  	s0 =	sor.u32 s3, s0;
	s1 =	sshll.u32 s1, $0x11  }
0xbb: {  	s0 =	sor.u32 s1, s0  }
0xbc: {  	s0 =	sadd.s32 $0x8F2B, s0  }
0xbd: {  	[sflag:s0] =	ssyncadd.remote.s32 $0x1  }
0xbe: {  	_ =	sfence.sel $0xFFFF  }
0xbf: {  	[dreg:$0x0] =	wrdreg $0xFFFFFFFF;
	(pc) =	sbr.abs _section_cstart, $3  }
0xc0: {  	[dreg:$0x1] =	wrdreg $0xFFFFFFFF  }
0xc1: {  	_ =	task.clear_ibuf [dreg:s6], $0x2FFFF;
	_ =	strace $0x9FFFFFFF  }
0xc2: {  	(tm) =	ssettm $0x7FFFFFFF  }
0xc3: {  	_ =	shalt  }
tec
execute0_lowered:
.L_overlay_start_1:
0x0: {  	(tag) =	ssettag $0x1  }
0x1: {  	s8 =	stileid.u32;
	s1 =	rddreg [dreg:$0x0]  }
0x2: {  	s0 =	srdreg.scid;
	s2 =	rddreg [dreg:$0x1]  }
0x3: {  	s3 =	simm.s32 $0x0;
	s19 =	simm.s32 $0x11D00;
	s4 =	smul.u32 $0x9D0, s8  }
0x4: {  	s20 =	simm.s32 $0x6;
	s21 =	simm.s32 $0x4E80;
	s9 =	smul.u32 $0xA000, s8  }
0x5: {  	s28 =	simm.s32 $0xDD00;
	s0 =	sand.u32 $0x1, s0;
	s22 =	smul.u32 $0x28000, s8  }
0x6: {  	s29 =	simm.s32 $0x1;
	s31 =	simm.s32 $0xFD00;
	s5 =	smul.u32 $0x13880, s0  }
0x7: {  	s30 =	simm.s32 $0x4;
	[smem:$0x7FF] =	sst s3;
	s6 =	smul.u32 $0xA0000, s0  }
0x8: {  	_ =	strace $0x8000004A;
	s0 =	ssub.s32 $0x2, s0;
	s7 =	sadd.s32 s4, s1  }
0x9: {  	s23 =	sshrl.u32 s0, $0x1;
	s4 =	sshrl.u32 s22, $0x2;
	s26 =	sadd.s32 s9, s2  }
0xa: {  	s22 =	simm.s32 $0x80;
	s5 =	sadd.s32 s5, s1;
	s6 =	sadd.s32 s9, s6  }
0xb: {  	s0 =	ssub.s32 s0, s23;
	s4 =	sadd.s32 s4, s2;
	s24 =	sadd.s32 $0xBC00, s7  }
0xc: {  	s25 =	sadd.s32 $0x1400, s7;
	s23 =	simm.s32 $0x9D00;
	[dreg:$0x3] =	wrdreg s24  }
0xd: {  	s6 =	sshrl.u32 s6, $0x3;
	[dreg:$0x4] =	wrdreg s25;
	s7 =	sadd.s32 $0x63C00, s5  }
0xe: {  	s9 =	smax.u32 s0, $0x1;
	s10 =	sadd.s32 $0x1000, s4;
	s11 =	sadd.s32 $0x2000, s4  }
0xf: {  	s12 =	sadd.s32 $0x3000, s4;
	s13 =	sadd.s32 $0x4000, s4;
	s14 =	sadd.s32 $0x5000, s4  }
0x10: {  	s15 =	sadd.s32 $0x6000, s4;
	s16 =	sadd.s32 $0x7000, s4;
	s17 =	sadd.s32 $0x8000, s4  }
0x11: {  	s18 =	sadd.s32 $0x9000, s4;
	s24 =	simm.s32 $0xBD00;
	s1 =	sadd.s32 s6, s1  }
0x12: {  	s25 =	sshrl.u32 s26, $0x3;
	s0 =	simm.s32 $0x2;
	s1 =	sadd.s32 $0x8AE00, s1  }
0x13: {  	v0 =	vimm.f32 $0.0e+00;
	s26 =	simm.s32 $0x3;
	[dreg:$0x5] =	wrdreg s1;
	s1 =	simm.s32 $0x5  }
.LBB2_1:
0x14: {  	s6 =	simm.s32 $0x100;
	s5 =	simm.s32 $0x0  }
.LBB2_2:
0x15: {  	p0 =	sne.s32 s6, $0x3F00;
	[tilespmem:s5+$0x11D30] =	vst v0;
	s8 =	smov.u32 s6;
	s6 =	sadd.s32 $0x100, s6  }
.Ltmp0:
0x16: {  	[tilespmem:s5+$0x11D20] =	vst v0;
	(pc) =	sbr.rel @p0 .LBB2_2-.Ltmp0, $3  }
0x17: {  	[tilespmem:s5+$0x11D00] =	vst v0  }
0x18: {  	[tilespmem:s5+$0x11D10] =	vst v0;
	_ =	sdelay $0x1  }
0x19: {  	s5 =	sshra.s32 s8, $0x2  }
0x1a: {  	[tilespmem:s5+$0x11D30] =	vst v0  }
0x1b: {  	[tilespmem:s5+$0x11D20] =	vst v0  }
0x1c: {  	[tilespmem:s5+$0x11D00] =	vst v0  }
0x1d: {  	[tilespmem:s5+$0x11D10] =	vst v0  }
0x1e: {  	[spmem:s4] =	stream.linear.scatter [tilespmem:s19], [sflag:$0x6], $0x1000, $0x38;
	[tilespmem:$0x1CD00] =	vst v63  }
0x1f: {  	_ =	swait.ge [sflag:s20], $0x1000  }
0x20: {  	[sflag:s20] =	ssyncset.done $0x0  }
0x21: {  	[sflag:s20] =	ssyncadd.s32 $0xFFFFF000  }
0x22: {  	[spmem:s10] =	stream.linear.scatter [tilespmem:s19], [sflag:$0x6], $0x1000, $0x38;
	[tilespmem:$0x1CD00] =	vst v63  }
0x23: {  	_ =	swait.ge [sflag:s20], $0x1000  }
0x24: {  	[sflag:s20] =	ssyncset.done $0x0  }
0x25: {  	[sflag:s20] =	ssyncadd.s32 $0xFFFFF000  }
0x26: {  	[spmem:s11] =	stream.linear.scatter [tilespmem:s19], [sflag:$0x6], $0x1000, $0x38;
	[tilespmem:$0x1CD00] =	vst v63  }
0x27: {  	_ =	swait.ge [sflag:s20], $0x1000  }
0x28: {  	[sflag:s20] =	ssyncset.done $0x0  }
0x29: {  	[sflag:s20] =	ssyncadd.s32 $0xFFFFF000  }
0x2a: {  	[spmem:s12] =	stream.linear.scatter [tilespmem:s19], [sflag:$0x6], $0x1000, $0x38;
	[tilespmem:$0x1CD00] =	vst v63  }
0x2b: {  	_ =	swait.ge [sflag:s20], $0x1000  }
0x2c: {  	[sflag:s20] =	ssyncset.done $0x0  }
0x2d: {  	[sflag:s20] =	ssyncadd.s32 $0xFFFFF000  }
0x2e: {  	[spmem:s13] =	stream.linear.scatter [tilespmem:s19], [sflag:$0x6], $0x1000, $0x38;
	[tilespmem:$0x1CD00] =	vst v63  }
0x2f: {  	_ =	swait.ge [sflag:s20], $0x1000  }
0x30: {  	[sflag:s20] =	ssyncset.done $0x0  }
0x31: {  	[sflag:s20] =	ssyncadd.s32 $0xFFFFF000  }
0x32: {  	[spmem:s14] =	stream.linear.scatter [tilespmem:s19], [sflag:$0x6], $0x1000, $0x38;
	[tilespmem:$0x1CD00] =	vst v63  }
0x33: {  	_ =	swait.ge [sflag:s20], $0x1000  }
0x34: {  	[sflag:s20] =	ssyncset.done $0x0  }
0x35: {  	[sflag:s20] =	ssyncadd.s32 $0xFFFFF000  }
0x36: {  	[spmem:s15] =	stream.linear.scatter [tilespmem:s19], [sflag:$0x6], $0x1000, $0x38;
	[tilespmem:$0x1CD00] =	vst v63  }
0x37: {  	_ =	swait.ge [sflag:s20], $0x1000  }
0x38: {  	[sflag:s20] =	ssyncset.done $0x0  }
0x39: {  	[sflag:s20] =	ssyncadd.s32 $0xFFFFF000  }
0x3a: {  	[spmem:s16] =	stream.linear.scatter [tilespmem:s19], [sflag:$0x6], $0x1000, $0x38;
	[tilespmem:$0x1CD00] =	vst v63  }
0x3b: {  	_ =	swait.ge [sflag:s20], $0x1000  }
0x3c: {  	[sflag:s20] =	ssyncset.done $0x0  }
0x3d: {  	[sflag:s20] =	ssyncadd.s32 $0xFFFFF000  }
0x3e: {  	[spmem:s17] =	stream.linear.scatter [tilespmem:s19], [sflag:$0x6], $0x1000, $0x38;
	[tilespmem:$0x1CD00] =	vst v63  }
0x3f: {  	_ =	swait.ge [sflag:s20], $0x1000  }
0x40: {  	[sflag:s20] =	ssyncset.done $0x0  }
0x41: {  	[sflag:s20] =	ssyncadd.s32 $0xFFFFF000  }
0x42: {  	[spmem:s18] =	stream.linear.scatter [tilespmem:s19], [sflag:$0x6], $0x1000, $0x38;
	[tilespmem:$0x1CD00] =	vst v63  }
0x43: {  	_ =	swait.ge [sflag:s20], $0x1000  }
0x44: {  	[sflag:s20] =	ssyncset.done $0x0  }
0x45: {  	[sflag:s20] =	ssyncadd.s32 $0xFFFFF000  }
0x46: {  	[bflag:$0x0] =	sbarrier.arrive $0xFFFF  }
0x47: {  	s5 =	simm.s32 $0x0;
	s6 =	rddreg [dreg:$0x3]  }
0x48: {  	[tilespmem:s5], [sflag:$0x6] =	stream.linear.gather [hbm4b:s6+s5], $0x4E80, $0x38;
	[tilespmem:$0x1CD00] =	vst v63  }
0x49: {  	_ =	swait.ge [sflag:s20], $0x4E80  }
0x4a: {  	[sflag:s20] =	ssyncset.done $0x0  }
0x4b: {  	s8 =	rddreg [dreg:$0x4];
	[sflag:s20] =	ssyncadd.s32 $0xFFFFB180  }
0x4c: {  	[tilespmem:s21], [sflag:$0x6] =	stream.linear.gather [hbm4b:s8+s5], $0x4E80, $0x38;
	[tilespmem:$0x1CD00] =	vst v63  }
0x4d: {  	_ =	swait.ge [sflag:s20], $0x4E80  }
0x4e: {  	[sflag:s20] =	ssyncset.done $0x0  }
0x4f: {  	[sflag:s20] =	ssyncadd.s32 $0xFFFFB180  }
0x50: {  	[tilespmem:s23], [sflag:$0x1] =	stream.indirect.gather [hbm4b:s7+s22], $0x40, s5, s22, $0xb8;
	[tilespmem:$0x1CD00] =	vst v63  }
0x51: {  	_ = 	snop  }
0x52: {  	[tilespmem:s24], [sflag:$0x2] =	stream.indirect.gather [hbm4b:s7+s22], $0x40, s22, s22, $0xb8;
	[tilespmem:$0x1CD00] =	vst v63  }
0x53: {  	s8 =	simm.s32 $0x100  }
0x54: {  	[tilespmem:s28], [sflag:$0x3] =	stream.indirect.gather [hbm4b:s7+s22], $0x40, s8, s22, $0xb8;
	[tilespmem:$0x1CD00] =	vst v63  }
0x55: {  	_ =	swait.ge [sflag:s29], $0x2000  }
0x56: {  	[sflag:s29] =	ssyncset.done $0x0  }
0x57: {  	[sflag:s29] =	ssyncadd.s32 $0xFFFFE000  }
0x58: {  	[spmem:s2] =	stream.indirect.scatter.add.f32 [tilespmem:s23], [sflag:$0x5], $0x40, s21, s22, $0xb8;
	[tilespmem:$0x1CD00] =	vst v63  }
0x59: {  	s6 =	simm.s32 $0x180  }
0x5a: {  	[tilespmem:s31], [sflag:$0x4] =	stream.indirect.gather [hbm4b:s7+s22], $0x40, s6, s22, $0xb8;
	[tilespmem:$0x1CD00] =	vst v63  }
0x5b: {  	_ =	swait.ge [sflag:s1], $0x2000  }
0x5c: {  	[sflag:s1] =	ssyncset.done $0x0  }
0x5d: {  	s8 =	simm.s32 $0x200;
	[sflag:s1] =	ssyncadd.s32 $0xFFFFE000  }
0x5e: {  	[tilespmem:s23], [sflag:$0x1] =	stream.indirect.gather [hbm4b:s7+s22], $0x40, s8, s22, $0xb8;
	[tilespmem:$0x1CD00] =	vst v63  }
0x5f: {  	_ =	swait.ge [sflag:s0], $0x2000  }
0x60: {  	[sflag:s0] =	ssyncset.done $0x0  }
0x61: {  	s6 =	simm.s32 $0x4F00;
	[sflag:s0] =	ssyncadd.s32 $0xFFFFE000  }
0x62: {  	[spmem:s2] =	stream.indirect.scatter.add.f32 [tilespmem:s24], [sflag:$0x5], $0x40, s6, s22, $0xb8;
	[tilespmem:$0x1CD00] =	vst v63  }
0x63: {  	_ =	swait.ge [sflag:s1], $0x2000  }
0x64: {  	[sflag:s1] =	ssyncset.done $0x0  }
0x65: {  	s8 =	simm.s32 $0x280;
	[sflag:s1] =	ssyncadd.s32 $0xFFFFE000  }
0x66: {  	[tilespmem:s24], [sflag:$0x2] =	stream.indirect.gather [hbm4b:s7+s22], $0x40, s8, s22, $0xb8;
	[tilespmem:$0x1CD00] =	vst v63  }
0x67: {  	_ =	swait.ge [sflag:s26], $0x2000  }
0x68: {  	[sflag:s26] =	ssyncset.done $0x0  }
0x69: {  	s6 =	simm.s32 $0x4F80;
	[sflag:s26] =	ssyncadd.s32 $0xFFFFE000  }
0x6a: {  	[spmem:s2] =	stream.indirect.scatter.add.f32 [tilespmem:s28], [sflag:$0x5], $0x40, s6, s22, $0xb8;
	[tilespmem:$0x1CD00] =	vst v63  }
0x6b: {  	_ =	swait.ge [sflag:s1], $0x2000  }
0x6c: {  	[sflag:s1] =	ssyncset.done $0x0  }
0x6d: {  	s8 =	simm.s32 $0x300;
	[sflag:s1] =	ssyncadd.s32 $0xFFFFE000  }
0x6e: {  	[tilespmem:s28], [sflag:$0x3] =	stream.indirect.gather [hbm4b:s7+s22], $0x40, s8, s22, $0xb8;
	[tilespmem:$0x1CD00] =	vst v63  }
0x6f: {  	_ =	swait.ge [sflag:s30], $0x2000  }
0x70: {  	[sflag:s30] =	ssyncset.done $0x0  }
0x71: {  	s6 =	simm.s32 $0x5000;
	[sflag:s30] =	ssyncadd.s32 $0xFFFFE000  }
0x72: {  	[spmem:s2] =	stream.indirect.scatter.add.f32 [tilespmem:s31], [sflag:$0x5], $0x40, s6, s22, $0xb8;
	[tilespmem:$0x1CD00] =	vst v63  }
0x73: {  	_ =	swait.ge [sflag:s1], $0x2000  }
0x74: {  	[sflag:s1] =	ssyncset.done $0x0  }
0x75: {  	s8 =	simm.s32 $0x380;
	[sflag:s1] =	ssyncadd.s32 $0xFFFFE000  }
0x76: {  	[tilespmem:s31], [sflag:$0x4] =	stream.indirect.gather [hbm4b:s7+s22], $0x40, s8, s22, $0xb8;
	[tilespmem:$0x1CD00] =	vst v63  }
0x77: {  	_ =	swait.ge [sflag:s29], $0x2000  }
0x78: {  	[sflag:s29] =	ssyncset.done $0x0  }
0x79: {  	s5 =	simm.s32 $0x800;
	s6 =	simm.s32 $0x5080;
	[sflag:s29] =	ssyncadd.s32 $0xFFFFE000  }
.LBB2_4:
0x7a: {  	[spmem:s2] =	stream.indirect.scatter.add.f32 [tilespmem:s23], [sflag:$0x5], $0x40, s6, s22, $0xb8;
	[tilespmem:$0x1CD00] =	vst v63  }
0x7b: {  	s6 =	smov.u32 s5  }
0x7c: {  	p0 =	sne.s32 s5, $0x12800;
	s5 =	sadd.s32 $0x800, s5;
	_ =	swait.ge [sflag:s1], $0x2000  }
0x7d: {  	s6 =	sshra.s32 s6, $0x2;
	[sflag:s1] =	ssyncset.done $0x0  }
0x7e: {  	s8 =	sadd.s32 $0x200, s6;
	[sflag:s1] =	ssyncadd.s32 $0xFFFFE000  }
0x7f: {  	[tilespmem:s23], [sflag:$0x1] =	stream.indirect.gather [hbm4b:s7+s22], $0x40, s8, s22, $0xb8;
	[tilespmem:$0x1CD00] =	vst v63  }
0x80: {  	_ =	swait.ge [sflag:s0], $0x2000  }
0x81: {  	[sflag:s0] =	ssyncset.done $0x0  }
0x82: {  	s8 =	sadd.s32 $0x4F00, s6;
	[sflag:s0] =	ssyncadd.s32 $0xFFFFE000  }
0x83: {  	[spmem:s2] =	stream.indirect.scatter.add.f32 [tilespmem:s24], [sflag:$0x5], $0x40, s8, s22, $0xb8;
	[tilespmem:$0x1CD00] =	vst v63  }
0x84: {  	_ =	swait.ge [sflag:s1], $0x2000  }
0x85: {  	[sflag:s1] =	ssyncset.done $0x0  }
0x86: {  	s8 =	sadd.s32 $0x280, s6;
	[sflag:s1] =	ssyncadd.s32 $0xFFFFE000  }
0x87: {  	[tilespmem:s24], [sflag:$0x2] =	stream.indirect.gather [hbm4b:s7+s22], $0x40, s8, s22, $0xb8;
	[tilespmem:$0x1CD00] =	vst v63  }
0x88: {  	_ =	swait.ge [sflag:s26], $0x2000  }
0x89: {  	[sflag:s26] =	ssyncset.done $0x0  }
0x8a: {  	s8 =	sadd.s32 $0x4F80, s6;
	[sflag:s26] =	ssyncadd.s32 $0xFFFFE000  }
0x8b: {  	[spmem:s2] =	stream.indirect.scatter.add.f32 [tilespmem:s28], [sflag:$0x5], $0x40, s8, s22, $0xb8;
	[tilespmem:$0x1CD00] =	vst v63  }
0x8c: {  	_ =	swait.ge [sflag:s1], $0x2000  }
0x8d: {  	[sflag:s1] =	ssyncset.done $0x0  }
0x8e: {  	s8 =	sadd.s32 $0x300, s6;
	[sflag:s1] =	ssyncadd.s32 $0xFFFFE000  }
0x8f: {  	[tilespmem:s28], [sflag:$0x3] =	stream.indirect.gather [hbm4b:s7+s22], $0x40, s8, s22, $0xb8;
	[tilespmem:$0x1CD00] =	vst v63  }
0x90: {  	_ =	swait.ge [sflag:s30], $0x2000  }
0x91: {  	[sflag:s30] =	ssyncset.done $0x0  }
0x92: {  	s8 =	sadd.s32 $0x5000, s6;
	[sflag:s30] =	ssyncadd.s32 $0xFFFFE000  }
0x93: {  	[spmem:s2] =	stream.indirect.scatter.add.f32 [tilespmem:s31], [sflag:$0x5], $0x40, s8, s22, $0xb8;
	[tilespmem:$0x1CD00] =	vst v63  }
0x94: {  	_ =	swait.ge [sflag:s1], $0x2000  }
0x95: {  	[sflag:s1] =	ssyncset.done $0x0  }
.Ltmp1:
0x96: {  	s8 =	sadd.s32 $0x380, s6;
	[sflag:s1] =	ssyncadd.s32 $0xFFFFE000;
	(pc) =	sbr.rel @p0 .LBB2_4-.Ltmp1, $4  }
0x97: {  	[tilespmem:s31], [sflag:$0x4] =	stream.indirect.gather [hbm4b:s7+s22], $0x40, s8, s22, $0xb8;
	[tilespmem:$0x1CD00] =	vst v63  }
0x98: {  	_ =	swait.ge [sflag:s29], $0x2000  }
0x99: {  	[sflag:s29] =	ssyncset.done $0x0  }
0x9a: {  	s6 =	sadd.s32 $0x5080, s6;
	[sflag:s29] =	ssyncadd.s32 $0xFFFFE000  }
0x9b: {  	[spmem:s2] =	stream.indirect.scatter.add.f32 [tilespmem:s23], [sflag:$0x5], $0x40, s6, s22, $0xb8;
	[tilespmem:$0x1CD00] =	vst v63  }
0x9c: {  	_ =	swait.ge [sflag:s1], $0x2000  }
0x9d: {  	[sflag:s1] =	ssyncset.done $0x0  }
0x9e: {  	s5 =	simm.s32 $0x4E00;
	[sflag:s1] =	ssyncadd.s32 $0xFFFFE000  }
0x9f: {  	[tilespmem:s23], [sflag:$0x1] =	stream.indirect.gather [hbm4b:s7+s22], $0x40, s5, s22, $0xb8;
	[tilespmem:$0x1CD00] =	vst v63  }
0xa0: {  	_ =	swait.ge [sflag:s0], $0x2000  }
0xa1: {  	[sflag:s0] =	ssyncset.done $0x0  }
0xa2: {  	s6 =	simm.s32 $0x9B00;
	[sflag:s0] =	ssyncadd.s32 $0xFFFFE000  }
0xa3: {  	[spmem:s2] =	stream.indirect.scatter.add.f32 [tilespmem:s24], [sflag:$0x5], $0x40, s6, s22, $0xb8;
	[tilespmem:$0x1CD00] =	vst v63  }
0xa4: {  	_ =	swait.ge [sflag:s1], $0x2000  }
0xa5: {  	[sflag:s1] =	ssyncset.done $0x0  }
0xa6: {  	[sflag:s1] =	ssyncadd.s32 $0xFFFFE000  }
0xa7: {  	_ =	swait.ge [sflag:s26], $0x2000  }
0xa8: {  	[sflag:s26] =	ssyncset.done $0x0  }
0xa9: {  	s8 =	simm.s32 $0x9B80;
	[sflag:s26] =	ssyncadd.s32 $0xFFFFE000  }
0xaa: {  	[spmem:s2] =	stream.indirect.scatter.add.f32 [tilespmem:s28], [sflag:$0x5], $0x40, s8, s22, $0xb8;
	[tilespmem:$0x1CD00] =	vst v63  }
0xab: {  	_ =	swait.ge [sflag:s1], $0x2000  }
0xac: {  	[sflag:s1] =	ssyncset.done $0x0  }
0xad: {  	[sflag:s1] =	ssyncadd.s32 $0xFFFFE000  }
0xae: {  	_ =	swait.ge [sflag:s30], $0x2000  }
0xaf: {  	[sflag:s30] =	ssyncset.done $0x0  }
0xb0: {  	s6 =	simm.s32 $0x9C00;
	[sflag:s30] =	ssyncadd.s32 $0xFFFFE000  }
0xb1: {  	[spmem:s2] =	stream.indirect.scatter.add.f32 [tilespmem:s31], [sflag:$0x5], $0x40, s6, s22, $0xb8;
	[tilespmem:$0x1CD00] =	vst v63  }
0xb2: {  	_ =	swait.ge [sflag:s1], $0x2000  }
0xb3: {  	[sflag:s1] =	ssyncset.done $0x0  }
0xb4: {  	[sflag:s1] =	ssyncadd.s32 $0xFFFFE000  }
0xb5: {  	_ =	swait.ge [sflag:s29], $0x2000  }
0xb6: {  	[sflag:s29] =	ssyncset.done $0x0  }
0xb7: {  	s8 =	simm.s32 $0x9C80;
	[sflag:s29] =	ssyncadd.s32 $0xFFFFE000  }
0xb8: {  	[spmem:s2] =	stream.indirect.scatter.add.f32 [tilespmem:s23], [sflag:$0x5], $0x40, s8, s22, $0xb8;
	[tilespmem:$0x1CD00] =	vst v63  }
0xb9: {  	_ =	swait.ge [sflag:s1], $0x2000  }
0xba: {  	[sflag:s1] =	ssyncset.done $0x0  }
0xbb: {  	s3 =	sadd.s32 $0x1, s3;
	s6 =	stileid.u32;
	[sflag:s1] =	ssyncadd.s32 $0xFFFFE000  }
0xbc: {  	p0 =	sne.s32 s3, s9;
	s5 =	sshll.u32 s6, $0x6;
	[bflag:$0x0] =	sbarrier.arrive $0xFFFF  }
.Ltmp2:
0xbd: {  	s5 =	sor.u32 $0x1C06, s5;
	s8 =	rddreg [dreg:$0x5];
	(pc) =	sbr.rel @p0 .LBB2_1-.Ltmp2, $4  }
0xbe: {  	[hbm:s8], [sflag:s5] =	dma.local [spmem:s25], $0x1400  }
0xbf: {  	_ =	swait.ge [sflag:s20], $0x1400  }
0xc0: {  	[sflag:s20] =	ssyncset.done $0x0  }
0xc1: {  	[sflag:s20] =	ssyncadd.s32 $0xFFFFEC00  }
0xc2: {  	_ =	sfence.sel $0x180000  }
0xc3: {  	[bflag:$0x0] =	sbarrier.arrive $0xFFFF  }
0xc4: {  	_ =	strace $0x9000004A  }
0xc5: {  	s0 =	stileid.u32;
	[bflag:$0x2] =	sbarrier.arrive $0xFFFF  }
0xc6: {  	p0 =	sne.s32 s0, $0x0;
	s0 =	rddreg [dreg:$0x2]  }
0xc7: {  	s0 =	sadd.s32 @!p0 $0x100000, s0  }
0xc8: {  	[sflag:s0] =	ssyncadd.tile.s32 @!p0 $0x1;
	_ =	shalt  }
.Lfunc_end2:
_tile_overlayer_lowered:
.L_overlay_start_2:
0xc9: {  	(tag) =	ssettag $0x2  }
0xca: {  	s0 =	rddreg [dreg:$0x0];
	s2 =	stileid.u32  }
0xcb: {  	s1 =	rddreg [dreg:$0x1];
	p0 =	sne.s32 s2, $0x0  }
0xcc: {  	s3 =	rddreg [dreg:$0x2];
	[bflag:$0x3] =	sbarrier.arrive $0xFFFF;
	s2 =	simm.s32 @!p0 $0x1C06  }
0xcd: {  	[timem:s3], [sflag:s2] =	dma.local @!p0 [hbm:s0], s1  }
0xce: {  	s0 =	simm.s32 @!p0 $0x6  }
0xcf: {  	_ =	swait.ge @!p0 [sflag:s0], s1  }
0xd0: {  	s1 =	ssub.s32 @!p0 $0x0, s1;
	[sflag:s0] =	ssyncset.done @!p0 $0x0  }
0xd1: {  	[sflag:s0] =	ssyncadd.s32 @!p0 s1  }
0xd2: {  	[bflag:$0x3] =	sbarrier.arrive $0xFFFF  }
0xd3: {  	_ =	shalt  }

// kernel: kernel.14.cloned.1.call-start
scs
__scs_entry_jumppad:
0x0: {  	(pc) =	sbr.rel $0x88, $3  }
0x1: {  	(tag) =	ssettag $0x0;
	lr =	simm.s32 $0x1  }
0x2: {  	[smem:$0x3F9D] =	sst lr;
	_ =	strace $0xD0000000  }
0x3: {  	_ = 	snop  }
0x4: {  	_ = 	snop  }
0x5: {  	_ = 	snop  }
0x6: {  	_ = 	snop  }
0x7: {  	_ = 	snop  }
__scs_overlays_trampoline_lowered:
0x8: {  	[smem:$0x3FAC] =	sst s0  }
0x9: {  	[smem:$0x3FAD] =	sst s1  }
0xa: {  	[smem:$0x3FAE] =	sst s2  }
0xb: {  	[smem:$0x3FAF] =	sst s3  }
0xc: {  	[smem:$0x3FB0] =	sst s4  }
0xd: {  	[smem:$0x3FB1] =	sst s5  }
0xe: {  	[smem:$0x3FB2] =	sst s6  }
0xf: {  	[smem:$0x3FB3] =	sst s7  }
0x10: {  	[smem:$0x3FB4] =	sst s8  }
0x11: {  	[smem:$0x3FB5] =	sst s9;
	s0 =	simm.s32 @!p0 $0x0  }
0x12: {  	s1 =	sld [smem:$0x3F9B];
	s0 =	simm.s32 @p0 $0x1  }
0x13: {  	[smem:$0x3FB6] =	sst s0;
	s0 =	simm.s32 @!p1 $0x0  }
0x14: {  	s2 =	sld [smem:$0x3F9A];
	s0 =	simm.s32 @p1 $0x1  }
0x15: {  	[smem:$0x3FB7] =	sst s0;
	s0 =	simm.s32 @!p2 $0x0  }
0x16: {  	s3 =	sld [smem:$0x3FDB];
	s0 =	simm.s32 @p2 $0x1  }
0x17: {  	s4 =	simm.s32 $0x1BF5;
	[smem:$0x3FB9] =	sst s0  }
0x18: {  	s0 =	sld [smem:$0x3F9C];
	_ =	swait.ge [sflag:s4], $0x0  }
0x19: {  	s7 =	sld [smem:$0x3F9D]  }
0x1a: {  	s8 =	sadd.s32 $0xFFFFE003, lr  }
0x1b: {  	s9 =	sadd.s32 $0xFFFFFEF7, lr;
	s5 =	simm.s32 $0xFFFFFFFF;
	p2 =	slt.u32 s8, $0xFFFFF086  }
0x1c: {  	p1 =	slt.u32 s9, $0xF7A;
	s5 =	simm.s32 @!p2 $0x0  }
0x1d: {  	s5 =	simm.s32 @p1 $0x1;
	p0 =	seq.s32 s7, s2  }
0x1e: {  	s7 =	smul.u32 @!p0 $0xF7A, s2;
	p2 =	seq.s32 @!p0 s5, $0x0  }
0x1f: {  	s9 =	smul.u32 $0xF7A, s1;
	s8 =	simm.s32 @!p0 $0x1BF5;
	p2 =	por !p2, p0  }
0x20: {  	[sflag:s8] =	ssyncset.s32 @!p0 $0xFFFFF086;
	s6 =	sadd.s32 @!p0 s3, s7;
	s7 =	simm.s32 @!p0 $0x108  }
0x21: {  	s3 =	sadd.s32 s3, s9;
	s6 =	sadd.s32 @!p0 $0x88, s6;
	s7 =	simm.s32 @p2 $0x1082  }
0x22: {  	[simem:s7], [sflag:s8] =	dma.local @!p0 [hbm:s6], $0xF7A  }
0x23: {  	s9 =	sor.u32 $0xD0000000, s2;
	s6 =	simm.s32 $0x108;
	_ =	swait.ge @!p0 [sflag:s8], $0x0  }
0x24: {  	s3 =	sadd.s32 $0x88, s3;
	s6 =	simm.s32 @!p1 $0x1082;
	[sflag:s4] =	ssyncset.s32 $0xFFFFF086  }
0x25: {  	[simem:s6], [sflag:s4] =	dma.local [hbm:s3], $0xF7A  }
0x26: {  	[smem:$0x3F9D] =	sst s1;
	(tag) =	ssettag s2;
	_ =	strace s9  }
0x27: {  	s1 =	sld [smem:$0x3FAD]  }
0x28: {  	s2 =	sld [smem:$0x3FAE]  }
0x29: {  	s4 =	sld [smem:$0x3FB0]  }
0x2a: {  	p0 =	seq.s32 s5, $0x0;
	s5 =	sld [smem:$0x3FB1]  }
0x2b: {  	s6 =	sld [smem:$0x3FB2]  }
0x2c: {  	s7 =	sld [smem:$0x3FB3]  }
0x2d: {  	s3 =	simm.s32 $0x108;
	s8 =	sld [smem:$0x3FB4]  }
0x2e: {  	s3 =	simm.s32 @!p0 $0x1082;
	s9 =	sld [smem:$0x3FB5]  }
0x2f: {  	lr =	sadd.s32 s0, s3;
	s0 =	sld [smem:$0x3FAC]  }
0x30: {  	s3 =	sld [smem:$0x3FAF]  }
0x31: {  	[smem:$0x3FB8] =	sst s10  }
0x32: {  	s10 =	sld [smem:$0x3FB6];
	_ =	sdelay $0x3  }
0x33: {  	p0 =	seq.s32 s10, $0x1;
	s10 =	sld [smem:$0x3FB8];
	_ =	sdelay $0x3  }
0x34: {  	[smem:$0x3FB8] =	sst s10  }
0x35: {  	s10 =	sld [smem:$0x3FB7];
	_ =	sdelay $0x3  }
0x36: {  	p1 =	seq.s32 s10, $0x1;
	s10 =	sld [smem:$0x3FB8];
	_ =	sdelay $0x3  }
0x37: {  	[smem:$0x3FB8] =	sst s10  }
0x38: {  	s10 =	sld [smem:$0x3FB9]  }
0x39: {  	_ = 	snop;
	(pc) =	sbr.ind lr, $3  }
0x3a: {  	_ = 	snop  }
0x3b: {  	_ = 	snop  }
0x3c: {  	p2 =	seq.s32 s10, $0x1;
	s10 =	sld [smem:$0x3FB8]  }
0x3d: {  	_ =	shalt  }
0x3e: {  	_ =	shalt  }
0x3f: {  	_ =	shalt  }
0x40: {  	_ =	shalt  }
0x41: {  	_ =	shalt  }
0x42: {  	_ =	shalt  }
0x43: {  	_ =	shalt  }
0x44: {  	_ =	shalt  }
0x45: {  	_ =	shalt  }
0x46: {  	_ =	shalt  }
0x47: {  	_ =	shalt  }
0x48: {  	_ =	shalt  }
0x49: {  	_ =	shalt  }
0x4a: {  	_ =	shalt  }
0x4b: {  	_ =	shalt  }
0x4c: {  	_ =	shalt  }
0x4d: {  	_ =	shalt  }
0x4e: {  	_ =	shalt  }
0x4f: {  	_ =	shalt  }
0x50: {  	_ =	shalt  }
0x51: {  	_ =	shalt  }
0x52: {  	_ =	shalt  }
0x53: {  	_ =	shalt  }
0x54: {  	_ =	shalt  }
0x55: {  	_ =	shalt  }
0x56: {  	_ =	shalt  }
0x57: {  	_ =	shalt  }
0x58: {  	_ =	shalt  }
0x59: {  	_ =	shalt  }
0x5a: {  	_ =	shalt  }
0x5b: {  	_ =	shalt  }
0x5c: {  	_ =	shalt  }
0x5d: {  	_ =	shalt  }
0x5e: {  	_ =	shalt  }
0x5f: {  	_ =	shalt  }
0x60: {  	_ =	shalt  }
0x61: {  	_ =	shalt  }
0x62: {  	_ =	shalt  }
0x63: {  	_ =	shalt  }
0x64: {  	_ =	shalt  }
0x65: {  	_ =	shalt  }
0x66: {  	_ =	shalt  }
0x67: {  	_ =	shalt  }
0x68: {  	_ =	shalt  }
0x69: {  	_ =	shalt  }
0x6a: {  	_ =	shalt  }
0x6b: {  	_ =	shalt  }
0x6c: {  	_ =	shalt  }
0x6d: {  	_ =	shalt  }
0x6e: {  	_ =	shalt  }
0x6f: {  	_ =	shalt  }
0x70: {  	_ =	shalt  }
0x71: {  	_ =	shalt  }
0x72: {  	_ =	shalt  }
0x73: {  	_ =	shalt  }
0x74: {  	_ =	shalt  }
0x75: {  	_ =	shalt  }
0x76: {  	_ =	shalt  }
0x77: {  	_ =	shalt  }
0x78: {  	_ =	shalt  }
0x79: {  	_ =	shalt  }
0x7a: {  	_ =	shalt  }
0x7b: {  	_ =	shalt  }
0x7c: {  	_ =	shalt  }
0x7d: {  	_ =	shalt  }
0x7e: {  	_ =	shalt  }
0x7f: {  	_ =	shalt  }
0x80: {  	_ =	shalt  }
0x81: {  	_ =	shalt  }
0x82: {  	_ =	shalt  }
0x83: {  	_ =	shalt  }
0x84: {  	_ =	shalt  }
0x85: {  	_ =	shalt  }
0x86: {  	_ =	shalt  }
0x87: {  	_ =	shalt  }
.Lfunc_end0:
.L_simem_size_0:
called_computation.2_lowered:
.L_overlay_start_0:
0x88: {  	s2 =	sld [smem:$0x3FD9]  }
0x89: {  	s3 =	sld [smem:$0x3FFE];
	_ =	sdelay $0x1  }
0x8a: {  	s1 =	srdreg.scid  }
0x8b: {  	s0 =	sand.u32 $0x1, s1  }
0x8c: {  	s17 =	sshll.u32 s0, $0xA;
	s2 =	sadd.s32 s3, s2  }
0x8d: {  	s2 =	sadd.s32 s2, s17  }
0x8e: {  	[smem:$0x3FC4] =	sst s2  }
0x8f: {  	_ = 	snop  }
0x90: {  	s2 =	sld [smem:$0x3FD0];
	(tm) =	ssettm $0x1  }
0x91: {  	s18 =	sld [smem:$0x3FFB];
	_ =	sdelay $0x3  }
0x92: {  	_ =	strace s18  }
0x93: {  	s3 =	sld [smem:$0x3FFC];
	_ =	sdelay $0x3  }
0x94: {  	_ =	strace s3  }
0x95: {  	s3 =	sld [smem:$0x3FFD];
	_ =	sdelay $0x3  }
0x96: {  	_ =	strace s3  }
0x97: {  	_ =	strace $0x8FFFFFFF  }
0x98: {  	s19 =	sld [smem:$0x3FDB];
	_ =	sdelay $0x1  }
0x99: {  	s4 =	simm.s32 $_scs_section_size  }
0x9a: {  	s5 =	simm.s32 $_size__tile_overlayer_lowered;
	s6 =	simm.s32 $_tile_overlayer_lowered  }
0x9b: {  	s22 =	simm.s32 $0x1BFF;
	s21 =	sshll.u32 s6, $0x1;
	s3 =	sadd.s32 s4, s19  }
0x9c: {  	s7 =	simm.s32 $0x0;
	s20 =	sshll.u32 s5, $0x1;
	s5 =	sadd.s32 s21, s3  }
0x9d: {  	[timem:s7], [sflag:s22] =	dma.local [hbm:s5], s20  }
0x9e: {  	_ =	swait.ge [sflag:s22], s20  }
0x9f: {  	s4 =	ssub.s32 $0x0, s20;
	[sflag:s22] =	ssyncset.done $0x0  }
0xa0: {  	[sflag:s22] =	ssyncadd.s32 s4;
	_ =	sdelay $0x1  }
0xa1: {  	s23 =	simm.s32 $0x1B8B  }
0xa2: {  	_ =	swait.ge [sflag:s23], $0x1  }
0xa3: {  	[sflag:s23] =	ssyncset.done $0x0  }
0xa4: {  	s25 =	simm.s32 $0x1B8E;
	s24 =	sld [smem:$0x3FFE];
	[sflag:s23] =	ssyncadd.s32 $0xFFFFFFFF  }
0xa5: {  	s26 =	simm.s32 $execute0_lowered;
	[smem:$0x3FD2] =	sst s25  }
0xa6: {  	s5 =	sshll.u32 s26, $0x1;
	_ =	strace $0x8000004C;
	[dreg:$0x1] =	wrdreg $0xFFFFFFFF  }
0xa7: {  	s28 =	simm.s32 $_size_execute0_lowered;
	s3 =	sadd.s32 s3, s5;
	[dreg:$0x0] =	wrdreg $0x0  }
0xa8: {  	s5 =	sshll.u32 s28, $0x1;
	[dreg:$0x2] =	wrdreg s3  }
0xa9: {  	[dreg:$0x3] =	wrdreg s5  }
0xaa: {  	[dreg:$0x4] =	wrdreg $0xC0  }
0xab: {  	_ =	task [dreg:s7], $0x5FFFF  }
0xac: {  	[dreg:$0x1] =	wrdreg $0xFFFFFFFF  }
0xad: {  	[dreg:$0x0] =	wrdreg $0x60  }
0xae: {  	[dreg:$0x2] =	wrdreg s24  }
0xaf: {  	[dreg:$0x3] =	wrdreg s2  }
0xb0: {  	[dreg:$0x4] =	wrdreg $0x10D000  }
0xb1: {  	[dreg:$0x5] =	wrdreg $0x9  }
0xb2: {  	_ =	task.clear_ibuf [dreg:s7], $0x6FFFF;
	_ =	strace $0x9000004C  }
0xb3: {  	s29 =	simm.s32 $0x9;
	_ =	strace $0x8000004E  }
0xb4: {  	_ =	swait.ge [sflag:s29], $0x1  }
0xb5: {  	[sflag:s29] =	ssyncadd.s32 $0xFFFFFFFF  }
0xb6: {  	_ =	strace $0x9000004E  }
0xb7: {  	_ =	sfence  }
0xb8: {  	s30 =	sld [smem:$0x0];
	_ =	sdelay $0x2  }
0xb9: {  	s31 =	sshll.u32 s1, $0xD;
	s1 =	sshrl.u32 s1, $0x2  }
0xba: {  	s3 =	sand.u32 $0x4000, s31;
	s1 =	sadd.s32 s1, s30  }
0xbb: {  	s0 =	sor.u32 s3, s0;
	s1 =	sshll.u32 s1, $0x11  }
0xbc: {  	s0 =	sor.u32 s1, s0  }
0xbd: {  	s0 =	sadd.s32 $0x8F2B, s0  }
0xbe: {  	[sflag:s0] =	ssyncadd.remote.s32 $0x1  }
0xbf: {  	_ =	sfence.sel $0xFFFF  }
0xc0: {  	[dreg:$0x0] =	wrdreg $0xFFFFFFFF;
	(pc) =	sbr.abs _section_cstart, $3  }
0xc1: {  	[dreg:$0x1] =	wrdreg $0xFFFFFFFF  }
0xc2: {  	_ =	task.clear_ibuf [dreg:s7], $0x2FFFF;
	_ =	strace $0x9FFFFFFF  }
0xc3: {  	(tm) =	ssettm $0x7FFFFFFF  }
tec
execute0_lowered:
.L_overlay_start_1:
0x0: {  	(tag) =	ssettag $0x1  }
0x1: {  	s0 =	rddreg [dreg:$0x0]  }
0x2: {  	s1 =	rddreg [dreg:$0x1];
	s3 =	srdreg.scid  }
0x3: {  	s2 =	rddreg [dreg:$0x2];
	s7 =	stileid.u32  }
0x4: {  	s14 =	simm.s32 $0xFD00;
	s15 =	simm.s32 $0x8;
	s16 =	simm.s32 $0x4E80  }
0x5: {  	s17 =	simm.s32 $0x80;
	s18 =	simm.s32 $0x9D00;
	s19 =	simm.s32 $0xAD00  }
0x6: {  	s21 =	simm.s32 $0xBD00;
	s23 =	simm.s32 $0xCD00;
	s28 =	simm.s32 $0x1  }
0x7: {  	s30 =	simm.s32 $0xED00;
	s31 =	simm.s32 $0x7;
	s9 =	smul.u32 $0x5000, s7  }
0x8: {  	s20 =	simm.s32 $0x3;
	s22 =	simm.s32 $0x4;
	s6 =	smul.u32 $0x9D0, s7  }
0x9: {  	s4 =	sand.u32 $0x1, s3;
	s3 =	simm.s32 $0x0;
	s7 =	smul.u32 $0x14000, s7  }
0xa: {  	s24 =	simm.s32 $0x6;
	s5 =	smul.u32 $0x50000, s4;
	[smem:$0x7FF] =	sst s3  }
0xb: {  	s8 =	ssub.s32 $0x2, s4;
	s11 =	smul.u32 $0x9C40, s4;
	_ =	strace $0x8000004D  }
0xc: {  	s6 =	sadd.s32 s6, s0;
	s10 =	sshrl.u32 s8, $0x1;
	s7 =	sshrl.u32 s7, $0x2  }
0xd: {  	s29 =	sadd.s32 s9, s2;
	s5 =	sadd.s32 s9, s5;
	s25 =	ssub.s32 s8, s10  }
0xe: {  	s4 =	sadd.s32 s7, s2;
	s26 =	sadd.s32 $0xBC00, s6;
	s6 =	sadd.s32 $0x1400, s6  }
0xf: {  	s7 =	sadd.s32 s1, s11;
	s1 =	simm.s32 $0x5;
	[dreg:$0x4] =	wrdreg s26  }
0x10: {  	s5 =	sshrl.u32 s5, $0x3;
	[dreg:$0x5] =	wrdreg s6;
	s9 =	smax.u32 s25, $0x1  }
0x11: {  	s10 =	sadd.s32 $0x1000, s4;
	s11 =	sadd.s32 $0x2000, s4;
	s12 =	sadd.s32 $0x3000, s4  }
0x12: {  	s13 =	sadd.s32 $0x4000, s4;
	s25 =	sshrl.u32 s29, $0x3;
	s0 =	sadd.s32 s5, s0  }
0x13: {  	v0 =	vimm.f32 $0.0e+00;
	s26 =	simm.s32 $0xDD00;
	s8 =	sadd.s32 $0x15A00, s0;
	s0 =	simm.s32 $0x2  }
.LBB2_1:
0x14: {  	s5 =	simm.s32 $0x80;
	s29 =	simm.s32 $0x0  }
.LBB2_2:
0x15: {  	p0 =	sne.s32 s5, $0x3F80;
	[tilespmem:s29+$0xFD00] =	vst v0;
	s6 =	smov.u32 s5;
	s5 =	sadd.s32 $0x80, s5  }
.Ltmp0:
0x16: {  	[tilespmem:s29+$0xFD10] =	vst v0;
	(pc) =	sbr.rel @p0 .LBB2_2-.Ltmp0, $2  }
0x17: {  	_ =	sdelay $0x2  }
0x18: {  	s29 =	sshra.s32 s6, $0x2  }
0x19: {  	[tilespmem:s29+$0xFD00] =	vst v0  }
0x1a: {  	[tilespmem:s29+$0xFD10] =	vst v0  }
0x1b: {  	[spmem:s4] =	stream.linear.scatter [tilespmem:s14], [sflag:$0x8], $0x1000, $0x38;
	[tilespmem:$0x15D00] =	vst v63  }
0x1c: {  	_ =	swait.ge [sflag:s15], $0x1000  }
0x1d: {  	[sflag:s15] =	ssyncset.done $0x0  }
0x1e: {  	[sflag:s15] =	ssyncadd.s32 $0xFFFFF000  }
0x1f: {  	[spmem:s10] =	stream.linear.scatter [tilespmem:s14], [sflag:$0x8], $0x1000, $0x38;
	[tilespmem:$0x15D00] =	vst v63  }
0x20: {  	_ =	swait.ge [sflag:s15], $0x1000  }
0x21: {  	[sflag:s15] =	ssyncset.done $0x0  }
0x22: {  	[sflag:s15] =	ssyncadd.s32 $0xFFFFF000  }
0x23: {  	[spmem:s11] =	stream.linear.scatter [tilespmem:s14], [sflag:$0x8], $0x1000, $0x38;
	[tilespmem:$0x15D00] =	vst v63  }
0x24: {  	_ =	swait.ge [sflag:s15], $0x1000  }
0x25: {  	[sflag:s15] =	ssyncset.done $0x0  }
0x26: {  	[sflag:s15] =	ssyncadd.s32 $0xFFFFF000  }
0x27: {  	[spmem:s12] =	stream.linear.scatter [tilespmem:s14], [sflag:$0x8], $0x1000, $0x38;
	[tilespmem:$0x15D00] =	vst v63  }
0x28: {  	_ =	swait.ge [sflag:s15], $0x1000  }
0x29: {  	[sflag:s15] =	ssyncset.done $0x0  }
0x2a: {  	[sflag:s15] =	ssyncadd.s32 $0xFFFFF000  }
0x2b: {  	[spmem:s13] =	stream.linear.scatter [tilespmem:s14], [sflag:$0x8], $0x1000, $0x38;
	[tilespmem:$0x15D00] =	vst v63  }
0x2c: {  	_ =	swait.ge [sflag:s15], $0x1000  }
0x2d: {  	[sflag:s15] =	ssyncset.done $0x0  }
0x2e: {  	[sflag:s15] =	ssyncadd.s32 $0xFFFFF000  }
0x2f: {  	[bflag:$0x0] =	sbarrier.arrive $0xFFFF  }
0x30: {  	s5 =	simm.s32 $0x0;
	s6 =	rddreg [dreg:$0x4]  }
0x31: {  	[tilespmem:s5], [sflag:$0x8] =	stream.linear.gather [hbm4b:s6+s5], $0x4E80, $0x38;
	[tilespmem:$0x15D00] =	vst v63  }
0x32: {  	_ =	swait.ge [sflag:s15], $0x4E80  }
0x33: {  	[sflag:s15] =	ssyncset.done $0x0  }
0x34: {  	s6 =	rddreg [dreg:$0x5];
	[sflag:s15] =	ssyncadd.s32 $0xFFFFB180  }
0x35: {  	[tilespmem:s16], [sflag:$0x8] =	stream.linear.gather [hbm4b:s6+s5], $0x4E80, $0x38;
	[tilespmem:$0x15D00] =	vst v63  }
0x36: {  	_ =	swait.ge [sflag:s15], $0x4E80  }
0x37: {  	[sflag:s15] =	ssyncset.done $0x0  }
0x38: {  	[sflag:s15] =	ssyncadd.s32 $0xFFFFB180  }
0x39: {  	[tilespmem:s18], [sflag:$0x1] =	stream.indirect.gather [hbm4b:s7+s17], $0x20, s5, s17, $0xb8;
	[tilespmem:$0x15D00] =	vst v63  }
0x3a: {  	_ = 	snop  }
0x3b: {  	[tilespmem:s19], [sflag:$0x2] =	stream.indirect.gather [hbm4b:s7+s17], $0x20, s17, s17, $0xb8;
	[tilespmem:$0x15D00] =	vst v63  }
0x3c: {  	s6 =	simm.s32 $0x100  }
0x3d: {  	[tilespmem:s21], [sflag:$0x3] =	stream.indirect.gather [hbm4b:s7+s17], $0x20, s6, s17, $0xb8;
	[tilespmem:$0x15D00] =	vst v63  }
0x3e: {  	s6 =	simm.s32 $0x180  }
0x3f: {  	[tilespmem:s23], [sflag:$0x4] =	stream.indirect.gather [hbm4b:s7+s17], $0x20, s6, s17, $0xb8;
	[tilespmem:$0x15D00] =	vst v63  }
0x40: {  	s6 =	simm.s32 $0x200  }
0x41: {  	[tilespmem:s26], [sflag:$0x5] =	stream.indirect.gather [hbm4b:s7+s17], $0x20, s6, s17, $0xb8;
	[tilespmem:$0x15D00] =	vst v63  }
0x42: {  	_ =	swait.ge [sflag:s28], $0x1000  }
0x43: {  	[sflag:s28] =	ssyncset.done $0x0  }
0x44: {  	[sflag:s28] =	ssyncadd.s32 $0xFFFFF000  }
0x45: {  	[spmem:s2] =	stream.indirect.scatter.add.f32 [tilespmem:s18], [sflag:$0x7], $0x20, s16, s17, $0xb8;
	[tilespmem:$0x15D00] =	vst v63  }
0x46: {  	s6 =	simm.s32 $0x280  }
0x47: {  	[tilespmem:s30], [sflag:$0x6] =	stream.indirect.gather [hbm4b:s7+s17], $0x20, s6, s17, $0xb8;
	[tilespmem:$0x15D00] =	vst v63  }
0x48: {  	_ =	swait.ge [sflag:s31], $0x1000  }
0x49: {  	[sflag:s31] =	ssyncset.done $0x0  }
0x4a: {  	s6 =	simm.s32 $0x300;
	[sflag:s31] =	ssyncadd.s32 $0xFFFFF000  }
0x4b: {  	[tilespmem:s18], [sflag:$0x1] =	stream.indirect.gather [hbm4b:s7+s17], $0x20, s6, s17, $0xb8;
	[tilespmem:$0x15D00] =	vst v63  }
0x4c: {  	_ =	swait.ge [sflag:s0], $0x1000  }
0x4d: {  	[sflag:s0] =	ssyncset.done $0x0  }
0x4e: {  	s6 =	simm.s32 $0x4F00;
	[sflag:s0] =	ssyncadd.s32 $0xFFFFF000  }
0x4f: {  	[spmem:s2] =	stream.indirect.scatter.add.f32 [tilespmem:s19], [sflag:$0x7], $0x20, s6, s17, $0xb8;
	[tilespmem:$0x15D00] =	vst v63  }
0x50: {  	_ =	swait.ge [sflag:s31], $0x1000  }
0x51: {  	[sflag:s31] =	ssyncset.done $0x0  }
0x52: {  	s6 =	simm.s32 $0x380;
	[sflag:s31] =	ssyncadd.s32 $0xFFFFF000  }
0x53: {  	[tilespmem:s19], [sflag:$0x2] =	stream.indirect.gather [hbm4b:s7+s17], $0x20, s6, s17, $0xb8;
	[tilespmem:$0x15D00] =	vst v63  }
0x54: {  	_ =	swait.ge [sflag:s20], $0x1000  }
0x55: {  	[sflag:s20] =	ssyncset.done $0x0  }
0x56: {  	s6 =	simm.s32 $0x4F80;
	[sflag:s20] =	ssyncadd.s32 $0xFFFFF000  }
0x57: {  	[spmem:s2] =	stream.indirect.scatter.add.f32 [tilespmem:s21], [sflag:$0x7], $0x20, s6, s17, $0xb8;
	[tilespmem:$0x15D00] =	vst v63  }
0x58: {  	_ =	swait.ge [sflag:s31], $0x1000  }
0x59: {  	[sflag:s31] =	ssyncset.done $0x0  }
0x5a: {  	s6 =	simm.s32 $0x400;
	[sflag:s31] =	ssyncadd.s32 $0xFFFFF000  }
0x5b: {  	[tilespmem:s21], [sflag:$0x3] =	stream.indirect.gather [hbm4b:s7+s17], $0x20, s6, s17, $0xb8;
	[tilespmem:$0x15D00] =	vst v63  }
0x5c: {  	_ =	swait.ge [sflag:s22], $0x1000  }
0x5d: {  	[sflag:s22] =	ssyncset.done $0x0  }
0x5e: {  	s6 =	simm.s32 $0x5000;
	[sflag:s22] =	ssyncadd.s32 $0xFFFFF000  }
0x5f: {  	[spmem:s2] =	stream.indirect.scatter.add.f32 [tilespmem:s23], [sflag:$0x7], $0x20, s6, s17, $0xb8;
	[tilespmem:$0x15D00] =	vst v63  }
0x60: {  	_ =	swait.ge [sflag:s31], $0x1000  }
0x61: {  	[sflag:s31] =	ssyncset.done $0x0  }
0x62: {  	s6 =	simm.s32 $0x480;
	[sflag:s31] =	ssyncadd.s32 $0xFFFFF000  }
0x63: {  	[tilespmem:s23], [sflag:$0x4] =	stream.indirect.gather [hbm4b:s7+s17], $0x20, s6, s17, $0xb8;
	[tilespmem:$0x15D00] =	vst v63  }
0x64: {  	_ =	swait.ge [sflag:s1], $0x1000  }
0x65: {  	[sflag:s1] =	ssyncset.done $0x0  }
0x66: {  	s6 =	simm.s32 $0x5080;
	[sflag:s1] =	ssyncadd.s32 $0xFFFFF000  }
0x67: {  	[spmem:s2] =	stream.indirect.scatter.add.f32 [tilespmem:s26], [sflag:$0x7], $0x20, s6, s17, $0xb8;
	[tilespmem:$0x15D00] =	vst v63  }
0x68: {  	_ =	swait.ge [sflag:s31], $0x1000  }
0x69: {  	[sflag:s31] =	ssyncset.done $0x0  }
0x6a: {  	s6 =	simm.s32 $0x500;
	[sflag:s31] =	ssyncadd.s32 $0xFFFFF000  }
0x6b: {  	[tilespmem:s26], [sflag:$0x5] =	stream.indirect.gather [hbm4b:s7+s17], $0x20, s6, s17, $0xb8;
	[tilespmem:$0x15D00] =	vst v63  }
0x6c: {  	_ =	swait.ge [sflag:s24], $0x1000  }
0x6d: {  	[sflag:s24] =	ssyncset.done $0x0  }
0x6e: {  	s6 =	simm.s32 $0x5100;
	[sflag:s24] =	ssyncadd.s32 $0xFFFFF000  }
0x6f: {  	[spmem:s2] =	stream.indirect.scatter.add.f32 [tilespmem:s30], [sflag:$0x7], $0x20, s6, s17, $0xb8;
	[tilespmem:$0x15D00] =	vst v63  }
0x70: {  	_ =	swait.ge [sflag:s31], $0x1000  }
0x71: {  	[sflag:s31] =	ssyncset.done $0x0  }
0x72: {  	s6 =	simm.s32 $0x580;
	[sflag:s31] =	ssyncadd.s32 $0xFFFFF000  }
0x73: {  	[tilespmem:s30], [sflag:$0x6] =	stream.indirect.gather [hbm4b:s7+s17], $0x20, s6, s17, $0xb8;
	[tilespmem:$0x15D00] =	vst v63  }
0x74: {  	_ =	swait.ge [sflag:s28], $0x1000  }
0x75: {  	[sflag:s28] =	ssyncset.done $0x0  }
0x76: {  	s29 =	simm.s32 $0xC00;
	s5 =	simm.s32 $0x5180;
	[sflag:s28] =	ssyncadd.s32 $0xFFFFF000  }
.LBB2_4:
0x77: {  	[spmem:s2] =	stream.indirect.scatter.add.f32 [tilespmem:s18], [sflag:$0x7], $0x20, s5, s17, $0xb8;
	[tilespmem:$0x15D00] =	vst v63  }
0x78: {  	s5 =	smov.u32 s29  }
0x79: {  	p0 =	sne.s32 s29, $0x12000;
	s29 =	sadd.s32 $0xC00, s29;
	_ =	swait.ge [sflag:s31], $0x1000  }
0x7a: {  	s5 =	sshra.s32 s5, $0x2;
	[sflag:s31] =	ssyncset.done $0x0  }
0x7b: {  	s6 =	sadd.s32 $0x300, s5;
	[sflag:s31] =	ssyncadd.s32 $0xFFFFF000  }
0x7c: {  	[tilespmem:s18], [sflag:$0x1] =	stream.indirect.gather [hbm4b:s7+s17], $0x20, s6, s17, $0xb8;
	[tilespmem:$0x15D00] =	vst v63  }
0x7d: {  	_ =	swait.ge [sflag:s0], $0x1000  }
0x7e: {  	[sflag:s0] =	ssyncset.done $0x0  }
0x7f: {  	s6 =	sadd.s32 $0x4F00, s5;
	[sflag:s0] =	ssyncadd.s32 $0xFFFFF000  }
0x80: {  	[spmem:s2] =	stream.indirect.scatter.add.f32 [tilespmem:s19], [sflag:$0x7], $0x20, s6, s17, $0xb8;
	[tilespmem:$0x15D00] =	vst v63  }
0x81: {  	_ =	swait.ge [sflag:s31], $0x1000  }
0x82: {  	[sflag:s31] =	ssyncset.done $0x0  }
0x83: {  	s6 =	sadd.s32 $0x380, s5;
	[sflag:s31] =	ssyncadd.s32 $0xFFFFF000  }
0x84: {  	[tilespmem:s19], [sflag:$0x2] =	stream.indirect.gather [hbm4b:s7+s17], $0x20, s6, s17, $0xb8;
	[tilespmem:$0x15D00] =	vst v63  }
0x85: {  	_ =	swait.ge [sflag:s20], $0x1000  }
0x86: {  	[sflag:s20] =	ssyncset.done $0x0  }
0x87: {  	s6 =	sadd.s32 $0x4F80, s5;
	[sflag:s20] =	ssyncadd.s32 $0xFFFFF000  }
0x88: {  	[spmem:s2] =	stream.indirect.scatter.add.f32 [tilespmem:s21], [sflag:$0x7], $0x20, s6, s17, $0xb8;
	[tilespmem:$0x15D00] =	vst v63  }
0x89: {  	_ =	swait.ge [sflag:s31], $0x1000  }
0x8a: {  	[sflag:s31] =	ssyncset.done $0x0  }
0x8b: {  	s6 =	sadd.s32 $0x400, s5;
	[sflag:s31] =	ssyncadd.s32 $0xFFFFF000  }
0x8c: {  	[tilespmem:s21], [sflag:$0x3] =	stream.indirect.gather [hbm4b:s7+s17], $0x20, s6, s17, $0xb8;
	[tilespmem:$0x15D00] =	vst v63  }
0x8d: {  	_ =	swait.ge [sflag:s22], $0x1000  }
0x8e: {  	[sflag:s22] =	ssyncset.done $0x0  }
0x8f: {  	s6 =	sadd.s32 $0x5000, s5;
	[sflag:s22] =	ssyncadd.s32 $0xFFFFF000  }
0x90: {  	[spmem:s2] =	stream.indirect.scatter.add.f32 [tilespmem:s23], [sflag:$0x7], $0x20, s6, s17, $0xb8;
	[tilespmem:$0x15D00] =	vst v63  }
0x91: {  	_ =	swait.ge [sflag:s31], $0x1000  }
0x92: {  	[sflag:s31] =	ssyncset.done $0x0  }
0x93: {  	s6 =	sadd.s32 $0x480, s5;
	[sflag:s31] =	ssyncadd.s32 $0xFFFFF000  }
0x94: {  	[tilespmem:s23], [sflag:$0x4] =	stream.indirect.gather [hbm4b:s7+s17], $0x20, s6, s17, $0xb8;
	[tilespmem:$0x15D00] =	vst v63  }
0x95: {  	_ =	swait.ge [sflag:s1], $0x1000  }
0x96: {  	[sflag:s1] =	ssyncset.done $0x0  }
0x97: {  	s6 =	sadd.s32 $0x5080, s5;
	[sflag:s1] =	ssyncadd.s32 $0xFFFFF000  }
0x98: {  	[spmem:s2] =	stream.indirect.scatter.add.f32 [tilespmem:s26], [sflag:$0x7], $0x20, s6, s17, $0xb8;
	[tilespmem:$0x15D00] =	vst v63  }
0x99: {  	_ =	swait.ge [sflag:s31], $0x1000  }
0x9a: {  	[sflag:s31] =	ssyncset.done $0x0  }
0x9b: {  	s6 =	sadd.s32 $0x500, s5;
	[sflag:s31] =	ssyncadd.s32 $0xFFFFF000  }
0x9c: {  	[tilespmem:s26], [sflag:$0x5] =	stream.indirect.gather [hbm4b:s7+s17], $0x20, s6, s17, $0xb8;
	[tilespmem:$0x15D00] =	vst v63  }
0x9d: {  	_ =	swait.ge [sflag:s24], $0x1000  }
0x9e: {  	[sflag:s24] =	ssyncset.done $0x0  }
0x9f: {  	s6 =	sadd.s32 $0x5100, s5;
	[sflag:s24] =	ssyncadd.s32 $0xFFFFF000  }
0xa0: {  	[spmem:s2] =	stream.indirect.scatter.add.f32 [tilespmem:s30], [sflag:$0x7], $0x20, s6, s17, $0xb8;
	[tilespmem:$0x15D00] =	vst v63  }
0xa1: {  	_ =	swait.ge [sflag:s31], $0x1000  }
0xa2: {  	[sflag:s31] =	ssyncset.done $0x0  }
.Ltmp1:
0xa3: {  	s6 =	sadd.s32 $0x580, s5;
	[sflag:s31] =	ssyncadd.s32 $0xFFFFF000;
	(pc) =	sbr.rel @p0 .LBB2_4-.Ltmp1, $4  }
0xa4: {  	[tilespmem:s30], [sflag:$0x6] =	stream.indirect.gather [hbm4b:s7+s17], $0x20, s6, s17, $0xb8;
	[tilespmem:$0x15D00] =	vst v63  }
0xa5: {  	_ =	swait.ge [sflag:s28], $0x1000  }
0xa6: {  	[sflag:s28] =	ssyncset.done $0x0  }
0xa7: {  	s5 =	sadd.s32 $0x5180, s5;
	[sflag:s28] =	ssyncadd.s32 $0xFFFFF000  }
0xa8: {  	[spmem:s2] =	stream.indirect.scatter.add.f32 [tilespmem:s18], [sflag:$0x7], $0x20, s5, s17, $0xb8;
	[tilespmem:$0x15D00] =	vst v63  }
0xa9: {  	_ =	swait.ge [sflag:s31], $0x1000  }
0xaa: {  	[sflag:s31] =	ssyncset.done $0x0  }
0xab: {  	s6 =	simm.s32 $0x4E00;
	[sflag:s31] =	ssyncadd.s32 $0xFFFFF000  }
0xac: {  	[tilespmem:s18], [sflag:$0x1] =	stream.indirect.gather [hbm4b:s7+s17], $0x20, s6, s17, $0xb8;
	[tilespmem:$0x15D00] =	vst v63  }
0xad: {  	_ =	swait.ge [sflag:s0], $0x1000  }
0xae: {  	[sflag:s0] =	ssyncset.done $0x0  }
0xaf: {  	s29 =	simm.s32 $0x9A00;
	[sflag:s0] =	ssyncadd.s32 $0xFFFFF000  }
0xb0: {  	[spmem:s2] =	stream.indirect.scatter.add.f32 [tilespmem:s19], [sflag:$0x7], $0x20, s29, s17, $0xb8;
	[tilespmem:$0x15D00] =	vst v63  }
0xb1: {  	_ =	swait.ge [sflag:s31], $0x1000  }
0xb2: {  	[sflag:s31] =	ssyncset.done $0x0  }
0xb3: {  	[sflag:s31] =	ssyncadd.s32 $0xFFFFF000  }
0xb4: {  	_ =	swait.ge [sflag:s20], $0x1000  }
0xb5: {  	[sflag:s20] =	ssyncset.done $0x0  }
0xb6: {  	s6 =	simm.s32 $0x9A80;
	[sflag:s20] =	ssyncadd.s32 $0xFFFFF000  }
0xb7: {  	[spmem:s2] =	stream.indirect.scatter.add.f32 [tilespmem:s21], [sflag:$0x7], $0x20, s6, s17, $0xb8;
	[tilespmem:$0x15D00] =	vst v63  }
0xb8: {  	_ =	swait.ge [sflag:s31], $0x1000  }
0xb9: {  	[sflag:s31] =	ssyncset.done $0x0  }
0xba: {  	[sflag:s31] =	ssyncadd.s32 $0xFFFFF000  }
0xbb: {  	_ =	swait.ge [sflag:s22], $0x1000  }
0xbc: {  	[sflag:s22] =	ssyncset.done $0x0  }
0xbd: {  	s29 =	simm.s32 $0x9B00;
	[sflag:s22] =	ssyncadd.s32 $0xFFFFF000  }
0xbe: {  	[spmem:s2] =	stream.indirect.scatter.add.f32 [tilespmem:s23], [sflag:$0x7], $0x20, s29, s17, $0xb8;
	[tilespmem:$0x15D00] =	vst v63  }
0xbf: {  	_ =	swait.ge [sflag:s31], $0x1000  }
0xc0: {  	[sflag:s31] =	ssyncset.done $0x0  }
0xc1: {  	[sflag:s31] =	ssyncadd.s32 $0xFFFFF000  }
0xc2: {  	_ =	swait.ge [sflag:s1], $0x1000  }
0xc3: {  	[sflag:s1] =	ssyncset.done $0x0  }
0xc4: {  	s6 =	simm.s32 $0x9B80;
	[sflag:s1] =	ssyncadd.s32 $0xFFFFF000  }
0xc5: {  	[spmem:s2] =	stream.indirect.scatter.add.f32 [tilespmem:s26], [sflag:$0x7], $0x20, s6, s17, $0xb8;
	[tilespmem:$0x15D00] =	vst v63  }
0xc6: {  	_ =	swait.ge [sflag:s31], $0x1000  }
0xc7: {  	[sflag:s31] =	ssyncset.done $0x0  }
0xc8: {  	[sflag:s31] =	ssyncadd.s32 $0xFFFFF000  }
0xc9: {  	_ =	swait.ge [sflag:s24], $0x1000  }
0xca: {  	[sflag:s24] =	ssyncset.done $0x0  }
0xcb: {  	s29 =	simm.s32 $0x9C00;
	[sflag:s24] =	ssyncadd.s32 $0xFFFFF000  }
0xcc: {  	[spmem:s2] =	stream.indirect.scatter.add.f32 [tilespmem:s30], [sflag:$0x7], $0x20, s29, s17, $0xb8;
	[tilespmem:$0x15D00] =	vst v63  }
0xcd: {  	_ =	swait.ge [sflag:s31], $0x1000  }
0xce: {  	[sflag:s31] =	ssyncset.done $0x0  }
0xcf: {  	[sflag:s31] =	ssyncadd.s32 $0xFFFFF000  }
0xd0: {  	_ =	swait.ge [sflag:s28], $0x1000  }
0xd1: {  	[sflag:s28] =	ssyncset.done $0x0  }
0xd2: {  	s6 =	simm.s32 $0x9C80;
	[sflag:s28] =	ssyncadd.s32 $0xFFFFF000  }
0xd3: {  	[spmem:s2] =	stream.indirect.scatter.add.f32 [tilespmem:s18], [sflag:$0x7], $0x20, s6, s17, $0xb8;
	[tilespmem:$0x15D00] =	vst v63  }
0xd4: {  	_ =	swait.ge [sflag:s31], $0x1000  }
0xd5: {  	s3 =	sadd.s32 $0x1, s3;
	s29 =	stileid.u32;
	[sflag:s31] =	ssyncset.done $0x0  }
0xd6: {  	p0 =	sne.s32 s3, s9;
	s5 =	sshll.u32 s29, $0x6;
	[sflag:s31] =	ssyncadd.s32 $0xFFFFF000  }
.Ltmp2:
0xd7: {  	s5 =	sor.u32 $0x1C08, s5;
	[bflag:$0x0] =	sbarrier.arrive $0xFFFF;
	(pc) =	sbr.rel @p0 .LBB2_1-.Ltmp2, $4  }
0xd8: {  	[hbm:s8], [sflag:s5] =	dma.local [spmem:s25], $0xA00  }
0xd9: {  	_ =	swait.ge [sflag:s15], $0xA00  }
0xda: {  	[sflag:s15] =	ssyncset.done $0x0  }
0xdb: {  	[sflag:s15] =	ssyncadd.s32 $0xFFFFF600  }
0xdc: {  	_ =	sfence.sel $0x180000  }
0xdd: {  	[bflag:$0x0] =	sbarrier.arrive $0xFFFF  }
0xde: {  	_ =	strace $0x9000004D  }
0xdf: {  	s0 =	stileid.u32;
	[bflag:$0x2] =	sbarrier.arrive $0xFFFF  }
0xe0: {  	p0 =	sne.s32 s0, $0x0;
	s0 =	rddreg [dreg:$0x3]  }
0xe1: {  	s0 =	sadd.s32 @!p0 $0x100000, s0  }
0xe2: {  	[sflag:s0] =	ssyncadd.tile.s32 @!p0 $0x1;
	_ =	shalt  }
.Lfunc_end2:
_tile_overlayer_lowered:
.L_overlay_start_2:
0xe3: {  	(tag) =	ssettag $0x2  }
0xe4: {  	s0 =	rddreg [dreg:$0x0];
	s2 =	stileid.u32  }
0xe5: {  	s1 =	rddreg [dreg:$0x1];
	p0 =	sne.s32 s2, $0x0  }
0xe6: {  	s3 =	rddreg [dreg:$0x2];
	[bflag:$0x3] =	sbarrier.arrive $0xFFFF;
	s2 =	simm.s32 @!p0 $0x1C08  }
0xe7: {  	[timem:s3], [sflag:s2] =	dma.local @!p0 [hbm:s0], s1  }
0xe8: {  	s0 =	simm.s32 @!p0 $0x8  }
0xe9: {  	_ =	swait.ge @!p0 [sflag:s0], s1  }
0xea: {  	s1 =	ssub.s32 @!p0 $0x0, s1;
	[sflag:s0] =	ssyncset.done @!p0 $0x0  }
0xeb: {  	[sflag:s0] =	ssyncadd.s32 @!p0 s1  }
0xec: {  	[bflag:$0x3] =	sbarrier.arrive $0xFFFF  }
0xed: {  	_ =	shalt  }

// kernel: kernel.8.cloned.1.call-start
scs
__scs_entry_jumppad:
0x0: {  	(pc) =	sbr.rel $0x88, $3  }
0x1: {  	(tag) =	ssettag $0x0;
	lr =	simm.s32 $0x1  }
0x2: {  	[smem:$0x3F9D] =	sst lr;
	_ =	strace $0xD0000000  }
0x3: {  	_ = 	snop  }
0x4: {  	_ = 	snop  }
0x5: {  	_ = 	snop  }
0x6: {  	_ = 	snop  }
0x7: {  	_ = 	snop  }
__scs_overlays_trampoline_lowered:
0x8: {  	[smem:$0x3FAC] =	sst s0  }
0x9: {  	[smem:$0x3FAD] =	sst s1  }
0xa: {  	[smem:$0x3FAE] =	sst s2  }
0xb: {  	[smem:$0x3FAF] =	sst s3  }
0xc: {  	[smem:$0x3FB0] =	sst s4  }
0xd: {  	[smem:$0x3FB1] =	sst s5  }
0xe: {  	[smem:$0x3FB2] =	sst s6  }
0xf: {  	[smem:$0x3FB3] =	sst s7  }
0x10: {  	[smem:$0x3FB4] =	sst s8  }
0x11: {  	[smem:$0x3FB5] =	sst s9;
	s0 =	simm.s32 @!p0 $0x0  }
0x12: {  	s1 =	sld [smem:$0x3F9B];
	s0 =	simm.s32 @p0 $0x1  }
0x13: {  	[smem:$0x3FB6] =	sst s0;
	s0 =	simm.s32 @!p1 $0x0  }
0x14: {  	s2 =	sld [smem:$0x3F9A];
	s0 =	simm.s32 @p1 $0x1  }
0x15: {  	[smem:$0x3FB7] =	sst s0;
	s0 =	simm.s32 @!p2 $0x0  }
0x16: {  	s3 =	sld [smem:$0x3FDB];
	s0 =	simm.s32 @p2 $0x1  }
0x17: {  	s4 =	simm.s32 $0x1BF5;
	[smem:$0x3FB9] =	sst s0  }
0x18: {  	s0 =	sld [smem:$0x3F9C];
	_ =	swait.ge [sflag:s4], $0x0  }
0x19: {  	s7 =	sld [smem:$0x3F9D]  }
0x1a: {  	s8 =	sadd.s32 $0xFFFFE003, lr  }
0x1b: {  	s9 =	sadd.s32 $0xFFFFFEF7, lr;
	s5 =	simm.s32 $0xFFFFFFFF;
	p2 =	slt.u32 s8, $0xFFFFF086  }
0x1c: {  	p1 =	slt.u32 s9, $0xF7A;
	s5 =	simm.s32 @!p2 $0x0  }
0x1d: {  	s5 =	simm.s32 @p1 $0x1;
	p0 =	seq.s32 s7, s2  }
0x1e: {  	s7 =	smul.u32 @!p0 $0xF7A, s2;
	p2 =	seq.s32 @!p0 s5, $0x0  }
0x1f: {  	s9 =	smul.u32 $0xF7A, s1;
	s8 =	simm.s32 @!p0 $0x1BF5;
	p2 =	por !p2, p0  }
0x20: {  	[sflag:s8] =	ssyncset.s32 @!p0 $0xFFFFF086;
	s6 =	sadd.s32 @!p0 s3, s7;
	s7 =	simm.s32 @!p0 $0x108  }
0x21: {  	s3 =	sadd.s32 s3, s9;
	s6 =	sadd.s32 @!p0 $0x88, s6;
	s7 =	simm.s32 @p2 $0x1082  }
0x22: {  	[simem:s7], [sflag:s8] =	dma.local @!p0 [hbm:s6], $0xF7A  }
0x23: {  	s9 =	sor.u32 $0xD0000000, s2;
	s6 =	simm.s32 $0x108;
	_ =	swait.ge @!p0 [sflag:s8], $0x0  }
0x24: {  	s3 =	sadd.s32 $0x88, s3;
	s6 =	simm.s32 @!p1 $0x1082;
	[sflag:s4] =	ssyncset.s32 $0xFFFFF086  }
0x25: {  	[simem:s6], [sflag:s4] =	dma.local [hbm:s3], $0xF7A  }
0x26: {  	[smem:$0x3F9D] =	sst s1;
	(tag) =	ssettag s2;
	_ =	strace s9  }
0x27: {  	s1 =	sld [smem:$0x3FAD]  }
0x28: {  	s2 =	sld [smem:$0x3FAE]  }
0x29: {  	s4 =	sld [smem:$0x3FB0]  }
0x2a: {  	p0 =	seq.s32 s5, $0x0;
	s5 =	sld [smem:$0x3FB1]  }
0x2b: {  	s6 =	sld [smem:$0x3FB2]  }
0x2c: {  	s7 =	sld [smem:$0x3FB3]  }
0x2d: {  	s3 =	simm.s32 $0x108;
	s8 =	sld [smem:$0x3FB4]  }
0x2e: {  	s3 =	simm.s32 @!p0 $0x1082;
	s9 =	sld [smem:$0x3FB5]  }
0x2f: {  	lr =	sadd.s32 s0, s3;
	s0 =	sld [smem:$0x3FAC]  }
0x30: {  	s3 =	sld [smem:$0x3FAF]  }
0x31: {  	[smem:$0x3FB8] =	sst s10  }
0x32: {  	s10 =	sld [smem:$0x3FB6];
	_ =	sdelay $0x3  }
0x33: {  	p0 =	seq.s32 s10, $0x1;
	s10 =	sld [smem:$0x3FB8];
	_ =	sdelay $0x3  }
0x34: {  	[smem:$0x3FB8] =	sst s10  }
0x35: {  	s10 =	sld [smem:$0x3FB7];
	_ =	sdelay $0x3  }
0x36: {  	p1 =	seq.s32 s10, $0x1;
	s10 =	sld [smem:$0x3FB8];
	_ =	sdelay $0x3  }
0x37: {  	[smem:$0x3FB8] =	sst s10  }
0x38: {  	s10 =	sld [smem:$0x3FB9]  }
0x39: {  	_ = 	snop;
	(pc) =	sbr.ind lr, $3  }
0x3a: {  	_ = 	snop  }
0x3b: {  	_ = 	snop  }
0x3c: {  	p2 =	seq.s32 s10, $0x1;
	s10 =	sld [smem:$0x3FB8]  }
0x3d: {  	_ =	shalt  }
0x3e: {  	_ =	shalt  }
0x3f: {  	_ =	shalt  }
0x40: {  	_ =	shalt  }
0x41: {  	_ =	shalt  }
0x42: {  	_ =	shalt  }
0x43: {  	_ =	shalt  }
0x44: {  	_ =	shalt  }
0x45: {  	_ =	shalt  }
0x46: {  	_ =	shalt  }
0x47: {  	_ =	shalt  }
0x48: {  	_ =	shalt  }
0x49: {  	_ =	shalt  }
0x4a: {  	_ =	shalt  }
0x4b: {  	_ =	shalt  }
0x4c: {  	_ =	shalt  }
0x4d: {  	_ =	shalt  }
0x4e: {  	_ =	shalt  }
0x4f: {  	_ =	shalt  }
0x50: {  	_ =	shalt  }
0x51: {  	_ =	shalt  }
0x52: {  	_ =	shalt  }
0x53: {  	_ =	shalt  }
0x54: {  	_ =	shalt  }
0x55: {  	_ =	shalt  }
0x56: {  	_ =	shalt  }
0x57: {  	_ =	shalt  }
0x58: {  	_ =	shalt  }
0x59: {  	_ =	shalt  }
0x5a: {  	_ =	shalt  }
0x5b: {  	_ =	shalt  }
0x5c: {  	_ =	shalt  }
0x5d: {  	_ =	shalt  }
0x5e: {  	_ =	shalt  }
0x5f: {  	_ =	shalt  }
0x60: {  	_ =	shalt  }
0x61: {  	_ =	shalt  }
0x62: {  	_ =	shalt  }
0x63: {  	_ =	shalt  }
0x64: {  	_ =	shalt  }
0x65: {  	_ =	shalt  }
0x66: {  	_ =	shalt  }
0x67: {  	_ =	shalt  }
0x68: {  	_ =	shalt  }
0x69: {  	_ =	shalt  }
0x6a: {  	_ =	shalt  }
0x6b: {  	_ =	shalt  }
0x6c: {  	_ =	shalt  }
0x6d: {  	_ =	shalt  }
0x6e: {  	_ =	shalt  }
0x6f: {  	_ =	shalt  }
0x70: {  	_ =	shalt  }
0x71: {  	_ =	shalt  }
0x72: {  	_ =	shalt  }
0x73: {  	_ =	shalt  }
0x74: {  	_ =	shalt  }
0x75: {  	_ =	shalt  }
0x76: {  	_ =	shalt  }
0x77: {  	_ =	shalt  }
0x78: {  	_ =	shalt  }
0x79: {  	_ =	shalt  }
0x7a: {  	_ =	shalt  }
0x7b: {  	_ =	shalt  }
0x7c: {  	_ =	shalt  }
0x7d: {  	_ =	shalt  }
0x7e: {  	_ =	shalt  }
0x7f: {  	_ =	shalt  }
0x80: {  	_ =	shalt  }
0x81: {  	_ =	shalt  }
0x82: {  	_ =	shalt  }
0x83: {  	_ =	shalt  }
0x84: {  	_ =	shalt  }
0x85: {  	_ =	shalt  }
0x86: {  	_ =	shalt  }
0x87: {  	_ =	shalt  }
.Lfunc_end0:
.L_simem_size_0:
called_computation_lowered:
.L_overlay_start_0:
0x88: {  	s2 =	sld [smem:$0x3FD9]  }
0x89: {  	s3 =	sld [smem:$0x3FFE];
	_ =	sdelay $0x1  }
0x8a: {  	s1 =	srdreg.scid  }
0x8b: {  	s0 =	sand.u32 $0x1, s1  }
0x8c: {  	s17 =	sshll.u32 s0, $0xA;
	s2 =	sadd.s32 s3, s2  }
0x8d: {  	s2 =	sadd.s32 s2, s17  }
0x8e: {  	[smem:$0x3FC4] =	sst s2  }
0x8f: {  	_ = 	snop  }
0x90: {  	s2 =	sld [smem:$0x3FD0];
	(tm) =	ssettm $0x1  }
0x91: {  	s18 =	sld [smem:$0x3FFB];
	_ =	sdelay $0x3  }
0x92: {  	_ =	strace s18  }
0x93: {  	s3 =	sld [smem:$0x3FFC];
	_ =	sdelay $0x3  }
0x94: {  	_ =	strace s3  }
0x95: {  	s3 =	sld [smem:$0x3FFD];
	_ =	sdelay $0x3  }
0x96: {  	_ =	strace s3  }
0x97: {  	_ =	strace $0x8FFFFFFF  }
0x98: {  	s19 =	sld [smem:$0x3FDB];
	_ =	sdelay $0x1  }
0x99: {  	s4 =	simm.s32 $_scs_section_size  }
0x9a: {  	s5 =	simm.s32 $_size__tile_overlayer_lowered;
	s6 =	simm.s32 $_tile_overlayer_lowered  }
0x9b: {  	s22 =	simm.s32 $0x1BFF;
	s21 =	sshll.u32 s6, $0x1;
	s3 =	sadd.s32 s4, s19  }
0x9c: {  	s7 =	simm.s32 $0x0;
	s20 =	sshll.u32 s5, $0x1;
	s5 =	sadd.s32 s21, s3  }
0x9d: {  	[timem:s7], [sflag:s22] =	dma.local [hbm:s5], s20  }
0x9e: {  	_ =	swait.ge [sflag:s22], s20  }
0x9f: {  	s4 =	ssub.s32 $0x0, s20;
	[sflag:s22] =	ssyncset.done $0x0  }
0xa0: {  	[sflag:s22] =	ssyncadd.s32 s4;
	_ =	sdelay $0x1  }
0xa1: {  	s23 =	simm.s32 $0x1B8B  }
0xa2: {  	_ =	swait.ge [sflag:s23], $0x1  }
0xa3: {  	[sflag:s23] =	ssyncset.done $0x0  }
0xa4: {  	s25 =	simm.s32 $0x1B8E;
	s24 =	sld [smem:$0x3FFE];
	[sflag:s23] =	ssyncadd.s32 $0xFFFFFFFF  }
0xa5: {  	s26 =	simm.s32 $execute0_lowered;
	[smem:$0x3FD2] =	sst s25  }
0xa6: {  	s5 =	sshll.u32 s26, $0x1;
	_ =	strace $0x80000046;
	[dreg:$0x1] =	wrdreg $0xFFFFFFFF  }
0xa7: {  	s28 =	simm.s32 $_size_execute0_lowered;
	s3 =	sadd.s32 s3, s5;
	[dreg:$0x0] =	wrdreg $0x0  }
0xa8: {  	s5 =	sshll.u32 s28, $0x1;
	[dreg:$0x2] =	wrdreg s3  }
0xa9: {  	[dreg:$0x3] =	wrdreg s5  }
0xaa: {  	[dreg:$0x4] =	wrdreg $0xC0  }
0xab: {  	_ =	task [dreg:s7], $0x5FFFF  }
0xac: {  	[dreg:$0x1] =	wrdreg $0xFFFFFFFF  }
0xad: {  	[dreg:$0x0] =	wrdreg $0x60  }
0xae: {  	[dreg:$0x2] =	wrdreg s2  }
0xaf: {  	[dreg:$0x3] =	wrdreg s24  }
0xb0: {  	[dreg:$0x4] =	wrdreg $0x53000  }
0xb1: {  	[dreg:$0x5] =	wrdreg $0x9  }
0xb2: {  	_ =	task.clear_ibuf [dreg:s7], $0x6FFFF;
	_ =	strace $0x90000046  }
0xb3: {  	s29 =	simm.s32 $0x9;
	_ =	strace $0x80000048  }
0xb4: {  	_ =	swait.ge [sflag:s29], $0x1  }
0xb5: {  	[sflag:s29] =	ssyncadd.s32 $0xFFFFFFFF  }
0xb6: {  	_ =	strace $0x90000048  }
0xb7: {  	_ =	sfence  }
0xb8: {  	s30 =	sld [smem:$0x0];
	_ =	sdelay $0x2  }
0xb9: {  	s31 =	sshll.u32 s1, $0xD;
	s1 =	sshrl.u32 s1, $0x2  }
0xba: {  	s3 =	sand.u32 $0x4000, s31;
	s1 =	sadd.s32 s1, s30  }
0xbb: {  	s0 =	sor.u32 s3, s0;
	s1 =	sshll.u32 s1, $0x11  }
0xbc: {  	s0 =	sor.u32 s1, s0  }
0xbd: {  	s0 =	sadd.s32 $0x8F2B, s0  }
0xbe: {  	[sflag:s0] =	ssyncadd.remote.s32 $0x1  }
0xbf: {  	_ =	sfence.sel $0xFFFF  }
0xc0: {  	[dreg:$0x0] =	wrdreg $0xFFFFFFFF;
	(pc) =	sbr.abs _section_cstart, $3  }
0xc1: {  	[dreg:$0x1] =	wrdreg $0xFFFFFFFF  }
0xc2: {  	_ =	task.clear_ibuf [dreg:s7], $0x2FFFF;
	_ =	strace $0x9FFFFFFF  }
0xc3: {  	(tm) =	ssettm $0x7FFFFFFF  }
tec
execute0_lowered:
.L_overlay_start_1:
0x0: {  	(tag) =	ssettag $0x1  }
0x1: {  	s5 =	rddreg [dreg:$0x0]  }
0x2: {  	s4 =	rddreg [dreg:$0x1]  }
0x3: {  	s2 =	rddreg [dreg:$0x2]  }
0x4: {  	s0 =	rddreg [dreg:$0x3]  }
0x5: {  	s6 =	srdreg.scid;
	s1 =	stileid.u32  }
0x6: {  	s3 =	simm.s32 $0x0;
	s13 =	simm.s32 $0x5000;
	s16 =	simm.s32 $0x20  }
0x7: {  	s17 =	simm.s32 $0x10;
	s18 =	simm.s32 $0x0;
	s7 =	smul.u32 $0x500, s1  }
0x8: {  	s6 =	sand.u32 $0x1, s6;
	[smem:$0x7FF] =	sst s3;
	s29 =	smul.u32 $0xA00, s1  }
0x9: {  	s14 =	sshll.u32 s1, $0x6;
	s8 =	sshll.u32 s6, $0x7;
	s10 =	smul.u32 $0x4F, s6  }
0xa: {  	_ =	strace $0x80000047;
	s9 =	ssub.s32 $0x2, s6;
	s12 =	smul.u32 $0x9E00, s6  }
0xb: {  	s14 =	sor.u32 $0x1C01, s14;
	s7 =	sor.u32 s8, s7;
	s30 =	sshrl.u32 s9, $0x1  }
0xc: {  	s11 =	sshrl.u32 s29, $0x2;
	s5 =	sadd.s32 s5, s29;
	s7 =	sshrl.u32 s7, $0x3  }
.Ltmp0:
0xd: {  	s9 =	ssub.s32 s9, s30;
	s31 =	smin.u32 s10, $0x4E;
	(pc) =	sbr.rel .LBB2_1-.Ltmp0, $4  }
0xe: {  	s7 =	sadd.s32 s7, s4;
	s4 =	sadd.s32 s11, s2;
	s11 =	sadd.s32 $0x4F, s31  }
0xf: {  	s6 =	sadd.s32 $0xB200, s7;
	s7 =	smax.u32 s9, $0x1;
	s8 =	ssub.s32 s11, s10  }
0x10: {  	s9 =	sshrl.u32 s12, $0x2;
	p0 =	sge.u32 s10, s11;
	s10 =	simm.s32 $0x5080  }
0x11: {  	v0 =	vimm.f32 $1.000000000e+00;
	v1 =	vimm.f32 $0.0e+00;
	s11 =	simm.s32 $0x1;
	s12 =	simm.s32 $0x80;
	s15 =	sshrl.u32 s4, $0x3  }
.LBB2_4:
0x12: {  	[sflag:s11] =	ssyncadd.s32 $0xFFFFFF80  }
.LBB2_5:
0x13: {  	s18 =	sadd.s32 $0x1, s18  }
0x14: {  	p1 =	sne.s32 s18, s7  }
.Ltmp1:
0x15: {  	[bflag:$0x0] =	sbarrier.arrive $0xFFFF;
	(pc) =	sbr.rel @!p1 .LBB2_6-.Ltmp1, $4  }
0x16: {  	[hbm:s6@s16], [sflag:s14] =	dma.strided [spmem:s15@s17], $0x50, s11, $0x10   }
0x17: {  	_ =	swait.ge [sflag:s11], $0x50  }
0x18: {  	[sflag:s11] =	ssyncset.done $0x0  }
0x19: {  	[sflag:s11] =	ssyncadd.s32 $0xFFFFFFB0  }
.LBB2_1:
0x1a: {  	[tilespmem:$0x5000] =	vst v0  }
0x1b: {  	[tilespmem:$0x5010] =	vst v0  }
0x1c: {  	[tilespmem:$0x5020] =	vst v0  }
0x1d: {  	[tilespmem:$0x5030] =	vst v0  }
0x1e: {  	[tilespmem:$0x5040] =	vst v0  }
0x1f: {  	[tilespmem:$0x5050] =	vst v0  }
0x20: {  	[tilespmem:$0x5060] =	vst v0  }
0x21: {  	[tilespmem:$0x5070] =	vst v0  }
0x22: {  	[tilespmem:$0x5080] =	vst v1  }
0x23: {  	[tilespmem:$0x5090] =	vst v1  }
0x24: {  	[tilespmem:$0x50A0] =	vst v1  }
0x25: {  	[tilespmem:$0x50B0] =	vst v1  }
0x26: {  	[tilespmem:$0x50C0] =	vst v1  }
0x27: {  	[tilespmem:$0x50D0] =	vst v1  }
0x28: {  	[tilespmem:$0x50E0] =	vst v1  }
0x29: {  	[tilespmem:$0x50F0] =	vst v1  }
0x2a: {  	[tilespmem:$0x5100] =	vst v1  }
0x2b: {  	[tilespmem:$0x5110] =	vst v1  }
0x2c: {  	[tilespmem:$0x5120] =	vst v1  }
0x2d: {  	[tilespmem:$0x5130] =	vst v1  }
0x2e: {  	[tilespmem:$0x5140] =	vst v1  }
0x2f: {  	[tilespmem:$0x5150] =	vst v1  }
0x30: {  	[tilespmem:$0x5160] =	vst v1  }
0x31: {  	[tilespmem:$0x5170] =	vst v1  }
0x32: {  	[tilespmem:$0x5180] =	vst v1  }
0x33: {  	[tilespmem:$0x5190] =	vst v1  }
0x34: {  	[tilespmem:$0x51A0] =	vst v1  }
0x35: {  	[tilespmem:$0x51B0] =	vst v1  }
0x36: {  	[tilespmem:$0x51C0] =	vst v1  }
0x37: {  	[tilespmem:$0x51D0] =	vst v1  }
0x38: {  	[tilespmem:$0x51E0] =	vst v1  }
0x39: {  	[tilespmem:$0x51F0] =	vst v1  }
0x3a: {  	[tilespmem:$0x5200] =	vst v1  }
0x3b: {  	[tilespmem:$0x5210] =	vst v1  }
0x3c: {  	[tilespmem:$0x5220] =	vst v1  }
0x3d: {  	[tilespmem:$0x5230] =	vst v1  }
0x3e: {  	[tilespmem:$0x5240] =	vst v1  }
0x3f: {  	[tilespmem:$0x5250] =	vst v1  }
0x40: {  	[tilespmem:$0x5260] =	vst v1  }
0x41: {  	[tilespmem:$0x5270] =	vst v1  }
0x42: {  	[tilespmem:$0x5280] =	vst v1  }
0x43: {  	[tilespmem:$0x5290] =	vst v1  }
0x44: {  	[tilespmem:$0x52A0] =	vst v1  }
0x45: {  	[tilespmem:$0x52B0] =	vst v1  }
0x46: {  	[tilespmem:$0x52C0] =	vst v1  }
0x47: {  	[tilespmem:$0x52D0] =	vst v1  }
0x48: {  	[tilespmem:$0x52E0] =	vst v1  }
0x49: {  	[tilespmem:$0x52F0] =	vst v1  }
0x4a: {  	[spmem:s4] =	stream.linear.scatter [tilespmem:s10], [sflag:$0x1], $0x280, $0x38;
	[tilespmem:$0x5580] =	vst v63  }
0x4b: {  	_ =	swait.ge [sflag:s11], $0x280  }
0x4c: {  	[sflag:s11] =	ssyncset.done $0x0  }
0x4d: {  	[sflag:s11] =	ssyncadd.s32 $0xFFFFFD80  }
.Ltmp2:
0x4e: {  	[bflag:$0x0] =	sbarrier.arrive $0xFFFF;
	(pc) =	sbr.rel @p0 .LBB2_5-.Ltmp2, $4  }
0x4f: {  	[tilespmem:s3], [sflag:$0x1] =	stream.linear.gather [hbm4b:s5+s3], $0x4E80, $0x38;
	[tilespmem:$0x5580] =	vst v63  }
0x50: {  	_ =	swait.ge [sflag:s11], $0x4E80  }
0x51: {  	[sflag:s11] =	ssyncset.done $0x0  }
0x52: {  	[sflag:s11] =	ssyncadd.s32 $0xFFFFB180  }
0x53: {  	p1 =	sne.s32 s8, $0x1  }
.Ltmp3:
0x54: {  	_ = 	snop;
	(pc) =	sbr.rel @!p1 .LBB2_4-.Ltmp3, $4  }
0x55: {  	_ = 	snop  }
0x56: {  	[spmem:s2] =	stream.indirect.scatter.add.f32 [tilespmem:s13], [sflag:$0x1], $0x1, s9, s12, $0xb8;
	[tilespmem:$0x5580] =	vst v63  }
0x57: {  	_ =	swait.ge [sflag:s11], $0x80  }
0x58: {  	s19 =	sadd.s32 $0xFFFFFFFF, s8;
	s20 =	smov.u32 s9;
	[sflag:s11] =	ssyncset.done $0x0  }
.LBB2_3:
0x59: {  	p1 =	sne.s32 s19, $0x1;
	[sflag:s11] =	ssyncadd.s32 $0xFFFFFF80;
	s20 =	sadd.s32 $0x80, s20  }
.Ltmp4:
0x5a: {  	s19 =	sadd.s32 $0xFFFFFFFF, s19;
	(pc) =	sbr.rel @p1 .LBB2_3-.Ltmp4, $4  }
0x5b: {  	_ = 	snop  }
0x5c: {  	[spmem:s2] =	stream.indirect.scatter.add.f32 [tilespmem:s13], [sflag:$0x1], $0x1, s20, s12, $0xb8;
	[tilespmem:$0x5580] =	vst v63  }
0x5d: {  	_ =	swait.ge [sflag:s11], $0x80  }
0x5e: {  	[sflag:s11] =	ssyncset.done $0x0  }
.Ltmp5:
0x5f: {  	_ = 	snop;
	(pc) =	sbr.rel .LBB2_4-.Ltmp5, $1  }
0x60: {  	_ =	sdelay $0x3  }
.LBB2_6:
0x61: {  	_ =	sfence.sel $0x180000  }
0x62: {  	[bflag:$0x0] =	sbarrier.arrive $0xFFFF  }
0x63: {  	p0 =	sne.s32 s1, $0x0;
	_ =	strace $0x90000047  }
0x64: {  	s0 =	sadd.s32 @!p0 $0x100000, s0;
	[bflag:$0x2] =	sbarrier.arrive $0xFFFF  }
0x65: {  	[sflag:s0] =	ssyncadd.tile.s32 @!p0 $0x1;
	_ =	shalt  }
.Lfunc_end2:
_tile_overlayer_lowered:
.L_overlay_start_2:
0x66: {  	(tag) =	ssettag $0x2  }
0x67: {  	s0 =	rddreg [dreg:$0x0];
	s2 =	stileid.u32  }
0x68: {  	s1 =	rddreg [dreg:$0x1];
	p0 =	sne.s32 s2, $0x0  }
0x69: {  	s3 =	rddreg [dreg:$0x2];
	[bflag:$0x3] =	sbarrier.arrive $0xFFFF;
	s2 =	simm.s32 @!p0 $0x1C01  }
0x6a: {  	[timem:s3], [sflag:s2] =	dma.local @!p0 [hbm:s0], s1  }
0x6b: {  	s0 =	simm.s32 @!p0 $0x1  }
0x6c: {  	_ =	swait.ge @!p0 [sflag:s0], s1  }
0x6d: {  	s1 =	ssub.s32 @!p0 $0x0, s1;
	[sflag:s0] =	ssyncset.done @!p0 $0x0  }
0x6e: {  	[sflag:s0] =	ssyncadd.s32 @!p0 s1  }
0x6f: {  	[bflag:$0x3] =	sbarrier.arrive $0xFFFF  }
0x70: {  	_ =	shalt  }

</sc_bundles>
